<compile_context>
chip_gen: v7x
topology: tpu7x:2x2x1
jax: 0.10.2.dev20260603
libtpu: 0.0.44.dev20260713+nightly
codegen_flags: <defaults>
</compile_context>

<pallas_src>
import functools

import jax
import jax.numpy as jnp
from jax import lax
from jax.experimental import pallas as pl
from jax.experimental.pallas import tpu as pltpu
from jax.experimental.pallas import tpu_sc as plsc

N = 10000
E = 320000
D = 128
K = 2500
KP = 2560
NKT = KP // 128
BI = 400
NBI = N // BI
NW = 32
EPW = E // NW
EB = 80
NB_E = EPW // EB
NACC = 10240
RPT = NACC // 16
CT = 640
NCT = KP // CT


def _assoc_body(h_ref, xrep_ref, s2d_ref, st_ref, out_ref):
    i = pl.program_id(0)
    hb = h_ref[...]
    xr = xrep_ref[...]
    logits = lax.dot_general(hb, xr, (((1,), (1,)), ((), ())),
                             preferred_element_type=jnp.float32)
    colmask = lax.broadcasted_iota(jnp.int32, (BI, KP), 1) < K
    lm = jnp.where(colmask, logits, -jnp.inf)
    m = jnp.max(lm, axis=1, keepdims=True)
    e = jnp.where(colmask, jnp.exp(logits - m), 0.0)
    z = jnp.sum(e, axis=1, keepdims=True)
    p = e / z
    s2d_ref[...] = p
    for kt in range(NKT):
        st_ref[kt] = p[:, kt * 128:(kt + 1) * 128]

    @pl.when(i == 0)
    def _():
        out_ref[...] = jnp.zeros_like(out_ref)

    out_ref[...] += lax.dot_general(p, hb, (((0,), (0,)), ((), ())),
                                    preferred_element_type=jnp.float32)


def _assoc(h, xrep_pad):
    return pl.pallas_call(
        _assoc_body,
        grid=(NBI,),
        in_specs=[
            pl.BlockSpec((BI, D), lambda i: (i, 0)),
            pl.BlockSpec((KP, D), lambda i: (0, 0)),
        ],
        out_specs=[
            pl.BlockSpec((BI, KP), lambda i: (i, 0)),
            pl.BlockSpec((NKT, BI, 128), lambda i: (0, i, 0)),
            pl.BlockSpec((KP, D), lambda i: (0, 0)),
        ],
        out_shape=[
            jax.ShapeDtypeStruct((N, KP), jnp.float32),
            jax.ShapeDtypeStruct((NKT, N, 128), jnp.float32),
            jax.ShapeDtypeStruct((KP, D), jnp.float32),
        ],
    )(h, xrep_pad)


def _t_kernel_body(sflat, src_hbm, dst_hbm, zeros_hbm, out_hbm,
                   srclist, dstlist, idx0, idx1, rows0, rows1, acc,
                   sem0, sem1):
    c = lax.axis_index("c")
    s = lax.axis_index("s")
    w = c * 16 + s

    pltpu.sync_copy(src_hbm.at[w], srclist)
    pltpu.sync_copy(dst_hbm.at[w], dstlist)

    bufs = ((idx0, rows0, sem0), (idx1, rows1, sem1))

    def issue_gather(kt, b, j):
        idxb, rows, sem = bufs[j]
        off = kt * N

        def add_off(u, _):
            idxb[pl.ds(u * 16, 16)] = srclist[pl.ds(b * EB + u * 16, 16)] + off
            return 0

        lax.fori_loop(0, EB // 16, add_off, 0)
        pltpu.async_copy(sflat.at[idxb], rows, sem)

    def kt_body(kt, _):
        pltpu.sync_copy(zeros_hbm, acc.at[pl.ds(s * RPT, RPT)])
        plsc.subcore_barrier()
        issue_gather(kt, 0, 0)

        def pair_body(i, _):
            for j in (0, 1):
                b = 2 * i + j
                idxb, rows, sem = bufs[j]

                @pl.when(b < NB_E)
                def _():
                    pltpu.make_async_copy(sflat.at[idxb], rows, sem).wait()

                    @pl.when(b + 1 < NB_E)
                    def _():
                        issue_gather(kt, b + 1, 1 - j)

                    pltpu.sync_copy(rows, acc.at[dstlist.at[b]], add=True)
            return 0

        lax.fori_loop(0, (NB_E + 1) // 2, pair_body, 0)
        plsc.subcore_barrier()

        @pl.when(s < 15)
        def _():
            pltpu.sync_copy(acc.at[pl.ds(s * RPT, RPT)],
                            out_hbm.at[c, kt, pl.ds(s * RPT, RPT)])

        @pl.when(s == 15)
        def _():
            pltpu.sync_copy(acc.at[pl.ds(15 * RPT, N - 15 * RPT)],
                            out_hbm.at[c, kt, pl.ds(15 * RPT, N - 15 * RPT)])

        plsc.subcore_barrier()
        return 0

    lax.fori_loop(0, NKT, kt_body, 0)


def _segment_sum_sc(s_flat, src2d, dst2d, zeros_pad):
    mesh = plsc.VectorSubcoreMesh(core_axis_name="c", subcore_axis_name="s")
    fn = functools.partial(
        pl.kernel,
        out_type=jax.ShapeDtypeStruct((2, NKT, N, 128), jnp.float32),
        mesh=mesh,
        scratch_types=[
            pltpu.VMEM((EPW,), jnp.int32),
            pltpu.VMEM((NB_E, EB), jnp.int32),
            pltpu.VMEM((EB,), jnp.int32),
            pltpu.VMEM((EB,), jnp.int32),
            pltpu.VMEM((EB, 128), jnp.float32),
            pltpu.VMEM((EB, 128), jnp.float32),
            pltpu.VMEM_SHARED((NACC, 128), jnp.float32),
            pltpu.SemaphoreType.DMA,
            pltpu.SemaphoreType.DMA,
        ],
    )(_t_kernel_body)
    return fn(s_flat, src2d, dst2d, zeros_pad)


def _adj_body(s2d_ref, t0_ref, t1_ref, adj_ref):
    i = pl.program_id(1)

    @pl.when(i == 0)
    def _():
        adj_ref[...] = jnp.zeros_like(adj_ref)

    sb = s2d_ref[...].astype(jnp.bfloat16)
    for j in range(CT // 128):
        tj = (t0_ref[0, j] + t1_ref[0, j]).astype(jnp.bfloat16)
        adj_ref[:, j * 128:(j + 1) * 128] += lax.dot_general(
            sb, tj, (((0,), (0,)), ((), ())),
            preferred_element_type=jnp.float32)


def _adj(s2d, tpart):
    return pl.pallas_call(
        _adj_body,
        grid=(NCT, NBI),
        in_specs=[
            pl.BlockSpec((BI, KP), lambda ct, i: (i, 0)),
            pl.BlockSpec((1, CT // 128, BI, 128), lambda ct, i: (0, ct, i, 0)),
            pl.BlockSpec((1, CT // 128, BI, 128), lambda ct, i: (1, ct, i, 0)),
        ],
        out_specs=pl.BlockSpec((KP, CT), lambda ct, i: (0, ct)),
        out_shape=jax.ShapeDtypeStruct((KP, KP), jnp.float32),
    )(s2d, tpart, tpart)


def kernel(x, edge_index, gcn_weight, gcn_bias, select_weight):
    src, dst = edge_index[0], edge_index[1]

    loop = jnp.arange(N, dtype=edge_index.dtype)
    src2 = jnp.concatenate([src, loop])
    dst2 = jnp.concatenate([dst, loop])
    deg = jnp.zeros((N,), jnp.float32).at[dst2].add(1.0)
    dinv = jax.lax.rsqrt(jnp.maximum(deg, 1e-12))
    norm = dinv[src2] * dinv[dst2]
    h = x @ gcn_weight
    h = jax.ops.segment_sum(h[src2] * norm[:, None], dst2,
                            num_segments=N) + gcn_bias
    score = jnp.tanh(h @ select_weight / jnp.linalg.norm(select_weight))
    vals, perm = jax.lax.top_k(score, K)
    xrep = h[perm] * vals[:, None]
    xrep_pad = jnp.zeros((KP, D), jnp.float32).at[:K].set(xrep)

    s2d, s_tiled, out_pad = _assoc(h, xrep_pad)

    s_flat = s_tiled.reshape(NKT * N, 128)
    src2d = src.reshape(NW, EPW)
    dst2d = dst.reshape(NW, NB_E, EB)
    zeros_pad = jnp.zeros((RPT, 128), jnp.float32)
    tpart = _segment_sum_sc(s_flat, src2d, dst2d, zeros_pad)

    adj_pad = _adj(s2d, tpart)

    out = out_pad[:K]
    adj_pooled = adj_pad[:K, :K]
    S = s2d[:, :K]
    return out, adj_pooled, S

# --- scband reference (transcript-rebuilt; emitter-appended) ---
"""Pipeline reference for scband-spapooling-49426483642536 (READ-ONLY COPY).

The authoritative reference and input builder live on the scoring server;
editing this copy changes nothing except your own understanding.
"""

import jax, jax.numpy as jnp
import numpy as np

N = 10000
E = 320000
D = 128
RATIO = 0.25
K = int(RATIO * N)


def setup_inputs(seed: int = 0) -> dict:
    key = jax.random.key(seed)
    k1, k2, k3, k4 = jax.random.split(key, 4)
    x = jax.random.normal(k1, (N, D), dtype=jnp.float32)
    edge_index = jax.random.randint(k2, (2, E), 0, N, dtype=jnp.int32)
    # Learned parameters: GCNConv embedding layer (n_feature -> n_feature)
    gcn_weight = jax.random.normal(k3, (D, D), dtype=jnp.float32) / np.sqrt(D)
    gcn_bias = jnp.zeros((D,), dtype=jnp.float32)
    # SelectTopK learnable projection vector (in_channels -> 1)
    select_weight = jax.random.normal(k4, (D,), dtype=jnp.float32) / np.sqrt(D)
    return {"x": x, "edge_index": edge_index, "gcn_weight": gcn_weight,
            "gcn_bias": gcn_bias, "select_weight": select_weight}


def reference(x, edge_index, gcn_weight, gcn_bias, select_weight):
    src, dst = edge_index[0], edge_index[1]
    # --- (1) GCNConv embedding with self loops + symmetric normalization ---
    loop = jnp.arange(N, dtype=edge_index.dtype)
    src2 = jnp.concatenate([src, loop])
    dst2 = jnp.concatenate([dst, loop])
    deg = jnp.zeros((N,), jnp.float32).at[dst2].add(1.0)
    dinv = jax.lax.rsqrt(jnp.maximum(deg, 1e-12))
    norm = dinv[src2] * dinv[dst2]
    h = x @ gcn_weight
    h = jax.ops.segment_sum(h[src2] * norm[:, None], dst2, num_segments=N) + gcn_bias
    # --- (2) SelectTopK: learned projection score, tanh activation, top-k ---
    score = jnp.tanh(h @ select_weight / jnp.linalg.norm(select_weight))
    vals, perm = jax.lax.top_k(score, K)
    xrep = h[perm] * vals[:, None]
    # --- (3) AssociationModule (mode='scalar'): S = softmax(X @ Xrep^T) ---
    S = jax.nn.softmax(h @ xrep.T, axis=-1)
    # Coarsened features: O = S^T X
    out = S.T @ h
    # Pooled adjacency: A' = S^T A S, computed sparsely via the edge list
    T = jax.ops.segment_sum(S[src], dst, num_segments=N)
    adj_pooled = S.T @ T
    return out, adj_pooled, S

if __name__ == "__main__":
    import jax
    _d = setup_inputs()
    print(jax.jit(kernel)(*tuple(_d.values())))

</pallas_src>

<mosaic_0001>
#map = affine_map<(d0, d1) -> (0, 0)>
#map1 = affine_map<(d0, d1) -> (0, 0, 0)>
#map2 = affine_map<(d0, d1) -> (0, 0, 0, 0)>
module attributes {stable_mosaic.version = 14 : i64} {
  func.func @_t_kernel_body(%arg0: i32, %arg1: i32, %arg2: memref<200000x128xf32, #tpu.memory_space<hbm>>, %arg3: memref<32x10000xi32, #tpu.memory_space<hbm>>, %arg4: memref<32x125x80xi32, #tpu.memory_space<hbm>>, %arg5: memref<640x128xf32, #tpu.memory_space<hbm>>, %arg6: memref<2x20x10000x128xf32, #tpu.memory_space<hbm>>, %arg7: memref<10000xi32, #tpu.memory_space<vmem>>, %arg8: memref<125x80xi32, #tpu.memory_space<vmem>>, %arg9: memref<80xi32, #tpu.memory_space<vmem>>, %arg10: memref<80xi32, #tpu.memory_space<vmem>>, %arg11: memref<80x128xf32, #tpu.memory_space<vmem>>, %arg12: memref<80x128xf32, #tpu.memory_space<vmem>>, %arg13: memref<10240x128xf32, #tpu.memory_space<vmem_shared>>, %arg14: memref<!tpu.dma_semaphore, #tpu.memory_space<semaphore_mem>>, %arg15: memref<!tpu.dma_semaphore, #tpu.memory_space<semaphore_mem>>) attributes {dimension_semantics = [#tpu.dimension_semantics<core_parallel>, #tpu.dimension_semantics<subcore_parallel>], iteration_bounds = array<i64: 2, 16>, scalar_prefetch = 0 : i64, scratch_operands = 9 : i64, tpu.core_type = #tpu.core_type<sc_vector_subcore>, window_params = [{transform_indices = #map}, {transform_indices = #map}, {transform_indices = #map1}, {transform_indices = #map}, {transform_indices = #map2}]} {
    %mul3A = arith.constant 16 : i32
    %mul3A_0 = arith.muli %arg0, %mul3A : i32
    %add3A = arith.addi %mul3A_0, %arg1 : i32
    "tpu.region"() ({
      %run_scoped3A = tpu.sem_alloc : memref<!tpu.dma_semaphore, #tpu.memory_space<semaphore_mem>>
      %dma_start3A = arith.constant 0 : i32
      %dma_start3A_7 = tpu.memref_slice %arg3[%add3A, %dma_start3A] : memref<32x10000xi32, #tpu.memory_space<hbm>> -> memref<1x10000xi32, #tpu.memory_space<hbm>>
      %dma_start3A_8 = tpu.memref_squeeze %dma_start3A_7 : memref<1x10000xi32, #tpu.memory_space<hbm>> -> memref<10000xi32, #tpu.memory_space<hbm>>
      %dma_start3A_9 = arith.constant 0 : i32
      %dma_start3A_10 = tpu.memref_slice %arg3[%add3A, %dma_start3A_9] : memref<32x10000xi32, #tpu.memory_space<hbm>> -> memref<1x10000xi32, #tpu.memory_space<hbm>>
      %dma_start3A_11 = tpu.memref_squeeze %dma_start3A_10 : memref<1x10000xi32, #tpu.memory_space<hbm>> -> memref<10000xi32, #tpu.memory_space<hbm>>
      tpu.enqueue_dma source(%dma_start3A_11 : memref<10000xi32, #tpu.memory_space<hbm>>) target(%arg7 : memref<10000xi32, #tpu.memory_space<vmem>>) target_semaphore(%run_scoped3A : memref<!tpu.dma_semaphore, #tpu.memory_space<semaphore_mem>>)
      %dma_wait3A = arith.constant 0 : i32
      %dma_wait3A_12 = tpu.memref_slice %arg3[%add3A, %dma_wait3A] : memref<32x10000xi32, #tpu.memory_space<hbm>> -> memref<1x10000xi32, #tpu.memory_space<hbm>>
      %dma_wait3A_13 = tpu.memref_squeeze %dma_wait3A_12 : memref<1x10000xi32, #tpu.memory_space<hbm>> -> memref<10000xi32, #tpu.memory_space<hbm>>
      %dma_wait3A_14 = arith.constant 0 : i32
      %dma_wait3A_15 = tpu.memref_slice %arg3[%add3A, %dma_wait3A_14] : memref<32x10000xi32, #tpu.memory_space<hbm>> -> memref<1x10000xi32, #tpu.memory_space<hbm>>
      %dma_wait3A_16 = tpu.memref_squeeze %dma_wait3A_15 : memref<1x10000xi32, #tpu.memory_space<hbm>> -> memref<10000xi32, #tpu.memory_space<hbm>>
      tpu.wait_dma2 semaphore(%run_scoped3A : memref<!tpu.dma_semaphore, #tpu.memory_space<semaphore_mem>>) src(%dma_wait3A_16 : memref<10000xi32, #tpu.memory_space<hbm>>) dst(%arg7 : memref<10000xi32, #tpu.memory_space<vmem>>)
      tpu.yield
    }) : () -> ()
    "tpu.region"() ({
      %run_scoped3A = tpu.sem_alloc : memref<!tpu.dma_semaphore, #tpu.memory_space<semaphore_mem>>
      %dma_start3A = arith.constant 0 : i32
      %dma_start3A_7 = arith.constant 0 : i32
      %dma_start3A_8 = tpu.memref_slice %arg4[%add3A, %dma_start3A, %dma_start3A_7] : memref<32x125x80xi32, #tpu.memory_space<hbm>> -> memref<1x125x80xi32, #tpu.memory_space<hbm>>
      %dma_start3A_9 = tpu.memref_squeeze %dma_start3A_8 : memref<1x125x80xi32, #tpu.memory_space<hbm>> -> memref<125x80xi32, #tpu.memory_space<hbm>>
      %dma_start3A_10 = arith.constant 0 : i32
      %dma_start3A_11 = arith.constant 0 : i32
      %dma_start3A_12 = tpu.memref_slice %arg4[%add3A, %dma_start3A_10, %dma_start3A_11] : memref<32x125x80xi32, #tpu.memory_space<hbm>> -> memref<1x125x80xi32, #tpu.memory_space<hbm>>
      %dma_start3A_13 = tpu.memref_squeeze %dma_start3A_12 : memref<1x125x80xi32, #tpu.memory_space<hbm>> -> memref<125x80xi32, #tpu.memory_space<hbm>>
      tpu.enqueue_dma source(%dma_start3A_13 : memref<125x80xi32, #tpu.memory_space<hbm>>) target(%arg8 : memref<125x80xi32, #tpu.memory_space<vmem>>) target_semaphore(%run_scoped3A : memref<!tpu.dma_semaphore, #tpu.memory_space<semaphore_mem>>)
      %dma_wait3A = arith.constant 0 : i32
      %dma_wait3A_14 = arith.constant 0 : i32
      %dma_wait3A_15 = tpu.memref_slice %arg4[%add3A, %dma_wait3A, %dma_wait3A_14] : memref<32x125x80xi32, #tpu.memory_space<hbm>> -> memref<1x125x80xi32, #tpu.memory_space<hbm>>
      %dma_wait3A_16 = tpu.memref_squeeze %dma_wait3A_15 : memref<1x125x80xi32, #tpu.memory_space<hbm>> -> memref<125x80xi32, #tpu.memory_space<hbm>>
      %dma_wait3A_17 = arith.constant 0 : i32
      %dma_wait3A_18 = arith.constant 0 : i32
      %dma_wait3A_19 = tpu.memref_slice %arg4[%add3A, %dma_wait3A_17, %dma_wait3A_18] : memref<32x125x80xi32, #tpu.memory_space<hbm>> -> memref<1x125x80xi32, #tpu.memory_space<hbm>>
      %dma_wait3A_20 = tpu.memref_squeeze %dma_wait3A_19 : memref<1x125x80xi32, #tpu.memory_space<hbm>> -> memref<125x80xi32, #tpu.memory_space<hbm>>
      tpu.wait_dma2 semaphore(%run_scoped3A : memref<!tpu.dma_semaphore, #tpu.memory_space<semaphore_mem>>) src(%dma_wait3A_20 : memref<125x80xi32, #tpu.memory_space<hbm>>) dst(%arg8 : memref<125x80xi32, #tpu.memory_space<vmem>>)
      tpu.yield
    }) : () -> ()
    %scan3A = arith.constant 0 : i32
    %scan3A_1 = arith.constant 0 : i32
    %scan3A_2 = arith.constant 20 : i32
    %scan3A_3 = arith.addi %scan3A_1, %scan3A_2 : i32
    %scan3A_4 = arith.constant 1 : i32
    %scan3A_5 = scf.for %scan3A_7 = %scan3A_1 to %scan3A_3 step %scan3A_4 iter_args(%scan3A_8 = %scan3A) -> (i32)  : i32 {
      %mul3A_9 = arith.constant 640 : i32
      %mul3A_10 = arith.muli %arg1, %mul3A_9 : i32
      "tpu.region"() ({
        %run_scoped3A = tpu.sem_alloc : memref<!tpu.dma_semaphore, #tpu.memory_space<semaphore_mem>>
        %dma_start3A_38 = arith.constant 0 : i32
        %dma_start3A_39 = tpu.memref_slice %arg13[%mul3A_10, %dma_start3A_38] : memref<10240x128xf32, #tpu.memory_space<vmem_shared>> -> memref<640x128xf32, #tpu.memory_space<vmem_shared>>
        tpu.enqueue_dma source(%arg5 : memref<640x128xf32, #tpu.memory_space<hbm>>) target(%dma_start3A_39 : memref<640x128xf32, #tpu.memory_space<vmem_shared>>) target_semaphore(%run_scoped3A : memref<!tpu.dma_semaphore, #tpu.memory_space<semaphore_mem>>)
        %dma_wait3A = arith.constant 0 : i32
        %dma_wait3A_40 = tpu.memref_slice %arg13[%mul3A_10, %dma_wait3A] : memref<10240x128xf32, #tpu.memory_space<vmem_shared>> -> memref<640x128xf32, #tpu.memory_space<vmem_shared>>
        tpu.wait_dma2 semaphore(%run_scoped3A : memref<!tpu.dma_semaphore, #tpu.memory_space<semaphore_mem>>) src(%arg5 : memref<640x128xf32, #tpu.memory_space<hbm>>) dst(%dma_wait3A_40 : memref<640x128xf32, #tpu.memory_space<vmem_shared>>)
        tpu.yield
      }) : () -> ()
      %barrier3A = arith.constant 0 : index
      tpu.barrier barrier_id(%barrier3A)
      %mul3A_11 = arith.constant 10000 : i32
      %mul3A_12 = arith.muli %scan3A_7, %mul3A_11 : i32
      %scan3A_13 = arith.constant 0 : i32
      %scan3A_14 = arith.constant 0 : i32
      %scan3A_15 = arith.constant 5 : i32
      %scan3A_16 = arith.addi %scan3A_14, %scan3A_15 : i32
      %scan3A_17 = arith.constant 1 : i32
      %scan3A_18 = scf.for %scan3A_38 = %scan3A_14 to %scan3A_16 step %scan3A_17 iter_args(%scan3A_39 = %scan3A_13) -> (i32)  : i32 {
        %mul3A_40 = arith.constant 16 : i32
        %mul3A_41 = arith.muli %scan3A_38, %mul3A_40 : i32
        %add3A_42 = arith.constant 0 : i32
        %add3A_43 = arith.addi %add3A_42, %mul3A_41 : i32
        %get3A = arith.index_cast %add3A_43 : i32 to index
        %get3A_44 = tpu.vector_load %arg7[%get3A] {strides = array<i32>} : memref<10000xi32, #tpu.memory_space<vmem>>, vector<16xi32>,
        %get3A_45 = vector.shape_cast %get3A_44 : vector<16xi32> to vector<16xi32>
        %add3A_46 = vector.broadcast %mul3A_12 : i32 to vector<16xi32>
        %add3A_47 = arith.addi %get3A_45, %add3A_46 : vector<16xi32>
        %mul3A_48 = arith.constant 16 : i32
        %mul3A_49 = arith.muli %scan3A_38, %mul3A_48 : i32
        %swap3A = arith.index_cast %mul3A_49 : i32 to index
        %swap3A_50 = tpu.vector_load %arg9[%swap3A] {strides = array<i32>} : memref<80xi32, #tpu.memory_space<vmem>>, vector<16xi32>,
        %swap3A_51 = vector.shape_cast %swap3A_50 : vector<16xi32> to vector<16xi32>
        %swap3A_52 = vector.shape_cast %add3A_47 : vector<16xi32> to vector<16xi32>
        tpu.vector_store %arg9[%swap3A], %swap3A_52 {strides = array<i32>} : memref<80xi32, #tpu.memory_space<vmem>>, vector<16xi32>,
        %scan3A_53 = arith.constant 0 : i32
        scf.yield %scan3A_53 : i32
      }
      %scan3A_19 = arith.constant 5 : i32
      %dma_start3A = arith.constant 0 : i32
      %dma_start3A_20 = arith.constant 0 : i32
      %dma_start3A_21 = tpu.memref_slice %arg2[%dma_start3A, %dma_start3A_20] : memref<200000x128xf32, #tpu.memory_space<hbm>> -> memref<200000x128xf32, #tpu.memory_space<hbm>>
      tpu.enqueue_indirect_dma source(%dma_start3A_21 : memref<200000x128xf32, #tpu.memory_space<hbm>>) target(%arg11 : memref<80x128xf32, #tpu.memory_space<vmem>>) offsets(%arg9 : memref<80xi32, #tpu.memory_space<vmem>>) semaphore(%arg14 : memref<!tpu.dma_semaphore, #tpu.memory_space<semaphore_mem>>)
      %scan3A_22 = arith.constant 0 : i32
      %scan3A_23 = arith.constant 0 : i32
      %scan3A_24 = arith.constant 63 : i32
      %scan3A_25 = arith.addi %scan3A_23, %scan3A_24 : i32
      %scan3A_26 = arith.constant 1 : i32
      %scan3A_27 = scf.for %scan3A_38 = %scan3A_23 to %scan3A_25 step %scan3A_26 iter_args(%scan3A_39 = %scan3A_22) -> (i32)  : i32 {
        %mul3A_40 = arith.constant 2 : i32
        %mul3A_41 = arith.muli %mul3A_40, %scan3A_38 : i32
        %add3A_42 = arith.constant 0 : i32
        %add3A_43 = arith.addi %mul3A_41, %add3A_42 : i32
        %lt3A_44 = arith.constant 125 : i32
        %lt3A_45 = arith.cmpi slt, %add3A_43, %lt3A_44 : i32
        %convert_element_type3A_46 = arith.extui %lt3A_45 : i1 to i32
        %cond3A_47 = arith.constant 0 : i32
        %cond3A_48 = arith.cmpi ne, %convert_element_type3A_46, %cond3A_47 : i32
        scf.if %cond3A_48 {
          %dma_wait3A = arith.constant 0 : i32
          %dma_wait3A_59 = arith.constant 0 : i32
          %dma_wait3A_60 = tpu.memref_slice %arg2[%dma_wait3A, %dma_wait3A_59] : memref<200000x128xf32, #tpu.memory_space<hbm>> -> memref<200000x128xf32, #tpu.memory_space<hbm>>
          tpu.wait_indirect_dma semaphore(%arg14 : memref<!tpu.dma_semaphore, #tpu.memory_space<semaphore_mem>>) src(%dma_wait3A_60 : memref<200000x128xf32, #tpu.memory_space<hbm>>) dst(%arg11 : memref<80x128xf32, #tpu.memory_space<vmem>>)
          %add3A_61 = arith.constant 1 : i32
          %add3A_62 = arith.addi %add3A_43, %add3A_61 : i32
          %lt3A_63 = arith.constant 125 : i32
          %lt3A_64 = arith.cmpi slt, %add3A_62, %lt3A_63 : i32
          %convert_element_type3A_65 = arith.extui %lt3A_64 : i1 to i32
          %cond3A_66 = arith.constant 0 : i32
          %cond3A_67 = arith.cmpi ne, %convert_element_type3A_65, %cond3A_66 : i32
          scf.if %cond3A_67 {
            %add3A_68 = arith.constant 1 : i32
            %add3A_69 = arith.addi %add3A_43, %add3A_68 : i32
            %mul3A_70 = arith.constant 10000 : i32
            %mul3A_71 = arith.muli %scan3A_7, %mul3A_70 : i32
            %scan3A_72 = arith.constant 0 : i32
            %scan3A_73 = arith.constant 0 : i32
            %scan3A_74 = arith.constant 5 : i32
            %scan3A_75 = arith.addi %scan3A_73, %scan3A_74 : i32
            %scan3A_76 = arith.constant 1 : i32
            %scan3A_77 = scf.for %scan3A_82 = %scan3A_73 to %scan3A_75 step %scan3A_76 iter_args(%scan3A_83 = %scan3A_72) -> (i32)  : i32 {
              %mul3A_84 = arith.constant 80 : i32
              %mul3A_85 = arith.muli %add3A_69, %mul3A_84 : i32
              %mul3A_86 = arith.constant 16 : i32
              %mul3A_87 = arith.muli %scan3A_82, %mul3A_86 : i32
              %add3A_88 = arith.addi %mul3A_85, %mul3A_87 : i32
              %get3A = arith.index_cast %add3A_88 : i32 to index
              %get3A_89 = tpu.vector_load %arg7[%get3A] {strides = array<i32>} : memref<10000xi32, #tpu.memory_space<vmem>>, vector<16xi32>,
              %get3A_90 = vector.shape_cast %get3A_89 : vector<16xi32> to vector<16xi32>
              %add3A_91 = vector.broadcast %mul3A_71 : i32 to vector<16xi32>
              %add3A_92 = arith.addi %get3A_90, %add3A_91 : vector<16xi32>
              %mul3A_93 = arith.constant 16 : i32
              %mul3A_94 = arith.muli %scan3A_82, %mul3A_93 : i32
              %swap3A = arith.index_cast %mul3A_94 : i32 to index
              %swap3A_95 = tpu.vector_load %arg10[%swap3A] {strides = array<i32>} : memref<80xi32, #tpu.memory_space<vmem>>, vector<16xi32>,
              %swap3A_96 = vector.shape_cast %swap3A_95 : vector<16xi32> to vector<16xi32>
              %swap3A_97 = vector.shape_cast %add3A_92 : vector<16xi32> to vector<16xi32>
              tpu.vector_store %arg10[%swap3A], %swap3A_97 {strides = array<i32>} : memref<80xi32, #tpu.memory_space<vmem>>, vector<16xi32>,
              %scan3A_98 = arith.constant 0 : i32
              scf.yield %scan3A_98 : i32
            }
            %scan3A_78 = arith.constant 5 : i32
            %dma_start3A_79 = arith.constant 0 : i32
            %dma_start3A_80 = arith.constant 0 : i32
            %dma_start3A_81 = tpu.memref_slice %arg2[%dma_start3A_79, %dma_start3A_80] : memref<200000x128xf32, #tpu.memory_space<hbm>> -> memref<200000x128xf32, #tpu.memory_space<hbm>>
            tpu.enqueue_indirect_dma source(%dma_start3A_81 : memref<200000x128xf32, #tpu.memory_space<hbm>>) target(%arg12 : memref<80x128xf32, #tpu.memory_space<vmem>>) offsets(%arg10 : memref<80xi32, #tpu.memory_space<vmem>>) semaphore(%arg15 : memref<!tpu.dma_semaphore, #tpu.memory_space<semaphore_mem>>)
          } else {
          }
          "tpu.region"() ({
            %run_scoped3A = tpu.sem_alloc : memref<!tpu.dma_semaphore, #tpu.memory_space<semaphore_mem>>
            %dma_start3A_68 = arith.constant 0 : i32
            %dma_start3A_69 = tpu.memref_slice %arg8[%add3A_43, %dma_start3A_68] : memref<125x80xi32, #tpu.memory_space<vmem>> -> memref<1x80xi32, #tpu.memory_space<vmem>>
            %dma_start3A_70 = tpu.memref_squeeze %dma_start3A_69 : memref<1x80xi32, #tpu.memory_space<vmem>> -> memref<80xi32, #tpu.memory_space<vmem>>
            %dma_start3A_71 = arith.constant 0 : i32
            %dma_start3A_72 = arith.constant 0 : i32
            %dma_start3A_73 = tpu.memref_slice %arg13[%dma_start3A_71, %dma_start3A_72] : memref<10240x128xf32, #tpu.memory_space<vmem_shared>> -> memref<10240x128xf32, #tpu.memory_space<vmem_shared>>
            tpu.enqueue_indirect_dma source(%arg11 : memref<80x128xf32, #tpu.memory_space<vmem>>) target(%dma_start3A_73 : memref<10240x128xf32, #tpu.memory_space<vmem_shared>>) offsets(%dma_start3A_70 : memref<80xi32, #tpu.memory_space<vmem>>) semaphore(%run_scoped3A : memref<!tpu.dma_semaphore, #tpu.memory_space<semaphore_mem>>) {add = true}
            %dma_wait3A_74 = arith.constant 0 : i32
            %dma_wait3A_75 = tpu.memref_slice %arg8[%add3A_43, %dma_wait3A_74] : memref<125x80xi32, #tpu.memory_space<vmem>> -> memref<1x80xi32, #tpu.memory_space<vmem>>
            %dma_wait3A_76 = tpu.memref_squeeze %dma_wait3A_75 : memref<1x80xi32, #tpu.memory_space<vmem>> -> memref<80xi32, #tpu.memory_space<vmem>>
            %dma_wait3A_77 = arith.constant 0 : i32
            %dma_wait3A_78 = arith.constant 0 : i32
            %dma_wait3A_79 = tpu.memref_slice %arg13[%dma_wait3A_77, %dma_wait3A_78] : memref<10240x128xf32, #tpu.memory_space<vmem_shared>> -> memref<10240x128xf32, #tpu.memory_space<vmem_shared>>
            tpu.wait_indirect_dma semaphore(%run_scoped3A : memref<!tpu.dma_semaphore, #tpu.memory_space<semaphore_mem>>) src(%arg11 : memref<80x128xf32, #tpu.memory_space<vmem>>) dst(%dma_wait3A_79 : memref<10240x128xf32, #tpu.memory_space<vmem_shared>>)
            tpu.yield
          }) : () -> ()
        } else {
        }
        %mul3A_49 = arith.constant 2 : i32
        %mul3A_50 = arith.muli %mul3A_49, %scan3A_38 : i32
        %add3A_51 = arith.constant 1 : i32
        %add3A_52 = arith.addi %mul3A_50, %add3A_51 : i32
        %lt3A_53 = arith.constant 125 : i32
        %lt3A_54 = arith.cmpi slt, %add3A_52, %lt3A_53 : i32
        %convert_element_type3A_55 = arith.extui %lt3A_54 : i1 to i32
        %cond3A_56 = arith.constant 0 : i32
        %cond3A_57 = arith.cmpi ne, %convert_element_type3A_55, %cond3A_56 : i32
        scf.if %cond3A_57 {
          %dma_wait3A = arith.constant 0 : i32
          %dma_wait3A_59 = arith.constant 0 : i32
          %dma_wait3A_60 = tpu.memref_slice %arg2[%dma_wait3A, %dma_wait3A_59] : memref<200000x128xf32, #tpu.memory_space<hbm>> -> memref<200000x128xf32, #tpu.memory_space<hbm>>
          tpu.wait_indirect_dma semaphore(%arg15 : memref<!tpu.dma_semaphore, #tpu.memory_space<semaphore_mem>>) src(%dma_wait3A_60 : memref<200000x128xf32, #tpu.memory_space<hbm>>) dst(%arg12 : memref<80x128xf32, #tpu.memory_space<vmem>>)
          %add3A_61 = arith.constant 1 : i32
          %add3A_62 = arith.addi %add3A_52, %add3A_61 : i32
          %lt3A_63 = arith.constant 125 : i32
          %lt3A_64 = arith.cmpi slt, %add3A_62, %lt3A_63 : i32
          %convert_element_type3A_65 = arith.extui %lt3A_64 : i1 to i32
          %cond3A_66 = arith.constant 0 : i32
          %cond3A_67 = arith.cmpi ne, %convert_element_type3A_65, %cond3A_66 : i32
          scf.if %cond3A_67 {
            %add3A_68 = arith.constant 1 : i32
            %add3A_69 = arith.addi %add3A_52, %add3A_68 : i32
            %mul3A_70 = arith.constant 10000 : i32
            %mul3A_71 = arith.muli %scan3A_7, %mul3A_70 : i32
            %scan3A_72 = arith.constant 0 : i32
            %scan3A_73 = arith.constant 0 : i32
            %scan3A_74 = arith.constant 5 : i32
            %scan3A_75 = arith.addi %scan3A_73, %scan3A_74 : i32
            %scan3A_76 = arith.constant 1 : i32
            %scan3A_77 = scf.for %scan3A_82 = %scan3A_73 to %scan3A_75 step %scan3A_76 iter_args(%scan3A_83 = %scan3A_72) -> (i32)  : i32 {
              %mul3A_84 = arith.constant 80 : i32
              %mul3A_85 = arith.muli %add3A_69, %mul3A_84 : i32
              %mul3A_86 = arith.constant 16 : i32
              %mul3A_87 = arith.muli %scan3A_82, %mul3A_86 : i32
              %add3A_88 = arith.addi %mul3A_85, %mul3A_87 : i32
              %get3A = arith.index_cast %add3A_88 : i32 to index
              %get3A_89 = tpu.vector_load %arg7[%get3A] {strides = array<i32>} : memref<10000xi32, #tpu.memory_space<vmem>>, vector<16xi32>,
              %get3A_90 = vector.shape_cast %get3A_89 : vector<16xi32> to vector<16xi32>
              %add3A_91 = vector.broadcast %mul3A_71 : i32 to vector<16xi32>
              %add3A_92 = arith.addi %get3A_90, %add3A_91 : vector<16xi32>
              %mul3A_93 = arith.constant 16 : i32
              %mul3A_94 = arith.muli %scan3A_82, %mul3A_93 : i32
              %swap3A = arith.index_cast %mul3A_94 : i32 to index
              %swap3A_95 = tpu.vector_load %arg9[%swap3A] {strides = array<i32>} : memref<80xi32, #tpu.memory_space<vmem>>, vector<16xi32>,
              %swap3A_96 = vector.shape_cast %swap3A_95 : vector<16xi32> to vector<16xi32>
              %swap3A_97 = vector.shape_cast %add3A_92 : vector<16xi32> to vector<16xi32>
              tpu.vector_store %arg9[%swap3A], %swap3A_97 {strides = array<i32>} : memref<80xi32, #tpu.memory_space<vmem>>, vector<16xi32>,
              %scan3A_98 = arith.constant 0 : i32
              scf.yield %scan3A_98 : i32
            }
            %scan3A_78 = arith.constant 5 : i32
            %dma_start3A_79 = arith.constant 0 : i32
            %dma_start3A_80 = arith.constant 0 : i32
            %dma_start3A_81 = tpu.memref_slice %arg2[%dma_start3A_79, %dma_start3A_80] : memref<200000x128xf32, #tpu.memory_space<hbm>> -> memref<200000x128xf32, #tpu.memory_space<hbm>>
            tpu.enqueue_indirect_dma source(%dma_start3A_81 : memref<200000x128xf32, #tpu.memory_space<hbm>>) target(%arg11 : memref<80x128xf32, #tpu.memory_space<vmem>>) offsets(%arg9 : memref<80xi32, #tpu.memory_space<vmem>>) semaphore(%arg14 : memref<!tpu.dma_semaphore, #tpu.memory_space<semaphore_mem>>)
          } else {
          }
          "tpu.region"() ({
            %run_scoped3A = tpu.sem_alloc : memref<!tpu.dma_semaphore, #tpu.memory_space<semaphore_mem>>
            %dma_start3A_68 = arith.constant 0 : i32
            %dma_start3A_69 = tpu.memref_slice %arg8[%add3A_52, %dma_start3A_68] : memref<125x80xi32, #tpu.memory_space<vmem>> -> memref<1x80xi32, #tpu.memory_space<vmem>>
            %dma_start3A_70 = tpu.memref_squeeze %dma_start3A_69 : memref<1x80xi32, #tpu.memory_space<vmem>> -> memref<80xi32, #tpu.memory_space<vmem>>
            %dma_start3A_71 = arith.constant 0 : i32
            %dma_start3A_72 = arith.constant 0 : i32
            %dma_start3A_73 = tpu.memref_slice %arg13[%dma_start3A_71, %dma_start3A_72] : memref<10240x128xf32, #tpu.memory_space<vmem_shared>> -> memref<10240x128xf32, #tpu.memory_space<vmem_shared>>
            tpu.enqueue_indirect_dma source(%arg12 : memref<80x128xf32, #tpu.memory_space<vmem>>) target(%dma_start3A_73 : memref<10240x128xf32, #tpu.memory_space<vmem_shared>>) offsets(%dma_start3A_70 : memref<80xi32, #tpu.memory_space<vmem>>) semaphore(%run_scoped3A : memref<!tpu.dma_semaphore, #tpu.memory_space<semaphore_mem>>) {add = true}
            %dma_wait3A_74 = arith.constant 0 : i32
            %dma_wait3A_75 = tpu.memref_slice %arg8[%add3A_52, %dma_wait3A_74] : memref<125x80xi32, #tpu.memory_space<vmem>> -> memref<1x80xi32, #tpu.memory_space<vmem>>
            %dma_wait3A_76 = tpu.memref_squeeze %dma_wait3A_75 : memref<1x80xi32, #tpu.memory_space<vmem>> -> memref<80xi32, #tpu.memory_space<vmem>>
            %dma_wait3A_77 = arith.constant 0 : i32
            %dma_wait3A_78 = arith.constant 0 : i32
            %dma_wait3A_79 = tpu.memref_slice %arg13[%dma_wait3A_77, %dma_wait3A_78] : memref<10240x128xf32, #tpu.memory_space<vmem_shared>> -> memref<10240x128xf32, #tpu.memory_space<vmem_shared>>
            tpu.wait_indirect_dma semaphore(%run_scoped3A : memref<!tpu.dma_semaphore, #tpu.memory_space<semaphore_mem>>) src(%arg12 : memref<80x128xf32, #tpu.memory_space<vmem>>) dst(%dma_wait3A_79 : memref<10240x128xf32, #tpu.memory_space<vmem_shared>>)
            tpu.yield
          }) : () -> ()
        } else {
        }
        %scan3A_58 = arith.constant 0 : i32
        scf.yield %scan3A_58 : i32
      }
      %scan3A_28 = arith.constant 63 : i32
      %barrier3A_29 = arith.constant 0 : index
      tpu.barrier barrier_id(%barrier3A_29)
      %lt3A = arith.constant 15 : i32
      %lt3A_30 = arith.cmpi slt, %arg1, %lt3A : i32
      %convert_element_type3A = arith.extui %lt3A_30 : i1 to i32
      %cond3A = arith.constant 0 : i32
      %cond3A_31 = arith.cmpi ne, %convert_element_type3A, %cond3A : i32
      scf.if %cond3A_31 {
        %mul3A_38 = arith.constant 640 : i32
        %mul3A_39 = arith.muli %arg1, %mul3A_38 : i32
        %mul3A_40 = arith.constant 640 : i32
        %mul3A_41 = arith.muli %arg1, %mul3A_40 : i32
        "tpu.region"() ({
          %run_scoped3A = tpu.sem_alloc : memref<!tpu.dma_semaphore, #tpu.memory_space<semaphore_mem>>
          %dma_start3A_42 = arith.constant 0 : i32
          %dma_start3A_43 = tpu.memref_slice %arg6[%arg0, %scan3A_7, %mul3A_41, %dma_start3A_42] : memref<2x20x10000x128xf32, #tpu.memory_space<hbm>> -> memref<1x1x640x128xf32, #tpu.memory_space<hbm>>
          %dma_start3A_44 = tpu.memref_squeeze %dma_start3A_43 : memref<1x1x640x128xf32, #tpu.memory_space<hbm>> -> memref<640x128xf32, #tpu.memory_space<hbm>>
          %dma_start3A_45 = arith.constant 0 : i32
          %dma_start3A_46 = tpu.memref_slice %arg13[%mul3A_39, %dma_start3A_45] : memref<10240x128xf32, #tpu.memory_space<vmem_shared>> -> memref<640x128xf32, #tpu.memory_space<vmem_shared>>
          tpu.enqueue_dma source(%dma_start3A_46 : memref<640x128xf32, #tpu.memory_space<vmem_shared>>) target(%dma_start3A_44 : memref<640x128xf32, #tpu.memory_space<hbm>>) target_semaphore(%run_scoped3A : memref<!tpu.dma_semaphore, #tpu.memory_space<semaphore_mem>>)
          %dma_wait3A = arith.constant 0 : i32
          %dma_wait3A_47 = tpu.memref_slice %arg6[%arg0, %scan3A_7, %mul3A_41, %dma_wait3A] : memref<2x20x10000x128xf32, #tpu.memory_space<hbm>> -> memref<1x1x640x128xf32, #tpu.memory_space<hbm>>
          %dma_wait3A_48 = tpu.memref_squeeze %dma_wait3A_47 : memref<1x1x640x128xf32, #tpu.memory_space<hbm>> -> memref<640x128xf32, #tpu.memory_space<hbm>>
          %dma_wait3A_49 = arith.constant 0 : i32
          %dma_wait3A_50 = tpu.memref_slice %arg13[%mul3A_39, %dma_wait3A_49] : memref<10240x128xf32, #tpu.memory_space<vmem_shared>> -> memref<640x128xf32, #tpu.memory_space<vmem_shared>>
          tpu.wait_dma2 semaphore(%run_scoped3A : memref<!tpu.dma_semaphore, #tpu.memory_space<semaphore_mem>>) src(%dma_wait3A_50 : memref<640x128xf32, #tpu.memory_space<vmem_shared>>) dst(%dma_wait3A_48 : memref<640x128xf32, #tpu.memory_space<hbm>>)
          tpu.yield
        }) : () -> ()
      } else {
      }
      %eq3A = arith.constant 15 : i32
      %eq3A_32 = arith.cmpi eq, %arg1, %eq3A : i32
      %convert_element_type3A_33 = arith.extui %eq3A_32 : i1 to i32
      %cond3A_34 = arith.constant 0 : i32
      %cond3A_35 = arith.cmpi ne, %convert_element_type3A_33, %cond3A_34 : i32
      scf.if %cond3A_35 {
        "tpu.region"() ({
          %run_scoped3A = tpu.sem_alloc : memref<!tpu.dma_semaphore, #tpu.memory_space<semaphore_mem>>
          %dma_start3A_38 = arith.constant 9600 : i32
          %dma_start3A_39 = arith.constant 0 : i32
          %dma_start3A_40 = tpu.memref_slice %arg6[%arg0, %scan3A_7, %dma_start3A_38, %dma_start3A_39] : memref<2x20x10000x128xf32, #tpu.memory_space<hbm>> -> memref<1x1x400x128xf32, #tpu.memory_space<hbm>>
          %dma_start3A_41 = tpu.memref_squeeze %dma_start3A_40 : memref<1x1x400x128xf32, #tpu.memory_space<hbm>> -> memref<400x128xf32, #tpu.memory_space<hbm>>
          %dma_start3A_42 = arith.constant 9600 : i32
          %dma_start3A_43 = arith.constant 0 : i32
          %dma_start3A_44 = tpu.memref_slice %arg13[%dma_start3A_42, %dma_start3A_43] : memref<10240x128xf32, #tpu.memory_space<vmem_shared>> -> memref<400x128xf32, #tpu.memory_space<vmem_shared>>
          tpu.enqueue_dma source(%dma_start3A_44 : memref<400x128xf32, #tpu.memory_space<vmem_shared>>) target(%dma_start3A_41 : memref<400x128xf32, #tpu.memory_space<hbm>>) target_semaphore(%run_scoped3A : memref<!tpu.dma_semaphore, #tpu.memory_space<semaphore_mem>>)
          %dma_wait3A = arith.constant 9600 : i32
          %dma_wait3A_45 = arith.constant 0 : i32
          %dma_wait3A_46 = tpu.memref_slice %arg6[%arg0, %scan3A_7, %dma_wait3A, %dma_wait3A_45] : memref<2x20x10000x128xf32, #tpu.memory_space<hbm>> -> memref<1x1x400x128xf32, #tpu.memory_space<hbm>>
          %dma_wait3A_47 = tpu.memref_squeeze %dma_wait3A_46 : memref<1x1x400x128xf32, #tpu.memory_space<hbm>> -> memref<400x128xf32, #tpu.memory_space<hbm>>
          %dma_wait3A_48 = arith.constant 9600 : i32
          %dma_wait3A_49 = arith.constant 0 : i32
          %dma_wait3A_50 = tpu.memref_slice %arg13[%dma_wait3A_48, %dma_wait3A_49] : memref<10240x128xf32, #tpu.memory_space<vmem_shared>> -> memref<400x128xf32, #tpu.memory_space<vmem_shared>>
          tpu.wait_dma2 semaphore(%run_scoped3A : memref<!tpu.dma_semaphore, #tpu.memory_space<semaphore_mem>>) src(%dma_wait3A_50 : memref<400x128xf32, #tpu.memory_space<vmem_shared>>) dst(%dma_wait3A_47 : memref<400x128xf32, #tpu.memory_space<hbm>>)
          tpu.yield
        }) : () -> ()
      } else {
      }
      %barrier3A_36 = arith.constant 0 : index
      tpu.barrier barrier_id(%barrier3A_36)
      %scan3A_37 = arith.constant 0 : i32
      scf.yield %scan3A_37 : i32
    }
    %scan3A_6 = arith.constant 20 : i32
    return
  }
}

module attributes {stable_mosaic.version = 14 : i64} {
  func.func @_assoc_body(%arg0: i32, %arg1: memref<400x128xf32, #tpu.memory_space<vmem>>, %arg2: memref<2560x128xf32, #tpu.memory_space<vmem>>, %arg3: memref<400x2560xf32, #tpu.memory_space<vmem>>, %arg4: memref<20x400x128xf32, #tpu.memory_space<vmem>>, %arg5: memref<2560x128xf32, #tpu.memory_space<vmem>>) attributes {dimension_semantics = [#tpu.dimension_semantics<arbitrary>], iteration_bounds = array<i64: 25>, scalar_prefetch = 0 : i64, scratch_operands = 0 : i64, tpu.core_type = #tpu.core_type<tc>, window_params = [{transform_indices = @transform_0, window_bounds = array<i64: 400, 128>}, {pipeline_mode = #tpu.pipeline_mode<synchronous>, transform_indices = @transform_1, window_bounds = array<i64: 2560, 128>}, {transform_indices = @transform_2, window_bounds = array<i64: 400, 2560>}, {transform_indices = @transform_3, window_bounds = array<i64: 20, 400, 128>}, {pipeline_mode = #tpu.pipeline_mode<synchronous>, transform_indices = @transform_4, window_bounds = array<i64: 2560, 128>}]} {
    %get3A = arith.constant 0 : index
    %get3A_0 = arith.constant 0 : index
    %get3A_1 = vector.load %arg1[%get3A, %get3A_0] : memref<400x128xf32, #tpu.memory_space<vmem>>, vector<400x128xf32>
    %get3A_2 = arith.constant 0 : index
    %get3A_3 = arith.constant 0 : index
    %get3A_4 = vector.load %arg2[%get3A_2, %get3A_3] : memref<2560x128xf32, #tpu.memory_space<vmem>>, vector<2560x128xf32>
    %dot_general3A = arith.constant dense<0.000000e+00> : vector<400x2560xf32>
    %dot_general3A_5 = tpu.matmul %get3A_1, %get3A_4, %dot_general3A {dimension_numbers = #tpu.dot_dimension_numbers<[1], [1], [0], [0], [0, 0, 1, 0], [], []>, transpose_lhs_hint = false} : vector<400x128xf32>, vector<2560x128xf32>, vector<400x2560xf32> -> vector<400x2560xf32>
    %iota3A = tpu.iota {dimensions = array<i32: 1>} : vector<400x2560xi32>
    %lt3A = arith.constant 2500 : i32
    %lt3A_6 = vector.broadcast %lt3A : i32 to vector<400x2560xi32>
    %lt3A_7 = arith.cmpi slt, %iota3A, %lt3A_6 : vector<400x2560xi32>
    %jit3A = arith.constant 0xFF800000 : f32
    %broadcast_in_dim3A = vector.broadcast %jit3A : f32 to vector<400x2560xf32>
    %select_n3A = arith.select %lt3A_7, %dot_general3A_5, %broadcast_in_dim3A : vector<400x2560xi1>, vector<400x2560xf32>
    %reduce_max3A = arith.constant dense<0xFF800000> : vector<400xf32>
    %reduce_max3A_8 = vector.multi_reduction <maximumf>, %select_n3A, %reduce_max3A [1] : vector<400x2560xf32> to vector<400xf32>
    %broadcast_in_dim3A_9 = vector.shape_cast %reduce_max3A_8 : vector<400xf32> to vector<400x1xf32>
    %sub3A = vector.broadcast %broadcast_in_dim3A_9 : vector<400x1xf32> to vector<400x2560xf32>
    %sub3A_10 = arith.subf %dot_general3A_5, %sub3A : vector<400x2560xf32>
    %exp3A = math.exp %sub3A_10 : vector<400x2560xf32>
    %jit3A_11 = arith.constant 0.000000e+00 : f32
    %broadcast_in_dim3A_12 = vector.broadcast %jit3A_11 : f32 to vector<400x2560xf32>
    %select_n3A_13 = arith.select %lt3A_7, %exp3A, %broadcast_in_dim3A_12 : vector<400x2560xi1>, vector<400x2560xf32>
    %reduce_sum3A = arith.constant dense<0.000000e+00> : vector<400xf32>
    %reduce_sum3A_14 = vector.multi_reduction <add>, %select_n3A_13, %reduce_sum3A [1] : vector<400x2560xf32> to vector<400xf32>
    %broadcast_in_dim3A_15 = vector.shape_cast %reduce_sum3A_14 : vector<400xf32> to vector<400x1xf32>
    %div3A = vector.broadcast %broadcast_in_dim3A_15 : vector<400x1xf32> to vector<400x2560xf32>
    %div3A_16 = arith.divf %select_n3A_13, %div3A : vector<400x2560xf32>
    %swap3A = arith.constant 0 : index
    %swap3A_17 = arith.constant 0 : index
    %swap3A_18 = vector.load %arg3[%swap3A, %swap3A_17] : memref<400x2560xf32, #tpu.memory_space<vmem>>, vector<400x2560xf32>
    tpu.vector_store %arg3[%swap3A, %swap3A_17], %div3A_16 {strides = array<i32>} : memref<400x2560xf32, #tpu.memory_space<vmem>>, vector<400x2560xf32>,
    %slice3A = vector.extract_strided_slice %div3A_16 {offsets = [0, 0], sizes = [400, 128], strides = [1, 1]} : vector<400x2560xf32> to vector<400x128xf32>
    %swap3A_19 = arith.constant 0 : index
    %swap3A_20 = arith.constant 0 : index
    %swap3A_21 = arith.constant 0 : index
    %swap3A_22 = vector.load %arg4[%swap3A_19, %swap3A_20, %swap3A_21] : memref<20x400x128xf32, #tpu.memory_space<vmem>>, vector<1x400x128xf32>
    %swap3A_23 = vector.shape_cast %swap3A_22 : vector<1x400x128xf32> to vector<400x128xf32>
    %swap3A_24 = vector.shape_cast %slice3A : vector<400x128xf32> to vector<1x400x128xf32>
    tpu.vector_store %arg4[%swap3A_19, %swap3A_20, %swap3A_21], %swap3A_24 {strides = array<i32>} : memref<20x400x128xf32, #tpu.memory_space<vmem>>, vector<1x400x128xf32>,
    %slice3A_25 = vector.extract_strided_slice %div3A_16 {offsets = [0, 128], sizes = [400, 128], strides = [1, 1]} : vector<400x2560xf32> to vector<400x128xf32>
    %swap3A_26 = arith.constant 1 : index
    %swap3A_27 = arith.constant 0 : index
    %swap3A_28 = arith.constant 0 : index
    %swap3A_29 = vector.load %arg4[%swap3A_26, %swap3A_27, %swap3A_28] : memref<20x400x128xf32, #tpu.memory_space<vmem>>, vector<1x400x128xf32>
    %swap3A_30 = vector.shape_cast %swap3A_29 : vector<1x400x128xf32> to vector<400x128xf32>
    %swap3A_31 = vector.shape_cast %slice3A_25 : vector<400x128xf32> to vector<1x400x128xf32>
    tpu.vector_store %arg4[%swap3A_26, %swap3A_27, %swap3A_28], %swap3A_31 {strides = array<i32>} : memref<20x400x128xf32, #tpu.memory_space<vmem>>, vector<1x400x128xf32>,
    %slice3A_32 = vector.extract_strided_slice %div3A_16 {offsets = [0, 256], sizes = [400, 128], strides = [1, 1]} : vector<400x2560xf32> to vector<400x128xf32>
    %swap3A_33 = arith.constant 2 : index
    %swap3A_34 = arith.constant 0 : index
    %swap3A_35 = arith.constant 0 : index
    %swap3A_36 = vector.load %arg4[%swap3A_33, %swap3A_34, %swap3A_35] : memref<20x400x128xf32, #tpu.memory_space<vmem>>, vector<1x400x128xf32>
    %swap3A_37 = vector.shape_cast %swap3A_36 : vector<1x400x128xf32> to vector<400x128xf32>
    %swap3A_38 = vector.shape_cast %slice3A_32 : vector<400x128xf32> to vector<1x400x128xf32>
    tpu.vector_store %arg4[%swap3A_33, %swap3A_34, %swap3A_35], %swap3A_38 {strides = array<i32>} : memref<20x400x128xf32, #tpu.memory_space<vmem>>, vector<1x400x128xf32>,
    %slice3A_39 = vector.extract_strided_slice %div3A_16 {offsets = [0, 384], sizes = [400, 128], strides = [1, 1]} : vector<400x2560xf32> to vector<400x128xf32>
    %swap3A_40 = arith.constant 3 : index
    %swap3A_41 = arith.constant 0 : index
    %swap3A_42 = arith.constant 0 : index
    %swap3A_43 = vector.load %arg4[%swap3A_40, %swap3A_41, %swap3A_42] : memref<20x400x128xf32, #tpu.memory_space<vmem>>, vector<1x400x128xf32>
    %swap3A_44 = vector.shape_cast %swap3A_43 : vector<1x400x128xf32> to vector<400x128xf32>
    %swap3A_45 = vector.shape_cast %slice3A_39 : vector<400x128xf32> to vector<1x400x128xf32>
    tpu.vector_store %arg4[%swap3A_40, %swap3A_41, %swap3A_42], %swap3A_45 {strides = array<i32>} : memref<20x400x128xf32, #tpu.memory_space<vmem>>, vector<1x400x128xf32>,
    %slice3A_46 = vector.extract_strided_slice %div3A_16 {offsets = [0, 512], sizes = [400, 128], strides = [1, 1]} : vector<400x2560xf32> to vector<400x128xf32>
    %swap3A_47 = arith.constant 4 : index
    %swap3A_48 = arith.constant 0 : index
    %swap3A_49 = arith.constant 0 : index
    %swap3A_50 = vector.load %arg4[%swap3A_47, %swap3A_48, %swap3A_49] : memref<20x400x128xf32, #tpu.memory_space<vmem>>, vector<1x400x128xf32>
    %swap3A_51 = vector.shape_cast %swap3A_50 : vector<1x400x128xf32> to vector<400x128xf32>
    %swap3A_52 = vector.shape_cast %slice3A_46 : vector<400x128xf32> to vector<1x400x128xf32>
    tpu.vector_store %arg4[%swap3A_47, %swap3A_48, %swap3A_49], %swap3A_52 {strides = array<i32>} : memref<20x400x128xf32, #tpu.memory_space<vmem>>, vector<1x400x128xf32>,
    %slice3A_53 = vector.extract_strided_slice %div3A_16 {offsets = [0, 640], sizes = [400, 128], strides = [1, 1]} : vector<400x2560xf32> to vector<400x128xf32>
    %swap3A_54 = arith.constant 5 : index
    %swap3A_55 = arith.constant 0 : index
    %swap3A_56 = arith.constant 0 : index
    %swap3A_57 = vector.load %arg4[%swap3A_54, %swap3A_55, %swap3A_56] : memref<20x400x128xf32, #tpu.memory_space<vmem>>, vector<1x400x128xf32>
    %swap3A_58 = vector.shape_cast %swap3A_57 : vector<1x400x128xf32> to vector<400x128xf32>
    %swap3A_59 = vector.shape_cast %slice3A_53 : vector<400x128xf32> to vector<1x400x128xf32>
    tpu.vector_store %arg4[%swap3A_54, %swap3A_55, %swap3A_56], %swap3A_59 {strides = array<i32>} : memref<20x400x128xf32, #tpu.memory_space<vmem>>, vector<1x400x128xf32>,
    %slice3A_60 = vector.extract_strided_slice %div3A_16 {offsets = [0, 768], sizes = [400, 128], strides = [1, 1]} : vector<400x2560xf32> to vector<400x128xf32>
    %swap3A_61 = arith.constant 6 : index
    %swap3A_62 = arith.constant 0 : index
    %swap3A_63 = arith.constant 0 : index
    %swap3A_64 = vector.load %arg4[%swap3A_61, %swap3A_62, %swap3A_63] : memref<20x400x128xf32, #tpu.memory_space<vmem>>, vector<1x400x128xf32>
    %swap3A_65 = vector.shape_cast %swap3A_64 : vector<1x400x128xf32> to vector<400x128xf32>
    %swap3A_66 = vector.shape_cast %slice3A_60 : vector<400x128xf32> to vector<1x400x128xf32>
    tpu.vector_store %arg4[%swap3A_61, %swap3A_62, %swap3A_63], %swap3A_66 {strides = array<i32>} : memref<20x400x128xf32, #tpu.memory_space<vmem>>, vector<1x400x128xf32>,
    %slice3A_67 = vector.extract_strided_slice %div3A_16 {offsets = [0, 896], sizes = [400, 128], strides = [1, 1]} : vector<400x2560xf32> to vector<400x128xf32>
    %swap3A_68 = arith.constant 7 : index
    %swap3A_69 = arith.constant 0 : index
    %swap3A_70 = arith.constant 0 : index
    %swap3A_71 = vector.load %arg4[%swap3A_68, %swap3A_69, %swap3A_70] : memref<20x400x128xf32, #tpu.memory_space<vmem>>, vector<1x400x128xf32>
    %swap3A_72 = vector.shape_cast %swap3A_71 : vector<1x400x128xf32> to vector<400x128xf32>
    %swap3A_73 = vector.shape_cast %slice3A_67 : vector<400x128xf32> to vector<1x400x128xf32>
    tpu.vector_store %arg4[%swap3A_68, %swap3A_69, %swap3A_70], %swap3A_73 {strides = array<i32>} : memref<20x400x128xf32, #tpu.memory_space<vmem>>, vector<1x400x128xf32>,
    %slice3A_74 = vector.extract_strided_slice %div3A_16 {offsets = [0, 1024], sizes = [400, 128], strides = [1, 1]} : vector<400x2560xf32> to vector<400x128xf32>
    %swap3A_75 = arith.constant 8 : index
    %swap3A_76 = arith.constant 0 : index
    %swap3A_77 = arith.constant 0 : index
    %swap3A_78 = vector.load %arg4[%swap3A_75, %swap3A_76, %swap3A_77] : memref<20x400x128xf32, #tpu.memory_space<vmem>>, vector<1x400x128xf32>
    %swap3A_79 = vector.shape_cast %swap3A_78 : vector<1x400x128xf32> to vector<400x128xf32>
    %swap3A_80 = vector.shape_cast %slice3A_74 : vector<400x128xf32> to vector<1x400x128xf32>
    tpu.vector_store %arg4[%swap3A_75, %swap3A_76, %swap3A_77], %swap3A_80 {strides = array<i32>} : memref<20x400x128xf32, #tpu.memory_space<vmem>>, vector<1x400x128xf32>,
    %slice3A_81 = vector.extract_strided_slice %div3A_16 {offsets = [0, 1152], sizes = [400, 128], strides = [1, 1]} : vector<400x2560xf32> to vector<400x128xf32>
    %swap3A_82 = arith.constant 9 : index
    %swap3A_83 = arith.constant 0 : index
    %swap3A_84 = arith.constant 0 : index
    %swap3A_85 = vector.load %arg4[%swap3A_82, %swap3A_83, %swap3A_84] : memref<20x400x128xf32, #tpu.memory_space<vmem>>, vector<1x400x128xf32>
    %swap3A_86 = vector.shape_cast %swap3A_85 : vector<1x400x128xf32> to vector<400x128xf32>
    %swap3A_87 = vector.shape_cast %slice3A_81 : vector<400x128xf32> to vector<1x400x128xf32>
    tpu.vector_store %arg4[%swap3A_82, %swap3A_83, %swap3A_84], %swap3A_87 {strides = array<i32>} : memref<20x400x128xf32, #tpu.memory_space<vmem>>, vector<1x400x128xf32>,
    %slice3A_88 = vector.extract_strided_slice %div3A_16 {offsets = [0, 1280], sizes = [400, 128], strides = [1, 1]} : vector<400x2560xf32> to vector<400x128xf32>
    %swap3A_89 = arith.constant 10 : index
    %swap3A_90 = arith.constant 0 : index
    %swap3A_91 = arith.constant 0 : index
    %swap3A_92 = vector.load %arg4[%swap3A_89, %swap3A_90, %swap3A_91] : memref<20x400x128xf32, #tpu.memory_space<vmem>>, vector<1x400x128xf32>
    %swap3A_93 = vector.shape_cast %swap3A_92 : vector<1x400x128xf32> to vector<400x128xf32>
    %swap3A_94 = vector.shape_cast %slice3A_88 : vector<400x128xf32> to vector<1x400x128xf32>
    tpu.vector_store %arg4[%swap3A_89, %swap3A_90, %swap3A_91], %swap3A_94 {strides = array<i32>} : memref<20x400x128xf32, #tpu.memory_space<vmem>>, vector<1x400x128xf32>,
    %slice3A_95 = vector.extract_strided_slice %div3A_16 {offsets = [0, 1408], sizes = [400, 128], strides = [1, 1]} : vector<400x2560xf32> to vector<400x128xf32>
    %swap3A_96 = arith.constant 11 : index
    %swap3A_97 = arith.constant 0 : index
    %swap3A_98 = arith.constant 0 : index
    %swap3A_99 = vector.load %arg4[%swap3A_96, %swap3A_97, %swap3A_98] : memref<20x400x128xf32, #tpu.memory_space<vmem>>, vector<1x400x128xf32>
    %swap3A_100 = vector.shape_cast %swap3A_99 : vector<1x400x128xf32> to vector<400x128xf32>
    %swap3A_101 = vector.shape_cast %slice3A_95 : vector<400x128xf32> to vector<1x400x128xf32>
    tpu.vector_store %arg4[%swap3A_96, %swap3A_97, %swap3A_98], %swap3A_101 {strides = array<i32>} : memref<20x400x128xf32, #tpu.memory_space<vmem>>, vector<1x400x128xf32>,
    %slice3A_102 = vector.extract_strided_slice %div3A_16 {offsets = [0, 1536], sizes = [400, 128], strides = [1, 1]} : vector<400x2560xf32> to vector<400x128xf32>
    %swap3A_103 = arith.constant 12 : index
    %swap3A_104 = arith.constant 0 : index
    %swap3A_105 = arith.constant 0 : index
    %swap3A_106 = vector.load %arg4[%swap3A_103, %swap3A_104, %swap3A_105] : memref<20x400x128xf32, #tpu.memory_space<vmem>>, vector<1x400x128xf32>
    %swap3A_107 = vector.shape_cast %swap3A_106 : vector<1x400x128xf32> to vector<400x128xf32>
    %swap3A_108 = vector.shape_cast %slice3A_102 : vector<400x128xf32> to vector<1x400x128xf32>
    tpu.vector_store %arg4[%swap3A_103, %swap3A_104, %swap3A_105], %swap3A_108 {strides = array<i32>} : memref<20x400x128xf32, #tpu.memory_space<vmem>>, vector<1x400x128xf32>,
    %slice3A_109 = vector.extract_strided_slice %div3A_16 {offsets = [0, 1664], sizes = [400, 128], strides = [1, 1]} : vector<400x2560xf32> to vector<400x128xf32>
    %swap3A_110 = arith.constant 13 : index
    %swap3A_111 = arith.constant 0 : index
    %swap3A_112 = arith.constant 0 : index
    %swap3A_113 = vector.load %arg4[%swap3A_110, %swap3A_111, %swap3A_112] : memref<20x400x128xf32, #tpu.memory_space<vmem>>, vector<1x400x128xf32>
    %swap3A_114 = vector.shape_cast %swap3A_113 : vector<1x400x128xf32> to vector<400x128xf32>
    %swap3A_115 = vector.shape_cast %slice3A_109 : vector<400x128xf32> to vector<1x400x128xf32>
    tpu.vector_store %arg4[%swap3A_110, %swap3A_111, %swap3A_112], %swap3A_115 {strides = array<i32>} : memref<20x400x128xf32, #tpu.memory_space<vmem>>, vector<1x400x128xf32>,
    %slice3A_116 = vector.extract_strided_slice %div3A_16 {offsets = [0, 1792], sizes = [400, 128], strides = [1, 1]} : vector<400x2560xf32> to vector<400x128xf32>
    %swap3A_117 = arith.constant 14 : index
    %swap3A_118 = arith.constant 0 : index
    %swap3A_119 = arith.constant 0 : index
    %swap3A_120 = vector.load %arg4[%swap3A_117, %swap3A_118, %swap3A_119] : memref<20x400x128xf32, #tpu.memory_space<vmem>>, vector<1x400x128xf32>
    %swap3A_121 = vector.shape_cast %swap3A_120 : vector<1x400x128xf32> to vector<400x128xf32>
    %swap3A_122 = vector.shape_cast %slice3A_116 : vector<400x128xf32> to vector<1x400x128xf32>
    tpu.vector_store %arg4[%swap3A_117, %swap3A_118, %swap3A_119], %swap3A_122 {strides = array<i32>} : memref<20x400x128xf32, #tpu.memory_space<vmem>>, vector<1x400x128xf32>,
    %slice3A_123 = vector.extract_strided_slice %div3A_16 {offsets = [0, 1920], sizes = [400, 128], strides = [1, 1]} : vector<400x2560xf32> to vector<400x128xf32>
    %swap3A_124 = arith.constant 15 : index
    %swap3A_125 = arith.constant 0 : index
    %swap3A_126 = arith.constant 0 : index
    %swap3A_127 = vector.load %arg4[%swap3A_124, %swap3A_125, %swap3A_126] : memref<20x400x128xf32, #tpu.memory_space<vmem>>, vector<1x400x128xf32>
    %swap3A_128 = vector.shape_cast %swap3A_127 : vector<1x400x128xf32> to vector<400x128xf32>
    %swap3A_129 = vector.shape_cast %slice3A_123 : vector<400x128xf32> to vector<1x400x128xf32>
    tpu.vector_store %arg4[%swap3A_124, %swap3A_125, %swap3A_126], %swap3A_129 {strides = array<i32>} : memref<20x400x128xf32, #tpu.memory_space<vmem>>, vector<1x400x128xf32>,
    %slice3A_130 = vector.extract_strided_slice %div3A_16 {offsets = [0, 2048], sizes = [400, 128], strides = [1, 1]} : vector<400x2560xf32> to vector<400x128xf32>
    %swap3A_131 = arith.constant 16 : index
    %swap3A_132 = arith.constant 0 : index
    %swap3A_133 = arith.constant 0 : index
    %swap3A_134 = vector.load %arg4[%swap3A_131, %swap3A_132, %swap3A_133] : memref<20x400x128xf32, #tpu.memory_space<vmem>>, vector<1x400x128xf32>
    %swap3A_135 = vector.shape_cast %swap3A_134 : vector<1x400x128xf32> to vector<400x128xf32>
    %swap3A_136 = vector.shape_cast %slice3A_130 : vector<400x128xf32> to vector<1x400x128xf32>
    tpu.vector_store %arg4[%swap3A_131, %swap3A_132, %swap3A_133], %swap3A_136 {strides = array<i32>} : memref<20x400x128xf32, #tpu.memory_space<vmem>>, vector<1x400x128xf32>,
    %slice3A_137 = vector.extract_strided_slice %div3A_16 {offsets = [0, 2176], sizes = [400, 128], strides = [1, 1]} : vector<400x2560xf32> to vector<400x128xf32>
    %swap3A_138 = arith.constant 17 : index
    %swap3A_139 = arith.constant 0 : index
    %swap3A_140 = arith.constant 0 : index
    %swap3A_141 = vector.load %arg4[%swap3A_138, %swap3A_139, %swap3A_140] : memref<20x400x128xf32, #tpu.memory_space<vmem>>, vector<1x400x128xf32>
    %swap3A_142 = vector.shape_cast %swap3A_141 : vector<1x400x128xf32> to vector<400x128xf32>
    %swap3A_143 = vector.shape_cast %slice3A_137 : vector<400x128xf32> to vector<1x400x128xf32>
    tpu.vector_store %arg4[%swap3A_138, %swap3A_139, %swap3A_140], %swap3A_143 {strides = array<i32>} : memref<20x400x128xf32, #tpu.memory_space<vmem>>, vector<1x400x128xf32>,
    %slice3A_144 = vector.extract_strided_slice %div3A_16 {offsets = [0, 2304], sizes = [400, 128], strides = [1, 1]} : vector<400x2560xf32> to vector<400x128xf32>
    %swap3A_145 = arith.constant 18 : index
    %swap3A_146 = arith.constant 0 : index
    %swap3A_147 = arith.constant 0 : index
    %swap3A_148 = vector.load %arg4[%swap3A_145, %swap3A_146, %swap3A_147] : memref<20x400x128xf32, #tpu.memory_space<vmem>>, vector<1x400x128xf32>
    %swap3A_149 = vector.shape_cast %swap3A_148 : vector<1x400x128xf32> to vector<400x128xf32>
    %swap3A_150 = vector.shape_cast %slice3A_144 : vector<400x128xf32> to vector<1x400x128xf32>
    tpu.vector_store %arg4[%swap3A_145, %swap3A_146, %swap3A_147], %swap3A_150 {strides = array<i32>} : memref<20x400x128xf32, #tpu.memory_space<vmem>>, vector<1x400x128xf32>,
    %slice3A_151 = vector.extract_strided_slice %div3A_16 {offsets = [0, 2432], sizes = [400, 128], strides = [1, 1]} : vector<400x2560xf32> to vector<400x128xf32>
    %swap3A_152 = arith.constant 19 : index
    %swap3A_153 = arith.constant 0 : index
    %swap3A_154 = arith.constant 0 : index
    %swap3A_155 = vector.load %arg4[%swap3A_152, %swap3A_153, %swap3A_154] : memref<20x400x128xf32, #tpu.memory_space<vmem>>, vector<1x400x128xf32>
    %swap3A_156 = vector.shape_cast %swap3A_155 : vector<1x400x128xf32> to vector<400x128xf32>
    %swap3A_157 = vector.shape_cast %slice3A_151 : vector<400x128xf32> to vector<1x400x128xf32>
    tpu.vector_store %arg4[%swap3A_152, %swap3A_153, %swap3A_154], %swap3A_157 {strides = array<i32>} : memref<20x400x128xf32, #tpu.memory_space<vmem>>, vector<1x400x128xf32>,
    %eq3A = arith.constant 0 : i32
    %eq3A_158 = arith.cmpi eq, %arg0, %eq3A : i32
    %convert_element_type3A = arith.extui %eq3A_158 : i1 to i32
    %cond3A = arith.constant 0 : i32
    %cond3A_159 = arith.cmpi ne, %convert_element_type3A, %cond3A : i32
    scf.if %cond3A_159 {
      %broadcast_in_dim3A_168 = arith.constant 0.000000e+00 : f32
      %broadcast_in_dim3A_169 = vector.broadcast %broadcast_in_dim3A_168 : f32 to vector<2560x128xf32>
      %swap3A_170 = arith.constant 0 : index
      %swap3A_171 = arith.constant 0 : index
      %swap3A_172 = vector.load %arg5[%swap3A_170, %swap3A_171] : memref<2560x128xf32, #tpu.memory_space<vmem>>, vector<2560x128xf32>
      tpu.vector_store %arg5[%swap3A_170, %swap3A_171], %broadcast_in_dim3A_169 {strides = array<i32>} : memref<2560x128xf32, #tpu.memory_space<vmem>>, vector<2560x128xf32>,
    } else {
    }
    %get3A_160 = arith.constant 0 : index
    %get3A_161 = arith.constant 0 : index
    %get3A_162 = vector.load %arg5[%get3A_160, %get3A_161] : memref<2560x128xf32, #tpu.memory_space<vmem>>, vector<2560x128xf32>
    %dot_general3A_163 = arith.constant dense<0.000000e+00> : vector<2560x128xf32>
    %dot_general3A_164 = tpu.matmul %div3A_16, %get3A_1, %dot_general3A_163 {dimension_numbers = #tpu.dot_dimension_numbers<[0], [0], [1], [1], [0, 1, 1, 1], [], []>, transpose_lhs_hint = false} : vector<400x2560xf32>, vector<400x128xf32>, vector<2560x128xf32> -> vector<2560x128xf32>
    %add3A = arith.addf %get3A_162, %dot_general3A_164 : vector<2560x128xf32>
    %swap3A_165 = arith.constant 0 : index
    %swap3A_166 = arith.constant 0 : index
    %swap3A_167 = vector.load %arg5[%swap3A_165, %swap3A_166] : memref<2560x128xf32, #tpu.memory_space<vmem>>, vector<2560x128xf32>
    tpu.vector_store %arg5[%swap3A_165, %swap3A_166], %add3A {strides = array<i32>} : memref<2560x128xf32, #tpu.memory_space<vmem>>, vector<2560x128xf32>,
    return
  }
  func.func @transform_0(%arg0: i32) -> (i32, i32) {
    %c0_i32 = arith.constant 0 : i32
    %c0_i32_0 = arith.constant 0 : i32
    return %arg0, %c0_i32 : i32, i32
  }
  func.func @transform_1(%arg0: i32) -> (i32, i32) {
    %c0_i32 = arith.constant 0 : i32
    %c0_i32_0 = arith.constant 0 : i32
    %c0_i32_1 = arith.constant 0 : i32
    return %c0_i32, %c0_i32_0 : i32, i32
  }
  func.func @transform_2(%arg0: i32) -> (i32, i32) {
    %c0_i32 = arith.constant 0 : i32
    %c0_i32_0 = arith.constant 0 : i32
    return %arg0, %c0_i32 : i32, i32
  }
  func.func @transform_3(%arg0: i32) -> (i32, i32, i32) {
    %c0_i32 = arith.constant 0 : i32
    %c0_i32_0 = arith.constant 0 : i32
    %c0_i32_1 = arith.constant 0 : i32
    return %c0_i32, %arg0, %c0_i32_0 : i32, i32, i32
  }
  func.func @transform_4(%arg0: i32) -> (i32, i32) {
    %c0_i32 = arith.constant 0 : i32
    %c0_i32_0 = arith.constant 0 : i32
    %c0_i32_1 = arith.constant 0 : i32
    return %c0_i32, %c0_i32_0 : i32, i32
  }
}

module attributes {stable_mosaic.version = 14 : i64} {
  func.func @_adj_body(%arg0: i32, %arg1: i32, %arg2: memref<400x2560xf32, #tpu.memory_space<vmem>>, %arg3: memref<1x5x400x128xf32, #tpu.memory_space<vmem>>, %arg4: memref<1x5x400x128xf32, #tpu.memory_space<vmem>>, %arg5: memref<2560x640xf32, #tpu.memory_space<vmem>>) attributes {dimension_semantics = [#tpu.dimension_semantics<arbitrary>, #tpu.dimension_semantics<arbitrary>], iteration_bounds = array<i64: 4, 25>, scalar_prefetch = 0 : i64, scratch_operands = 0 : i64, tpu.core_type = #tpu.core_type<tc>, window_params = [{transform_indices = @transform_0, window_bounds = array<i64: 400, 2560>}, {transform_indices = @transform_1, window_bounds = array<i64: 1, 5, 400, 128>}, {transform_indices = @transform_2, window_bounds = array<i64: 1, 5, 400, 128>}, {transform_indices = @transform_3, window_bounds = array<i64: 2560, 640>}]} {
    %eq3A = arith.constant 0 : i32
    %eq3A_0 = arith.cmpi eq, %arg1, %eq3A : i32
    %convert_element_type3A = arith.extui %eq3A_0 : i1 to i32
    %cond3A = arith.constant 0 : i32
    %cond3A_1 = arith.cmpi ne, %convert_element_type3A, %cond3A : i32
    scf.if %cond3A_1 {
      %broadcast_in_dim3A = arith.constant 0.000000e+00 : f32
      %broadcast_in_dim3A_117 = vector.broadcast %broadcast_in_dim3A : f32 to vector<2560x640xf32>
      %swap3A_118 = arith.constant 0 : index
      %swap3A_119 = arith.constant 0 : index
      %swap3A_120 = vector.load %arg5[%swap3A_118, %swap3A_119] : memref<2560x640xf32, #tpu.memory_space<vmem>>, vector<2560x640xf32>
      tpu.vector_store %arg5[%swap3A_118, %swap3A_119], %broadcast_in_dim3A_117 {strides = array<i32>} : memref<2560x640xf32, #tpu.memory_space<vmem>>, vector<2560x640xf32>,
    } else {
    }
    %get3A = arith.constant 0 : index
    %get3A_2 = arith.constant 0 : index
    %get3A_3 = vector.load %arg2[%get3A, %get3A_2] : memref<400x2560xf32, #tpu.memory_space<vmem>>, vector<400x2560xf32>
    %convert_element_type3A_4 = arith.truncf %get3A_3 : vector<400x2560xf32> to vector<400x2560xbf16>
    %get3A_5 = arith.constant 0 : index
    %get3A_6 = arith.constant 0 : index
    %get3A_7 = arith.constant 0 : index
    %get3A_8 = arith.constant 0 : index
    %get3A_9 = vector.load %arg3[%get3A_5, %get3A_6, %get3A_7, %get3A_8] : memref<1x5x400x128xf32, #tpu.memory_space<vmem>>, vector<1x1x400x128xf32>
    %get3A_10 = vector.shape_cast %get3A_9 : vector<1x1x400x128xf32> to vector<400x128xf32>
    %get3A_11 = arith.constant 0 : index
    %get3A_12 = arith.constant 0 : index
    %get3A_13 = arith.constant 0 : index
    %get3A_14 = arith.constant 0 : index
    %get3A_15 = vector.load %arg4[%get3A_11, %get3A_12, %get3A_13, %get3A_14] : memref<1x5x400x128xf32, #tpu.memory_space<vmem>>, vector<1x1x400x128xf32>
    %get3A_16 = vector.shape_cast %get3A_15 : vector<1x1x400x128xf32> to vector<400x128xf32>
    %add3A = arith.addf %get3A_10, %get3A_16 : vector<400x128xf32>
    %convert_element_type3A_17 = arith.truncf %add3A : vector<400x128xf32> to vector<400x128xbf16>
    %get3A_18 = arith.constant 0 : index
    %get3A_19 = arith.constant 0 : index
    %get3A_20 = vector.load %arg5[%get3A_18, %get3A_19] : memref<2560x640xf32, #tpu.memory_space<vmem>>, vector<2560x128xf32>
    %dot_general3A = arith.constant dense<0.000000e+00> : vector<2560x128xf32>
    %dot_general3A_21 = tpu.matmul %convert_element_type3A_4, %convert_element_type3A_17, %dot_general3A {dimension_numbers = #tpu.dot_dimension_numbers<[0], [0], [1], [1], [0, 1, 1, 1], [], []>, transpose_lhs_hint = false} : vector<400x2560xbf16>, vector<400x128xbf16>, vector<2560x128xf32> -> vector<2560x128xf32>
    %add3A_22 = arith.addf %get3A_20, %dot_general3A_21 : vector<2560x128xf32>
    %swap3A = arith.constant 0 : index
    %swap3A_23 = arith.constant 0 : index
    %swap3A_24 = vector.load %arg5[%swap3A, %swap3A_23] : memref<2560x640xf32, #tpu.memory_space<vmem>>, vector<2560x128xf32>
    tpu.vector_store %arg5[%swap3A, %swap3A_23], %add3A_22 {strides = array<i32>} : memref<2560x640xf32, #tpu.memory_space<vmem>>, vector<2560x128xf32>,
    %get3A_25 = arith.constant 0 : index
    %get3A_26 = arith.constant 1 : index
    %get3A_27 = arith.constant 0 : index
    %get3A_28 = arith.constant 0 : index
    %get3A_29 = vector.load %arg3[%get3A_25, %get3A_26, %get3A_27, %get3A_28] : memref<1x5x400x128xf32, #tpu.memory_space<vmem>>, vector<1x1x400x128xf32>
    %get3A_30 = vector.shape_cast %get3A_29 : vector<1x1x400x128xf32> to vector<400x128xf32>
    %get3A_31 = arith.constant 0 : index
    %get3A_32 = arith.constant 1 : index
    %get3A_33 = arith.constant 0 : index
    %get3A_34 = arith.constant 0 : index
    %get3A_35 = vector.load %arg4[%get3A_31, %get3A_32, %get3A_33, %get3A_34] : memref<1x5x400x128xf32, #tpu.memory_space<vmem>>, vector<1x1x400x128xf32>
    %get3A_36 = vector.shape_cast %get3A_35 : vector<1x1x400x128xf32> to vector<400x128xf32>
    %add3A_37 = arith.addf %get3A_30, %get3A_36 : vector<400x128xf32>
    %convert_element_type3A_38 = arith.truncf %add3A_37 : vector<400x128xf32> to vector<400x128xbf16>
    %get3A_39 = arith.constant 0 : index
    %get3A_40 = arith.constant 128 : index
    %get3A_41 = vector.load %arg5[%get3A_39, %get3A_40] : memref<2560x640xf32, #tpu.memory_space<vmem>>, vector<2560x128xf32>
    %dot_general3A_42 = arith.constant dense<0.000000e+00> : vector<2560x128xf32>
    %dot_general3A_43 = tpu.matmul %convert_element_type3A_4, %convert_element_type3A_38, %dot_general3A_42 {dimension_numbers = #tpu.dot_dimension_numbers<[0], [0], [1], [1], [0, 1, 1, 1], [], []>, transpose_lhs_hint = false} : vector<400x2560xbf16>, vector<400x128xbf16>, vector<2560x128xf32> -> vector<2560x128xf32>
    %add3A_44 = arith.addf %get3A_41, %dot_general3A_43 : vector<2560x128xf32>
    %swap3A_45 = arith.constant 0 : index
    %swap3A_46 = arith.constant 128 : index
    %swap3A_47 = vector.load %arg5[%swap3A_45, %swap3A_46] : memref<2560x640xf32, #tpu.memory_space<vmem>>, vector<2560x128xf32>
    tpu.vector_store %arg5[%swap3A_45, %swap3A_46], %add3A_44 {strides = array<i32>} : memref<2560x640xf32, #tpu.memory_space<vmem>>, vector<2560x128xf32>,
    %get3A_48 = arith.constant 0 : index
    %get3A_49 = arith.constant 2 : index
    %get3A_50 = arith.constant 0 : index
    %get3A_51 = arith.constant 0 : index
    %get3A_52 = vector.load %arg3[%get3A_48, %get3A_49, %get3A_50, %get3A_51] : memref<1x5x400x128xf32, #tpu.memory_space<vmem>>, vector<1x1x400x128xf32>
    %get3A_53 = vector.shape_cast %get3A_52 : vector<1x1x400x128xf32> to vector<400x128xf32>
    %get3A_54 = arith.constant 0 : index
    %get3A_55 = arith.constant 2 : index
    %get3A_56 = arith.constant 0 : index
    %get3A_57 = arith.constant 0 : index
    %get3A_58 = vector.load %arg4[%get3A_54, %get3A_55, %get3A_56, %get3A_57] : memref<1x5x400x128xf32, #tpu.memory_space<vmem>>, vector<1x1x400x128xf32>
    %get3A_59 = vector.shape_cast %get3A_58 : vector<1x1x400x128xf32> to vector<400x128xf32>
    %add3A_60 = arith.addf %get3A_53, %get3A_59 : vector<400x128xf32>
    %convert_element_type3A_61 = arith.truncf %add3A_60 : vector<400x128xf32> to vector<400x128xbf16>
    %get3A_62 = arith.constant 0 : index
    %get3A_63 = arith.constant 256 : index
    %get3A_64 = vector.load %arg5[%get3A_62, %get3A_63] : memref<2560x640xf32, #tpu.memory_space<vmem>>, vector<2560x128xf32>
    %dot_general3A_65 = arith.constant dense<0.000000e+00> : vector<2560x128xf32>
    %dot_general3A_66 = tpu.matmul %convert_element_type3A_4, %convert_element_type3A_61, %dot_general3A_65 {dimension_numbers = #tpu.dot_dimension_numbers<[0], [0], [1], [1], [0, 1, 1, 1], [], []>, transpose_lhs_hint = false} : vector<400x2560xbf16>, vector<400x128xbf16>, vector<2560x128xf32> -> vector<2560x128xf32>
    %add3A_67 = arith.addf %get3A_64, %dot_general3A_66 : vector<2560x128xf32>
    %swap3A_68 = arith.constant 0 : index
    %swap3A_69 = arith.constant 256 : index
    %swap3A_70 = vector.load %arg5[%swap3A_68, %swap3A_69] : memref<2560x640xf32, #tpu.memory_space<vmem>>, vector<2560x128xf32>
    tpu.vector_store %arg5[%swap3A_68, %swap3A_69], %add3A_67 {strides = array<i32>} : memref<2560x640xf32, #tpu.memory_space<vmem>>, vector<2560x128xf32>,
    %get3A_71 = arith.constant 0 : index
    %get3A_72 = arith.constant 3 : index
    %get3A_73 = arith.constant 0 : index
    %get3A_74 = arith.constant 0 : index
    %get3A_75 = vector.load %arg3[%get3A_71, %get3A_72, %get3A_73, %get3A_74] : memref<1x5x400x128xf32, #tpu.memory_space<vmem>>, vector<1x1x400x128xf32>
    %get3A_76 = vector.shape_cast %get3A_75 : vector<1x1x400x128xf32> to vector<400x128xf32>
    %get3A_77 = arith.constant 0 : index
    %get3A_78 = arith.constant 3 : index
    %get3A_79 = arith.constant 0 : index
    %get3A_80 = arith.constant 0 : index
    %get3A_81 = vector.load %arg4[%get3A_77, %get3A_78, %get3A_79, %get3A_80] : memref<1x5x400x128xf32, #tpu.memory_space<vmem>>, vector<1x1x400x128xf32>
    %get3A_82 = vector.shape_cast %get3A_81 : vector<1x1x400x128xf32> to vector<400x128xf32>
    %add3A_83 = arith.addf %get3A_76, %get3A_82 : vector<400x128xf32>
    %convert_element_type3A_84 = arith.truncf %add3A_83 : vector<400x128xf32> to vector<400x128xbf16>
    %get3A_85 = arith.constant 0 : index
    %get3A_86 = arith.constant 384 : index
    %get3A_87 = vector.load %arg5[%get3A_85, %get3A_86] : memref<2560x640xf32, #tpu.memory_space<vmem>>, vector<2560x128xf32>
    %dot_general3A_88 = arith.constant dense<0.000000e+00> : vector<2560x128xf32>
    %dot_general3A_89 = tpu.matmul %convert_element_type3A_4, %convert_element_type3A_84, %dot_general3A_88 {dimension_numbers = #tpu.dot_dimension_numbers<[0], [0], [1], [1], [0, 1, 1, 1], [], []>, transpose_lhs_hint = false} : vector<400x2560xbf16>, vector<400x128xbf16>, vector<2560x128xf32> -> vector<2560x128xf32>
    %add3A_90 = arith.addf %get3A_87, %dot_general3A_89 : vector<2560x128xf32>
    %swap3A_91 = arith.constant 0 : index
    %swap3A_92 = arith.constant 384 : index
    %swap3A_93 = vector.load %arg5[%swap3A_91, %swap3A_92] : memref<2560x640xf32, #tpu.memory_space<vmem>>, vector<2560x128xf32>
    tpu.vector_store %arg5[%swap3A_91, %swap3A_92], %add3A_90 {strides = array<i32>} : memref<2560x640xf32, #tpu.memory_space<vmem>>, vector<2560x128xf32>,
    %get3A_94 = arith.constant 0 : index
    %get3A_95 = arith.constant 4 : index
    %get3A_96 = arith.constant 0 : index
    %get3A_97 = arith.constant 0 : index
    %get3A_98 = vector.load %arg3[%get3A_94, %get3A_95, %get3A_96, %get3A_97] : memref<1x5x400x128xf32, #tpu.memory_space<vmem>>, vector<1x1x400x128xf32>
    %get3A_99 = vector.shape_cast %get3A_98 : vector<1x1x400x128xf32> to vector<400x128xf32>
    %get3A_100 = arith.constant 0 : index
    %get3A_101 = arith.constant 4 : index
    %get3A_102 = arith.constant 0 : index
    %get3A_103 = arith.constant 0 : index
    %get3A_104 = vector.load %arg4[%get3A_100, %get3A_101, %get3A_102, %get3A_103] : memref<1x5x400x128xf32, #tpu.memory_space<vmem>>, vector<1x1x400x128xf32>
    %get3A_105 = vector.shape_cast %get3A_104 : vector<1x1x400x128xf32> to vector<400x128xf32>
    %add3A_106 = arith.addf %get3A_99, %get3A_105 : vector<400x128xf32>
    %convert_element_type3A_107 = arith.truncf %add3A_106 : vector<400x128xf32> to vector<400x128xbf16>
    %get3A_108 = arith.constant 0 : index
    %get3A_109 = arith.constant 512 : index
    %get3A_110 = vector.load %arg5[%get3A_108, %get3A_109] : memref<2560x640xf32, #tpu.memory_space<vmem>>, vector<2560x128xf32>
    %dot_general3A_111 = arith.constant dense<0.000000e+00> : vector<2560x128xf32>
    %dot_general3A_112 = tpu.matmul %convert_element_type3A_4, %convert_element_type3A_107, %dot_general3A_111 {dimension_numbers = #tpu.dot_dimension_numbers<[0], [0], [1], [1], [0, 1, 1, 1], [], []>, transpose_lhs_hint = false} : vector<400x2560xbf16>, vector<400x128xbf16>, vector<2560x128xf32> -> vector<2560x128xf32>
    %add3A_113 = arith.addf %get3A_110, %dot_general3A_112 : vector<2560x128xf32>
    %swap3A_114 = arith.constant 0 : index
    %swap3A_115 = arith.constant 512 : index
    %swap3A_116 = vector.load %arg5[%swap3A_114, %swap3A_115] : memref<2560x640xf32, #tpu.memory_space<vmem>>, vector<2560x128xf32>
    tpu.vector_store %arg5[%swap3A_114, %swap3A_115], %add3A_113 {strides = array<i32>} : memref<2560x640xf32, #tpu.memory_space<vmem>>, vector<2560x128xf32>,
    return
  }
  func.func @transform_0(%arg0: i32, %arg1: i32) -> (i32, i32) {
    %c0_i32 = arith.constant 0 : i32
    %c0_i32_0 = arith.constant 0 : i32
    return %arg1, %c0_i32 : i32, i32
  }
  func.func @transform_1(%arg0: i32, %arg1: i32) -> (i32, i32, i32, i32) {
    %c0_i32 = arith.constant 0 : i32
    %c0_i32_0 = arith.constant 0 : i32
    %c0_i32_1 = arith.constant 0 : i32
    return %c0_i32, %arg0, %arg1, %c0_i32_0 : i32, i32, i32, i32
  }
  func.func @transform_2(%arg0: i32, %arg1: i32) -> (i32, i32, i32, i32) {
    %c1_i32 = arith.constant 1 : i32
    %c0_i32 = arith.constant 0 : i32
    %c0_i32_0 = arith.constant 0 : i32
    return %c1_i32, %arg0, %arg1, %c0_i32 : i32, i32, i32, i32
  }
  func.func @transform_3(%arg0: i32, %arg1: i32) -> (i32, i32) {
    %c0_i32 = arith.constant 0 : i32
    %c0_i32_0 = arith.constant 0 : i32
    return %c0_i32, %arg0 : i32, i32
  }
}

</mosaic_0001>

<sc_bundles>
// kernel: kernel.5.cloned.1.call-start
scs
__scs_entry_jumppad:
0x0: {  	(pc) =	sbr.rel $0x88, $3  }
0x1: {  	(tag) =	ssettag $0x0;
	lr =	simm.s32 $0x1  }
0x2: {  	[smem:$0x3F9C] =	sst lr;
	_ =	strace $0xD0000000  }
0x3: {  	_ = 	snop  }
0x4: {  	_ = 	snop  }
0x5: {  	_ = 	snop  }
0x6: {  	_ = 	snop  }
0x7: {  	_ = 	snop  }
__scs_overlays_trampoline_lowered:
0x8: {  	[smem:$0x3FAB] =	sst s0  }
0x9: {  	[smem:$0x3FAC] =	sst s1  }
0xa: {  	[smem:$0x3FAD] =	sst s2  }
0xb: {  	[smem:$0x3FAE] =	sst s3  }
0xc: {  	[smem:$0x3FAF] =	sst s4  }
0xd: {  	[smem:$0x3FB0] =	sst s5  }
0xe: {  	[smem:$0x3FB1] =	sst s6  }
0xf: {  	[smem:$0x3FB2] =	sst s7  }
0x10: {  	[smem:$0x3FB3] =	sst s8  }
0x11: {  	[smem:$0x3FB4] =	sst s9;
	s0 =	simm.s32 @!p0 $0x0  }
0x12: {  	s1 =	sld [smem:$0x3F9A];
	s0 =	simm.s32 @p0 $0x1  }
0x13: {  	[smem:$0x3FB5] =	sst s0;
	s0 =	simm.s32 @!p1 $0x0  }
0x14: {  	s2 =	sld [smem:$0x3F99];
	s0 =	simm.s32 @p1 $0x1  }
0x15: {  	[smem:$0x3FB6] =	sst s0;
	s0 =	simm.s32 @!p2 $0x0  }
0x16: {  	s3 =	sld [smem:$0x3FDB];
	s0 =	simm.s32 @p2 $0x1  }
0x17: {  	s4 =	simm.s32 $0x1BF5;
	[smem:$0x3FB8] =	sst s0  }
0x18: {  	s0 =	sld [smem:$0x3F9B];
	_ =	swait.ge [sflag:s4], $0x0  }
0x19: {  	s7 =	sld [smem:$0x3F9C]  }
0x1a: {  	s8 =	sadd.s32 $0xFFFFE003, lr  }
0x1b: {  	s9 =	sadd.s32 $0xFFFFFEF7, lr;
	s5 =	simm.s32 $0xFFFFFFFF;
	p2 =	slt.u32 s8, $0xFFFFF086  }
0x1c: {  	p1 =	slt.u32 s9, $0xF7A;
	s5 =	simm.s32 @!p2 $0x0  }
0x1d: {  	s5 =	simm.s32 @p1 $0x1;
	p0 =	seq.s32 s7, s2  }
0x1e: {  	s7 =	smul.u32 @!p0 $0xF7A, s2;
	p2 =	seq.s32 @!p0 s5, $0x0  }
0x1f: {  	s9 =	smul.u32 $0xF7A, s1;
	s8 =	simm.s32 @!p0 $0x1BF5;
	p2 =	por !p2, p0  }
0x20: {  	[sflag:s8] =	ssyncset.s32 @!p0 $0xFFFFF086;
	s6 =	sadd.s32 @!p0 s3, s7;
	s7 =	simm.s32 @!p0 $0x108  }
0x21: {  	s3 =	sadd.s32 s3, s9;
	s6 =	sadd.s32 @!p0 $0x88, s6;
	s7 =	simm.s32 @p2 $0x1082  }
0x22: {  	[simem:s7], [sflag:s8] =	dma.local @!p0 [hbm:s6], $0xF7A  }
0x23: {  	s9 =	sor.u32 $0xD0000000, s2;
	s6 =	simm.s32 $0x108;
	_ =	swait.ge @!p0 [sflag:s8], $0x0  }
0x24: {  	s3 =	sadd.s32 $0x88, s3;
	s6 =	simm.s32 @!p1 $0x1082;
	[sflag:s4] =	ssyncset.s32 $0xFFFFF086  }
0x25: {  	[simem:s6], [sflag:s4] =	dma.local [hbm:s3], $0xF7A  }
0x26: {  	[smem:$0x3F9C] =	sst s1;
	(tag) =	ssettag s2;
	_ =	strace s9  }
0x27: {  	s1 =	sld [smem:$0x3FAC]  }
0x28: {  	s2 =	sld [smem:$0x3FAD]  }
0x29: {  	s4 =	sld [smem:$0x3FAF]  }
0x2a: {  	p0 =	seq.s32 s5, $0x0;
	s5 =	sld [smem:$0x3FB0]  }
0x2b: {  	s6 =	sld [smem:$0x3FB1]  }
0x2c: {  	s7 =	sld [smem:$0x3FB2]  }
0x2d: {  	s3 =	simm.s32 $0x108;
	s8 =	sld [smem:$0x3FB3]  }
0x2e: {  	s3 =	simm.s32 @!p0 $0x1082;
	s9 =	sld [smem:$0x3FB4]  }
0x2f: {  	lr =	sadd.s32 s0, s3;
	s0 =	sld [smem:$0x3FAB]  }
0x30: {  	s3 =	sld [smem:$0x3FAE]  }
0x31: {  	[smem:$0x3FB7] =	sst s10  }
0x32: {  	s10 =	sld [smem:$0x3FB5];
	_ =	sdelay $0x3  }
0x33: {  	p0 =	seq.s32 s10, $0x1;
	s10 =	sld [smem:$0x3FB7];
	_ =	sdelay $0x3  }
0x34: {  	[smem:$0x3FB7] =	sst s10  }
0x35: {  	s10 =	sld [smem:$0x3FB6];
	_ =	sdelay $0x3  }
0x36: {  	p1 =	seq.s32 s10, $0x1;
	s10 =	sld [smem:$0x3FB7];
	_ =	sdelay $0x3  }
0x37: {  	[smem:$0x3FB7] =	sst s10  }
0x38: {  	s10 =	sld [smem:$0x3FB8]  }
0x39: {  	_ = 	snop;
	(pc) =	sbr.ind lr, $3  }
0x3a: {  	_ = 	snop  }
0x3b: {  	_ = 	snop  }
0x3c: {  	p2 =	seq.s32 s10, $0x1;
	s10 =	sld [smem:$0x3FB7]  }
0x3d: {  	_ =	shalt  }
0x3e: {  	_ =	shalt  }
0x3f: {  	_ =	shalt  }
0x40: {  	_ =	shalt  }
0x41: {  	_ =	shalt  }
0x42: {  	_ =	shalt  }
0x43: {  	_ =	shalt  }
0x44: {  	_ =	shalt  }
0x45: {  	_ =	shalt  }
0x46: {  	_ =	shalt  }
0x47: {  	_ =	shalt  }
0x48: {  	_ =	shalt  }
0x49: {  	_ =	shalt  }
0x4a: {  	_ =	shalt  }
0x4b: {  	_ =	shalt  }
0x4c: {  	_ =	shalt  }
0x4d: {  	_ =	shalt  }
0x4e: {  	_ =	shalt  }
0x4f: {  	_ =	shalt  }
0x50: {  	_ =	shalt  }
0x51: {  	_ =	shalt  }
0x52: {  	_ =	shalt  }
0x53: {  	_ =	shalt  }
0x54: {  	_ =	shalt  }
0x55: {  	_ =	shalt  }
0x56: {  	_ =	shalt  }
0x57: {  	_ =	shalt  }
0x58: {  	_ =	shalt  }
0x59: {  	_ =	shalt  }
0x5a: {  	_ =	shalt  }
0x5b: {  	_ =	shalt  }
0x5c: {  	_ =	shalt  }
0x5d: {  	_ =	shalt  }
0x5e: {  	_ =	shalt  }
0x5f: {  	_ =	shalt  }
0x60: {  	_ =	shalt  }
0x61: {  	_ =	shalt  }
0x62: {  	_ =	shalt  }
0x63: {  	_ =	shalt  }
0x64: {  	_ =	shalt  }
0x65: {  	_ =	shalt  }
0x66: {  	_ =	shalt  }
0x67: {  	_ =	shalt  }
0x68: {  	_ =	shalt  }
0x69: {  	_ =	shalt  }
0x6a: {  	_ =	shalt  }
0x6b: {  	_ =	shalt  }
0x6c: {  	_ =	shalt  }
0x6d: {  	_ =	shalt  }
0x6e: {  	_ =	shalt  }
0x6f: {  	_ =	shalt  }
0x70: {  	_ =	shalt  }
0x71: {  	_ =	shalt  }
0x72: {  	_ =	shalt  }
0x73: {  	_ =	shalt  }
0x74: {  	_ =	shalt  }
0x75: {  	_ =	shalt  }
0x76: {  	_ =	shalt  }
0x77: {  	_ =	shalt  }
0x78: {  	_ =	shalt  }
0x79: {  	_ =	shalt  }
0x7a: {  	_ =	shalt  }
0x7b: {  	_ =	shalt  }
0x7c: {  	_ =	shalt  }
0x7d: {  	_ =	shalt  }
0x7e: {  	_ =	shalt  }
0x7f: {  	_ =	shalt  }
0x80: {  	_ =	shalt  }
0x81: {  	_ =	shalt  }
0x82: {  	_ =	shalt  }
0x83: {  	_ =	shalt  }
0x84: {  	_ =	shalt  }
0x85: {  	_ =	shalt  }
0x86: {  	_ =	shalt  }
0x87: {  	_ =	shalt  }
.Lfunc_end0:
.L_simem_size_0:
called_computation.3_lowered:
.L_overlay_start_0:
0x88: {  	s2 =	sld [smem:$0x3FD9]  }
0x89: {  	s3 =	sld [smem:$0x3FFE];
	_ =	sdelay $0x1  }
0x8a: {  	s1 =	srdreg.scid  }
0x8b: {  	s0 =	sand.u32 $0x1, s1  }
0x8c: {  	s16 =	sshll.u32 s0, $0xA;
	s2 =	sadd.s32 s3, s2  }
0x8d: {  	s2 =	sadd.s32 s2, s16  }
0x8e: {  	[smem:$0x3FC3] =	sst s2  }
0x8f: {  	_ = 	snop  }
0x90: {  	(tm) =	ssettm $0x1  }
0x91: {  	s17 =	sld [smem:$0x3FFB];
	_ =	sdelay $0x3  }
0x92: {  	_ =	strace s17  }
0x93: {  	s2 =	sld [smem:$0x3FFC];
	_ =	sdelay $0x3  }
0x94: {  	_ =	strace s2  }
0x95: {  	s2 =	sld [smem:$0x3FFD];
	_ =	sdelay $0x3  }
0x96: {  	_ =	strace s2  }
0x97: {  	_ =	strace $0x8FFFFFFF  }
0x98: {  	s18 =	sld [smem:$0x3FDB];
	_ =	sdelay $0x1  }
0x99: {  	s19 =	simm.s32 $_scs_section_size  }
0x9a: {  	s4 =	simm.s32 $_size__tile_overlayer_lowered;
	s5 =	simm.s32 $_tile_overlayer_lowered  }
0x9b: {  	s22 =	simm.s32 $0x1BFF;
	s21 =	sshll.u32 s5, $0x1;
	s2 =	sadd.s32 s19, s18  }
0x9c: {  	s6 =	simm.s32 $0x0;
	s20 =	sshll.u32 s4, $0x1;
	s4 =	sadd.s32 s21, s2  }
0x9d: {  	[timem:s6], [sflag:s22] =	dma.local [hbm:s4], s20  }
0x9e: {  	_ =	swait.ge [sflag:s22], s20  }
0x9f: {  	s3 =	ssub.s32 $0x0, s20;
	[sflag:s22] =	ssyncset.done $0x0  }
0xa0: {  	[sflag:s22] =	ssyncadd.s32 s3;
	_ =	sdelay $0x1  }
0xa1: {  	s23 =	simm.s32 $0x1B8B  }
0xa2: {  	_ =	swait.ge [sflag:s23], $0x1  }
0xa3: {  	[sflag:s23] =	ssyncset.done $0x0  }
0xa4: {  	s25 =	simm.s32 $0x1B8E;
	s24 =	sld [smem:$0x3FFE];
	[sflag:s23] =	ssyncadd.s32 $0xFFFFFFFF  }
0xa5: {  	s26 =	simm.s32 $execute0_lowered;
	[smem:$0x3FD2] =	sst s25  }
0xa6: {  	s4 =	sshll.u32 s26, $0x1;
	_ =	strace $0x8000004C;
	[dreg:$0x1] =	wrdreg $0xFFFFFFFF  }
0xa7: {  	s28 =	simm.s32 $_size_execute0_lowered;
	s2 =	sadd.s32 s2, s4;
	[dreg:$0x0] =	wrdreg $0x0  }
0xa8: {  	s4 =	sshll.u32 s28, $0x1;
	[dreg:$0x2] =	wrdreg s2  }
0xa9: {  	[dreg:$0x3] =	wrdreg s4  }
0xaa: {  	[dreg:$0x4] =	wrdreg $0xC0  }
0xab: {  	_ =	task [dreg:s6], $0x5FFFF  }
0xac: {  	[dreg:$0x1] =	wrdreg $0xFFFFFFFF  }
0xad: {  	[dreg:$0x0] =	wrdreg $0x60  }
0xae: {  	[dreg:$0x2] =	wrdreg s24  }
0xaf: {  	[dreg:$0x3] =	wrdreg $0xB8800  }
0xb0: {  	[dreg:$0x4] =	wrdreg $0xA  }
0xb1: {  	_ =	task.clear_ibuf [dreg:s6], $0x5FFFF;
	_ =	strace $0x9000004C  }
0xb2: {  	s29 =	simm.s32 $0xA;
	_ =	strace $0x8000004E  }
0xb3: {  	_ =	swait.ge [sflag:s29], $0x1  }
0xb4: {  	[sflag:s29] =	ssyncadd.s32 $0xFFFFFFFF  }
0xb5: {  	_ =	strace $0x9000004E  }
0xb6: {  	_ =	sfence  }
0xb7: {  	s30 =	sld [smem:$0x0];
	_ =	sdelay $0x2  }
0xb8: {  	s31 =	sshll.u32 s1, $0xD;
	s1 =	sshrl.u32 s1, $0x2  }
0xb9: {  	s3 =	sand.u32 $0x4000, s31;
	s1 =	sadd.s32 s1, s30  }
0xba: {  	s0 =	sor.u32 s3, s0;
	s1 =	sshll.u32 s1, $0x11  }
0xbb: {  	s0 =	sor.u32 s1, s0  }
0xbc: {  	s0 =	sadd.s32 $0x8F2B, s0  }
0xbd: {  	[sflag:s0] =	ssyncadd.remote.s32 $0x1  }
0xbe: {  	_ =	sfence.sel $0xFFFF  }
0xbf: {  	[dreg:$0x0] =	wrdreg $0xFFFFFFFF;
	(pc) =	sbr.abs _section_cstart, $3  }
0xc0: {  	[dreg:$0x1] =	wrdreg $0xFFFFFFFF  }
0xc1: {  	_ =	task.clear_ibuf [dreg:s6], $0x2FFFF;
	_ =	strace $0x9FFFFFFF  }
0xc2: {  	(tm) =	ssettm $0x7FFFFFFF  }
0xc3: {  	_ =	shalt  }
tec
execute0_lowered:
.L_overlay_start_1:
0x0: {  	(tag) =	ssettag $0x1  }
0x1: {  	s0 =	srdreg.scid  }
0x2: {  	s13 =	stileid.u32;
	s8 =	rddreg [dreg:$0x0];
	s15 =	simm.s32 $0x3  }
0x3: {  	s16 =	simm.s32 $0x2780;
	s19 =	simm.s32 $0x50;
	s20 =	simm.s32 $0x6780  }
0x4: {  	s21 =	simm.s32 $0x6880;
	s22 =	simm.s32 $0x1;
	s23 =	simm.s32 $0x6800  }
0x5: {  	s24 =	simm.s32 $0x9080;
	s28 =	simm.s32 $0x2;
	s29 =	simm.s32 $0x6580  }
0x6: {  	s30 =	simm.s32 $0x0;
	s0 =	sand.u32 $0x1, s0;
	s10 =	smul.u32 $0x50000, s13  }
0x7: {  	s3 =	sshll.u32 s13, $0x7;
	s6 =	sadd.s32 $0x636E00, s8;
	s25 =	smul.u32 $0x14000, s13  }
0x8: {  	s31 =	sshll.u32 s13, $0x6;
	p0 =	seq.s32 s13, $0xF;
	s1 =	sshll.u32 s0, $0x4  }
0x9: {  	s5 =	sand.u32 $0x380, s3;
	s3 =	simm.s32 $0x0;
	s9 =	ssub.s32 $0x2, s0  }
0xa: {  	s0 =	smul.u32 $0x186A000, s0;
	s17 =	sor.u32 $0x1C03, s31;
	s1 =	sor.u32 s13, s1  }
0xb: {  	[smem:$0x7FF] =	sst s3;
	s11 =	sshrl.u32 s9, $0x1;
	s26 =	sshrl.u32 s10, $0x2  }
0xc: {  	s2 =	sshrl.u32 s1, $0x3;
	s12 =	ssub.s32 s9, s11;
	s1 =	sshll.u32 s1, $0xB  }
0xd: {  	s10 =	sadd.s32 s0, s25;
	s11 =	sadd.s32 $0x12C000, s0;
	s4 =	smul.u32 $0x13C00, s2  }
0xe: {  	s2 =	rddreg [dreg:$0x1];
	_ =	strace $0x8000004D;
	s12 =	smax.u32 s12, $0x1  }
0xf: {  	s9 =	sadd.s32 s26, s2;
	s0 =	sadd.s32 $0x12C000, s2;
	s4 =	sor.u32 s5, s4  }
0x10: {  	s26 =	simm.s32 $0x4;
	s18 =	sshrl.u32 s9, $0x3;
	s5 =	sshrl.u32 s4, $0x3  }
0x11: {  	s25 =	sshrl.u32 @p0 s0, $0x3;
	s4 =	sadd.s32 $0x19E00, s8;
	s7 =	sadd.s32 s5, s8  }
0x12: {  	s5 =	sadd.s32 $0x634600, s8;
	s8 =	sadd.s32 s8, s1;
	s7 =	sadd.s32 $0x10000, s7  }
.LBB2_1:
0x13: {  	s0 =	simm.s32 $0x80;
	s1 =	simm.s32 $0x400  }
0x14: {  	[tilespmem:s3], [sflag:$0x3] =	stream.strided.gather [hbm4b:s7+s0], $0x2780, s1, s0, $0x38;
	[tilespmem:$0x1F880] =	vst v63  }
0x15: {  	_ =	swait.ge [sflag:s15], $0x2780  }
0x16: {  	[sflag:s15] =	ssyncset.done $0x0  }
0x17: {  	[sflag:s15] =	ssyncadd.s32 $0xFFFFD880  }
0x18: {  	[tilespmem:s16], [sflag:$0x3] =	stream.linear.gather [hbm4b:s8+s3], $0x3E80, $0x38;
	[tilespmem:$0x1F880] =	vst v63  }
0x19: {  	_ =	swait.ge [sflag:s15], $0x3E80  }
0x1a: {  	[sflag:s15] =	ssyncset.done $0x0  }
0x1b: {  	s31 =	simm.s32 $0x0;
	[sflag:s15] =	ssyncadd.s32 $0xFFFFC180  }
.LBB2_2:
0x1c: {  	[spmem:s18], [sflag:s17] =	dma.local [hbm:s5], $0x2800  }
0x1d: {  	_ =	swait.ge [sflag:s15], $0x2800  }
0x1e: {  	[sflag:s15] =	ssyncset.done $0x0  }
0x1f: {  	[sflag:s15] =	ssyncadd.s32 $0xFFFFD800  }
0x20: {  	[bflag:$0x0] =	sbarrier.arrive $0xFFFF  }
0x21: {  	v0 =	vld [tilespmem:$0x0]  }
0x22: {  	v1 =	vld [tilespmem:$0x10]  }
0x23: {  	v2 =	vld [tilespmem:$0x20]  }
0x24: {  	s0 =	smul.u32 $0x2710, s31;
	v3 =	vld [tilespmem:$0x30]  }
0x25: {  	v4 =	vld [tilespmem:$0x40]  }
0x26: {  	v0 =	vadd.s32 s0, v0  }
0x27: {  	[tilespmem:$0x6780] =	vst v0;
	v0 =	vadd.s32 s0, v1  }
0x28: {  	[tilespmem:$0x6790] =	vst v0;
	v0 =	vadd.s32 s0, v2  }
0x29: {  	[tilespmem:$0x67A0] =	vst v0;
	v0 =	vadd.s32 s0, v3  }
0x2a: {  	[tilespmem:$0x67B0] =	vst v0;
	v0 =	vadd.s32 s0, v4  }
0x2b: {  	[tilespmem:$0x67C0] =	vst v0  }
0x2c: {  	[tilespmem:s21], [sflag:$0x1] =	stream.indirect.gather [hbm4b:s4+s19], $0x80, s20, s19, $0xb8;
	[tilespmem:$0x1F880] =	vst v63  }
0x2d: {  	_ =	swait.ge [sflag:s22], $0x2800  }
0x2e: {  	[sflag:s22] =	ssyncset.done $0x0  }
0x2f: {  	s1 =	simm.s32 $0x70;
	[sflag:s22] =	ssyncadd.s32 $0xFFFFD800  }
0x30: {  	v1 =	vld [tilespmem:s1+$0xFFFFFFE0];
	_ =	sdelay $0x3  }
0x31: {  	v0 =	vmov s0  }
0x32: {  	v1 =	vadd.s32 v0, v1  }
0x33: {  	[tilespmem:$0x6800] =	vst v1  }
0x34: {  	v1 =	vld [tilespmem:s1+$0xFFFFFFF0];
	_ =	sdelay $0x4  }
0x35: {  	v1 =	vadd.s32 v0, v1  }
0x36: {  	[tilespmem:$0x6810] =	vst v1  }
0x37: {  	v1 =	vld [tilespmem:s1+$0x0];
	_ =	sdelay $0x4  }
0x38: {  	v1 =	vadd.s32 v0, v1  }
0x39: {  	[tilespmem:$0x6820] =	vst v1  }
0x3a: {  	v1 =	vld [tilespmem:s1+$0x10];
	_ =	sdelay $0x4  }
0x3b: {  	v1 =	vadd.s32 v0, v1  }
0x3c: {  	[tilespmem:$0x6830] =	vst v1  }
0x3d: {  	v1 =	vld [tilespmem:s1+$0x20];
	_ =	sdelay $0x4  }
0x3e: {  	v1 =	vadd.s32 v0, v1  }
0x3f: {  	[tilespmem:$0x6840] =	vst v1  }
0x40: {  	[tilespmem:s24], [sflag:$0x2] =	stream.indirect.gather [hbm4b:s4+s19], $0x80, s23, s19, $0xb8;
	[tilespmem:$0x1F880] =	vst v63  }
0x41: {  	s13 =	simm.s32 $0x2780  }
0x42: {  	[spmem:s2] =	stream.indirect.scatter.add.f32 [tilespmem:s21], [sflag:$0x4], $0x80, s13, s19, $0xb8;
	[tilespmem:$0x1F880] =	vst v63  }
0x43: {  	_ =	swait.ge [sflag:s26], $0x2800  }
0x44: {  	[sflag:s26] =	ssyncset.done $0x0  }
0x45: {  	[sflag:s26] =	ssyncadd.s32 $0xFFFFD800  }
0x46: {  	_ =	swait.ge [sflag:s28], $0x2800  }
0x47: {  	[sflag:s28] =	ssyncset.done $0x0  }
0x48: {  	[sflag:s28] =	ssyncadd.s32 $0xFFFFD800  }
0x49: {  	v1 =	vld [tilespmem:s1+$0x30];
	_ =	sdelay $0x4  }
0x4a: {  	v1 =	vadd.s32 v0, v1  }
0x4b: {  	[tilespmem:$0x6780] =	vst v1  }
0x4c: {  	v1 =	vld [tilespmem:s1+$0x40];
	_ =	sdelay $0x4  }
0x4d: {  	v1 =	vadd.s32 v0, v1  }
0x4e: {  	[tilespmem:$0x6790] =	vst v1  }
0x4f: {  	v1 =	vld [tilespmem:s1+$0x50];
	_ =	sdelay $0x4  }
0x50: {  	v1 =	vadd.s32 v0, v1  }
0x51: {  	[tilespmem:$0x67A0] =	vst v1  }
0x52: {  	v1 =	vld [tilespmem:s1+$0x60];
	_ =	sdelay $0x4  }
0x53: {  	v1 =	vadd.s32 v0, v1  }
0x54: {  	[tilespmem:$0x67B0] =	vst v1  }
0x55: {  	v1 =	vld [tilespmem:s1+$0x70];
	_ =	sdelay $0x4  }
0x56: {  	v1 =	vadd.s32 v0, v1  }
0x57: {  	[tilespmem:$0x67C0] =	vst v1  }
0x58: {  	[tilespmem:s21], [sflag:$0x1] =	stream.indirect.gather [hbm4b:s4+s19], $0x80, s20, s19, $0xb8;
	[tilespmem:$0x1F880] =	vst v63  }
0x59: {  	s14 =	simm.s32 $0x2800  }
0x5a: {  	[spmem:s2] =	stream.indirect.scatter.add.f32 [tilespmem:s24], [sflag:$0x3], $0x80, s14, s19, $0xb8;
	[tilespmem:$0x1F880] =	vst v63  }
0x5b: {  	_ =	swait.ge [sflag:s15], $0x2800  }
0x5c: {  	s0 =	simm.s32 $0x400;
	[sflag:s15] =	ssyncset.done $0x0  }
.LBB2_3:
0x5d: {  	p1 =	sne.s32 s0, $0xF400;
	[sflag:s15] =	ssyncadd.s32 $0xFFFFD800;
	s1 =	sadd.s32 $0xA0, s1  }
0x5e: {  	s13 =	smov.u32 s0;
	s0 =	sadd.s32 $0x400, s0  }
0x5f: {  	_ =	swait.ge [sflag:s22], $0x2800  }
0x60: {  	[sflag:s22] =	ssyncset.done $0x0  }
0x61: {  	[sflag:s22] =	ssyncadd.s32 $0xFFFFD800  }
0x62: {  	v1 =	vld [tilespmem:s1+$0xFFFFFFE0];
	_ =	sdelay $0x4  }
0x63: {  	v1 =	vadd.s32 v0, v1  }
0x64: {  	[tilespmem:$0x6800] =	vst v1  }
0x65: {  	v1 =	vld [tilespmem:s1+$0xFFFFFFF0];
	_ =	sdelay $0x4  }
0x66: {  	v1 =	vadd.s32 v0, v1  }
0x67: {  	[tilespmem:$0x6810] =	vst v1  }
0x68: {  	v1 =	vld [tilespmem:s1+$0x0];
	_ =	sdelay $0x4  }
0x69: {  	v1 =	vadd.s32 v0, v1  }
0x6a: {  	[tilespmem:$0x6820] =	vst v1  }
0x6b: {  	v1 =	vld [tilespmem:s1+$0x10];
	_ =	sdelay $0x4  }
0x6c: {  	v1 =	vadd.s32 v0, v1  }
0x6d: {  	[tilespmem:$0x6830] =	vst v1  }
0x6e: {  	v1 =	vld [tilespmem:s1+$0x20];
	_ =	sdelay $0x4  }
0x6f: {  	v1 =	vadd.s32 v0, v1  }
0x70: {  	s13 =	sshra.s32 s13, $0x2;
	[tilespmem:$0x6840] =	vst v1  }
0x71: {  	[tilespmem:s24], [sflag:$0x2] =	stream.indirect.gather [hbm4b:s4+s19], $0x80, s23, s19, $0xb8;
	[tilespmem:$0x1F880] =	vst v63  }
0x72: {  	s14 =	sadd.s32 $0x2780, s13  }
0x73: {  	[spmem:s2] =	stream.indirect.scatter.add.f32 [tilespmem:s21], [sflag:$0x4], $0x80, s14, s19, $0xb8;
	[tilespmem:$0x1F880] =	vst v63  }
0x74: {  	_ =	swait.ge [sflag:s26], $0x2800  }
0x75: {  	[sflag:s26] =	ssyncset.done $0x0  }
0x76: {  	[sflag:s26] =	ssyncadd.s32 $0xFFFFD800  }
0x77: {  	_ =	swait.ge [sflag:s28], $0x2800  }
0x78: {  	[sflag:s28] =	ssyncset.done $0x0  }
0x79: {  	[sflag:s28] =	ssyncadd.s32 $0xFFFFD800  }
0x7a: {  	v1 =	vld [tilespmem:s1+$0x30];
	_ =	sdelay $0x4  }
0x7b: {  	v1 =	vadd.s32 v0, v1  }
0x7c: {  	[tilespmem:$0x6780] =	vst v1  }
0x7d: {  	v1 =	vld [tilespmem:s1+$0x40];
	_ =	sdelay $0x4  }
0x7e: {  	v1 =	vadd.s32 v0, v1  }
0x7f: {  	[tilespmem:$0x6790] =	vst v1  }
0x80: {  	v1 =	vld [tilespmem:s1+$0x50];
	_ =	sdelay $0x4  }
0x81: {  	v1 =	vadd.s32 v0, v1  }
0x82: {  	[tilespmem:$0x67A0] =	vst v1  }
0x83: {  	v1 =	vld [tilespmem:s1+$0x60];
	_ =	sdelay $0x4  }
0x84: {  	v1 =	vadd.s32 v0, v1  }
0x85: {  	[tilespmem:$0x67B0] =	vst v1  }
0x86: {  	v1 =	vld [tilespmem:s1+$0x70];
	_ =	sdelay $0x4  }
0x87: {  	v1 =	vadd.s32 v0, v1  }
0x88: {  	[tilespmem:$0x67C0] =	vst v1  }
0x89: {  	[tilespmem:s21], [sflag:$0x1] =	stream.indirect.gather [hbm4b:s4+s19], $0x80, s20, s19, $0xb8;
	[tilespmem:$0x1F880] =	vst v63  }
.Ltmp0:
0x8a: {  	_ = 	snop;
	(pc) =	sbr.rel @p1 .LBB2_3-.Ltmp0, $4  }
0x8b: {  	s13 =	sadd.s32 $0x2800, s13  }
0x8c: {  	[spmem:s2] =	stream.indirect.scatter.add.f32 [tilespmem:s24], [sflag:$0x3], $0x80, s13, s19, $0xb8;
	[tilespmem:$0x1F880] =	vst v63  }
0x8d: {  	_ =	swait.ge [sflag:s15], $0x2800  }
0x8e: {  	[sflag:s15] =	ssyncset.done $0x0  }
0x8f: {  	[sflag:s15] =	ssyncadd.s32 $0xFFFFD800  }
0x90: {  	_ =	swait.ge [sflag:s22], $0x2800  }
0x91: {  	[sflag:s22] =	ssyncset.done $0x0  }
0x92: {  	s0 =	smul.u32 $0x138800, s31;
	[sflag:s22] =	ssyncadd.s32 $0xFFFFD800  }
0x93: {  	[spmem:s2] =	stream.indirect.scatter.add.f32 [tilespmem:s21], [sflag:$0x4], $0x80, s29, s19, $0xb8;
	[tilespmem:$0x1F880] =	vst v63  }
0x94: {  	_ =	swait.ge [sflag:s26], $0x2800  }
0x95: {  	s1 =	sadd.s32 @p0 s0, s11;
	[sflag:s26] =	ssyncset.done $0x0  }
0x96: {  	s1 =	sshrl.u32 @p0 s1, $0x3;
	[sflag:s26] =	ssyncadd.s32 $0xFFFFD800  }
0x97: {  	s1 =	sadd.s32 @p0 s6, s1;
	[bflag:$0x0] =	sbarrier.arrive $0xFFFF  }
0x98: {  	[hbm:s1], [sflag:s17] =	dma.local @p0 [spmem:s25], $0x1900  }
0x99: {  	s1 =	simm.s32 @p0 $0x3  }
0x9a: {  	s0 =	sadd.s32 @!p0 s0, s10;
	_ =	swait.ge @p0 [sflag:s1], $0x1900  }
0x9b: {  	s31 =	sadd.s32 $0x1, s31;
	s0 =	sshrl.u32 @!p0 s0, $0x3;
	[sflag:s1] =	ssyncset.done @p0 $0x0  }
0x9c: {  	s0 =	sadd.s32 @!p0 s6, s0;
	[sflag:s1] =	ssyncadd.s32 @p0 $0xFFFFE700;
	s1 =	sshrl.u32 @!p0 s9, $0x3  }
0x9d: {  	[hbm:s0], [sflag:s17] =	dma.local @!p0 [spmem:s1], $0x2800  }
0x9e: {  	p1 =	sne.s32 s31, $0x14;
	s0 =	simm.s32 @!p0 $0x3  }
.Ltmp1:
0x9f: {  	_ =	swait.ge @!p0 [sflag:s0], $0x2800;
	(pc) =	sbr.rel @p1 .LBB2_2-.Ltmp1, $3  }
0xa0: {  	[sflag:s0] =	ssyncset.done @!p0 $0x0  }
0xa1: {  	[sflag:s0] =	ssyncadd.s32 @!p0 $0xFFFFD800  }
0xa2: {  	[bflag:$0x0] =	sbarrier.arrive $0xFFFF;
	_ =	sdelay $0x1  }
0xa3: {  	s30 =	sadd.s32 $0x1, s30  }
0xa4: {  	p1 =	sne.s32 s30, s12  }
.Ltmp2:
0xa5: {  	_ = 	snop;
	(pc) =	sbr.rel @p1 .LBB2_1-.Ltmp2, $1  }
0xa6: {  	_ =	sdelay $0x3  }
0xa7: {  	_ =	sfence.sel $0x180000  }
0xa8: {  	[bflag:$0x0] =	sbarrier.arrive $0xFFFF  }
0xa9: {  	_ =	strace $0x9000004D  }
0xaa: {  	s0 =	stileid.u32;
	[bflag:$0x2] =	sbarrier.arrive $0xFFFF  }
0xab: {  	p0 =	sne.s32 s0, $0x0;
	s0 =	rddreg [dreg:$0x2]  }
0xac: {  	s0 =	sadd.s32 @!p0 $0x100000, s0  }
0xad: {  	[sflag:s0] =	ssyncadd.tile.s32 @!p0 $0x1;
	_ =	shalt  }
.Lfunc_end2:
_tile_overlayer_lowered:
.L_overlay_start_2:
0xae: {  	(tag) =	ssettag $0x2  }
0xaf: {  	s0 =	rddreg [dreg:$0x0];
	s2 =	stileid.u32  }
0xb0: {  	s1 =	rddreg [dreg:$0x1];
	p0 =	sne.s32 s2, $0x0  }
0xb1: {  	s3 =	rddreg [dreg:$0x2];
	[bflag:$0x3] =	sbarrier.arrive $0xFFFF;
	s2 =	simm.s32 @!p0 $0x1C03  }
0xb2: {  	[timem:s3], [sflag:s2] =	dma.local @!p0 [hbm:s0], s1  }
0xb3: {  	s0 =	simm.s32 @!p0 $0x3  }
0xb4: {  	_ =	swait.ge @!p0 [sflag:s0], s1  }
0xb5: {  	s1 =	ssub.s32 @!p0 $0x0, s1;
	[sflag:s0] =	ssyncset.done @!p0 $0x0  }
0xb6: {  	[sflag:s0] =	ssyncadd.s32 @!p0 s1  }
0xb7: {  	[bflag:$0x3] =	sbarrier.arrive $0xFFFF  }
0xb8: {  	_ =	shalt  }

// kernel: scatter_offload_async_start.1
scs
__scs_entry_jumppad:
0x0: {  	(pc) =	sbr.rel $0x88, $3  }
0x1: {  	(tag) =	ssettag $0x0;
	lr =	simm.s32 $0x1  }
0x2: {  	[smem:$0x3F9C] =	sst lr;
	_ =	strace $0xD0000000  }
0x3: {  	_ = 	snop  }
0x4: {  	_ = 	snop  }
0x5: {  	_ = 	snop  }
0x6: {  	_ = 	snop  }
0x7: {  	_ = 	snop  }
__scs_overlays_trampoline_lowered:
0x8: {  	[smem:$0x3FAB] =	sst s0  }
0x9: {  	[smem:$0x3FAC] =	sst s1  }
0xa: {  	[smem:$0x3FAD] =	sst s2  }
0xb: {  	[smem:$0x3FAE] =	sst s3  }
0xc: {  	[smem:$0x3FAF] =	sst s4  }
0xd: {  	[smem:$0x3FB0] =	sst s5  }
0xe: {  	[smem:$0x3FB1] =	sst s6  }
0xf: {  	[smem:$0x3FB2] =	sst s7  }
0x10: {  	[smem:$0x3FB3] =	sst s8  }
0x11: {  	[smem:$0x3FB4] =	sst s9;
	s0 =	simm.s32 @!p0 $0x0  }
0x12: {  	s1 =	sld [smem:$0x3F9A];
	s0 =	simm.s32 @p0 $0x1  }
0x13: {  	[smem:$0x3FB5] =	sst s0;
	s0 =	simm.s32 @!p1 $0x0  }
0x14: {  	s2 =	sld [smem:$0x3F99];
	s0 =	simm.s32 @p1 $0x1  }
0x15: {  	[smem:$0x3FB6] =	sst s0;
	s0 =	simm.s32 @!p2 $0x0  }
0x16: {  	s3 =	sld [smem:$0x3FDB];
	s0 =	simm.s32 @p2 $0x1  }
0x17: {  	s4 =	simm.s32 $0x1BF5;
	[smem:$0x3FB8] =	sst s0  }
0x18: {  	s0 =	sld [smem:$0x3F9B];
	_ =	swait.ge [sflag:s4], $0x0  }
0x19: {  	s7 =	sld [smem:$0x3F9C]  }
0x1a: {  	s8 =	sadd.s32 $0xFFFFE003, lr  }
0x1b: {  	s9 =	sadd.s32 $0xFFFFFEF7, lr;
	s5 =	simm.s32 $0xFFFFFFFF;
	p2 =	slt.u32 s8, $0xFFFFF086  }
0x1c: {  	p1 =	slt.u32 s9, $0xF7A;
	s5 =	simm.s32 @!p2 $0x0  }
0x1d: {  	s5 =	simm.s32 @p1 $0x1;
	p0 =	seq.s32 s7, s2  }
0x1e: {  	s7 =	smul.u32 @!p0 $0xF7A, s2;
	p2 =	seq.s32 @!p0 s5, $0x0  }
0x1f: {  	s9 =	smul.u32 $0xF7A, s1;
	s8 =	simm.s32 @!p0 $0x1BF5;
	p2 =	por !p2, p0  }
0x20: {  	[sflag:s8] =	ssyncset.s32 @!p0 $0xFFFFF086;
	s6 =	sadd.s32 @!p0 s3, s7;
	s7 =	simm.s32 @!p0 $0x108  }
0x21: {  	s3 =	sadd.s32 s3, s9;
	s6 =	sadd.s32 @!p0 $0x88, s6;
	s7 =	simm.s32 @p2 $0x1082  }
0x22: {  	[simem:s7], [sflag:s8] =	dma.local @!p0 [hbm:s6], $0xF7A  }
0x23: {  	s9 =	sor.u32 $0xD0000000, s2;
	s6 =	simm.s32 $0x108;
	_ =	swait.ge @!p0 [sflag:s8], $0x0  }
0x24: {  	s3 =	sadd.s32 $0x88, s3;
	s6 =	simm.s32 @!p1 $0x1082;
	[sflag:s4] =	ssyncset.s32 $0xFFFFF086  }
0x25: {  	[simem:s6], [sflag:s4] =	dma.local [hbm:s3], $0xF7A  }
0x26: {  	[smem:$0x3F9C] =	sst s1;
	(tag) =	ssettag s2;
	_ =	strace s9  }
0x27: {  	s1 =	sld [smem:$0x3FAC]  }
0x28: {  	s2 =	sld [smem:$0x3FAD]  }
0x29: {  	s4 =	sld [smem:$0x3FAF]  }
0x2a: {  	p0 =	seq.s32 s5, $0x0;
	s5 =	sld [smem:$0x3FB0]  }
0x2b: {  	s6 =	sld [smem:$0x3FB1]  }
0x2c: {  	s7 =	sld [smem:$0x3FB2]  }
0x2d: {  	s3 =	simm.s32 $0x108;
	s8 =	sld [smem:$0x3FB3]  }
0x2e: {  	s3 =	simm.s32 @!p0 $0x1082;
	s9 =	sld [smem:$0x3FB4]  }
0x2f: {  	lr =	sadd.s32 s0, s3;
	s0 =	sld [smem:$0x3FAB]  }
0x30: {  	s3 =	sld [smem:$0x3FAE]  }
0x31: {  	[smem:$0x3FB7] =	sst s10  }
0x32: {  	s10 =	sld [smem:$0x3FB5];
	_ =	sdelay $0x3  }
0x33: {  	p0 =	seq.s32 s10, $0x1;
	s10 =	sld [smem:$0x3FB7];
	_ =	sdelay $0x3  }
0x34: {  	[smem:$0x3FB7] =	sst s10  }
0x35: {  	s10 =	sld [smem:$0x3FB6];
	_ =	sdelay $0x3  }
0x36: {  	p1 =	seq.s32 s10, $0x1;
	s10 =	sld [smem:$0x3FB7];
	_ =	sdelay $0x3  }
0x37: {  	[smem:$0x3FB7] =	sst s10  }
0x38: {  	s10 =	sld [smem:$0x3FB8]  }
0x39: {  	_ = 	snop;
	(pc) =	sbr.ind lr, $3  }
0x3a: {  	_ = 	snop  }
0x3b: {  	_ = 	snop  }
0x3c: {  	p2 =	seq.s32 s10, $0x1;
	s10 =	sld [smem:$0x3FB7]  }
0x3d: {  	_ =	shalt  }
0x3e: {  	_ =	shalt  }
0x3f: {  	_ =	shalt  }
0x40: {  	_ =	shalt  }
0x41: {  	_ =	shalt  }
0x42: {  	_ =	shalt  }
0x43: {  	_ =	shalt  }
0x44: {  	_ =	shalt  }
0x45: {  	_ =	shalt  }
0x46: {  	_ =	shalt  }
0x47: {  	_ =	shalt  }
0x48: {  	_ =	shalt  }
0x49: {  	_ =	shalt  }
0x4a: {  	_ =	shalt  }
0x4b: {  	_ =	shalt  }
0x4c: {  	_ =	shalt  }
0x4d: {  	_ =	shalt  }
0x4e: {  	_ =	shalt  }
0x4f: {  	_ =	shalt  }
0x50: {  	_ =	shalt  }
0x51: {  	_ =	shalt  }
0x52: {  	_ =	shalt  }
0x53: {  	_ =	shalt  }
0x54: {  	_ =	shalt  }
0x55: {  	_ =	shalt  }
0x56: {  	_ =	shalt  }
0x57: {  	_ =	shalt  }
0x58: {  	_ =	shalt  }
0x59: {  	_ =	shalt  }
0x5a: {  	_ =	shalt  }
0x5b: {  	_ =	shalt  }
0x5c: {  	_ =	shalt  }
0x5d: {  	_ =	shalt  }
0x5e: {  	_ =	shalt  }
0x5f: {  	_ =	shalt  }
0x60: {  	_ =	shalt  }
0x61: {  	_ =	shalt  }
0x62: {  	_ =	shalt  }
0x63: {  	_ =	shalt  }
0x64: {  	_ =	shalt  }
0x65: {  	_ =	shalt  }
0x66: {  	_ =	shalt  }
0x67: {  	_ =	shalt  }
0x68: {  	_ =	shalt  }
0x69: {  	_ =	shalt  }
0x6a: {  	_ =	shalt  }
0x6b: {  	_ =	shalt  }
0x6c: {  	_ =	shalt  }
0x6d: {  	_ =	shalt  }
0x6e: {  	_ =	shalt  }
0x6f: {  	_ =	shalt  }
0x70: {  	_ =	shalt  }
0x71: {  	_ =	shalt  }
0x72: {  	_ =	shalt  }
0x73: {  	_ =	shalt  }
0x74: {  	_ =	shalt  }
0x75: {  	_ =	shalt  }
0x76: {  	_ =	shalt  }
0x77: {  	_ =	shalt  }
0x78: {  	_ =	shalt  }
0x79: {  	_ =	shalt  }
0x7a: {  	_ =	shalt  }
0x7b: {  	_ =	shalt  }
0x7c: {  	_ =	shalt  }
0x7d: {  	_ =	shalt  }
0x7e: {  	_ =	shalt  }
0x7f: {  	_ =	shalt  }
0x80: {  	_ =	shalt  }
0x81: {  	_ =	shalt  }
0x82: {  	_ =	shalt  }
0x83: {  	_ =	shalt  }
0x84: {  	_ =	shalt  }
0x85: {  	_ =	shalt  }
0x86: {  	_ =	shalt  }
0x87: {  	_ =	shalt  }
.Lfunc_end0:
.L_simem_size_0:
called_computation.1_lowered:
.L_overlay_start_0:
0x88: {  	s0 =	sld [smem:$0x3FD9]  }
0x89: {  	s1 =	sld [smem:$0x3FFE];
	_ =	sdelay $0x3  }
0x8a: {  	s0 =	sadd.s32 s1, s0  }
0x8b: {  	[smem:$0x3FC3] =	sst s0  }
0x8c: {  	_ = 	snop  }
0x8d: {  	s0 =	sld [smem:$0x3FD0];
	_ =	sdelay $0x2  }
0x8e: {  	s13 =	simm.s32 $0xB;
	s2 =	simm.s32 $0x10  }
0x8f: {  	[smem:s2], [sflag:s13] =	dma.local [hbm:s0], $0x1  }
0x90: {  	_ =	swait.eq [sflag:s13], $0x1  }
0x91: {  	[sflag:s13] =	ssyncset.done $0x0  }
0x92: {  	s14 =	sld [smem:$0x11];
	[sflag:s13] =	ssyncadd.s32 $0xFFFFFFFF  }
0x93: {  	s15 =	sld [smem:$0x12];
	(tm) =	ssettm $0x1  }
0x94: {  	s16 =	sld [smem:$0x3FFB];
	_ =	sdelay $0x3  }
0x95: {  	_ =	strace s16  }
0x96: {  	s2 =	sld [smem:$0x3FFC];
	_ =	sdelay $0x3  }
0x97: {  	_ =	strace s2  }
0x98: {  	s2 =	sld [smem:$0x3FFD];
	_ =	sdelay $0x3  }
0x99: {  	_ =	strace s2  }
0x9a: {  	_ =	strace $0x8FFFFFFF  }
0x9b: {  	s17 =	sld [smem:$0x3FDB];
	_ =	sdelay $0x1  }
0x9c: {  	s3 =	simm.s32 $_scs_section_size  }
0x9d: {  	s4 =	simm.s32 $_size__tile_overlayer_lowered;
	s5 =	simm.s32 $_tile_overlayer_lowered  }
0x9e: {  	s20 =	simm.s32 $0x1BFF;
	s19 =	sshll.u32 s5, $0x1;
	s2 =	sadd.s32 s3, s17  }
0x9f: {  	s6 =	simm.s32 $0x0;
	s18 =	sshll.u32 s4, $0x1;
	s4 =	sadd.s32 s19, s2  }
0xa0: {  	[timem:s6], [sflag:s20] =	dma.local [hbm:s4], s18  }
0xa1: {  	_ =	swait.ge [sflag:s20], s18  }
0xa2: {  	s3 =	ssub.s32 $0x0, s18;
	[sflag:s20] =	ssyncset.done $0x0  }
0xa3: {  	[sflag:s20] =	ssyncadd.s32 s3;
	_ =	sdelay $0x1  }
0xa4: {  	s21 =	simm.s32 $0x1B8B  }
0xa5: {  	_ =	swait.ge [sflag:s21], $0x1  }
0xa6: {  	[sflag:s21] =	ssyncset.done $0x0  }
0xa7: {  	s23 =	simm.s32 $0x1B8E;
	s22 =	sld [smem:$0x3FFE];
	[sflag:s21] =	ssyncadd.s32 $0xFFFFFFFF  }
0xa8: {  	s24 =	simm.s32 $execute0_lowered;
	[smem:$0x3FD2] =	sst s23  }
0xa9: {  	s4 =	sshll.u32 s24, $0x1;
	_ =	strace $0x80000049;
	[dreg:$0x1] =	wrdreg $0xFFFFFFFF  }
0xaa: {  	s25 =	simm.s32 $_size_execute0_lowered;
	s2 =	sadd.s32 s2, s4;
	[dreg:$0x0] =	wrdreg $0x0  }
0xab: {  	s4 =	sshll.u32 s25, $0x1;
	[dreg:$0x2] =	wrdreg s2  }
0xac: {  	[dreg:$0x3] =	wrdreg s4  }
0xad: {  	[dreg:$0x4] =	wrdreg $0xC0  }
0xae: {  	_ =	task [dreg:s6], $0x5FFFF  }
0xaf: {  	[dreg:$0x1] =	wrdreg $0xFFFFFFFF  }
0xb0: {  	[dreg:$0x0] =	wrdreg $0x60  }
0xb1: {  	[dreg:$0x2] =	wrdreg s14  }
0xb2: {  	[dreg:$0x3] =	wrdreg s15  }
0xb3: {  	[dreg:$0x4] =	wrdreg s22  }
0xb4: {  	[dreg:$0x5] =	wrdreg $0x9  }
0xb5: {  	_ =	task.clear_ibuf [dreg:s6], $0x6FFFF;
	_ =	strace $0x90000049  }
0xb6: {  	s26 =	simm.s32 $0x9;
	_ =	strace $0x8000004B  }
0xb7: {  	_ =	swait.ge [sflag:s26], $0x1  }
0xb8: {  	[sflag:s26] =	ssyncadd.s32 $0xFFFFFFFF  }
0xb9: {  	_ =	strace $0x9000004B  }
0xba: {  	_ =	sfence  }
0xbb: {  	s28 =	sld [smem:$0x0];
	_ =	sdelay $0x1  }
0xbc: {  	s29 =	srdreg.scid  }
0xbd: {  	s30 =	sshll.u32 s29, $0xD;
	s31 =	sshrl.u32 s29, $0x2  }
0xbe: {  	s1 =	sand.u32 $0x1, s29;
	s2 =	sand.u32 $0x4000, s30;
	s0 =	sadd.s32 s31, s28  }
0xbf: {  	s1 =	sor.u32 s2, s1;
	s0 =	sshll.u32 s0, $0x11  }
0xc0: {  	s0 =	sor.u32 s0, s1  }
0xc1: {  	s0 =	sadd.s32 $0x8F2B, s0  }
0xc2: {  	[sflag:s0] =	ssyncadd.remote.s32 $0x1  }
0xc3: {  	_ =	sfence.sel $0xFFFF  }
0xc4: {  	[dreg:$0x0] =	wrdreg $0xFFFFFFFF;
	(pc) =	sbr.abs _section_cstart, $3  }
0xc5: {  	[dreg:$0x1] =	wrdreg $0xFFFFFFFF  }
0xc6: {  	_ =	task.clear_ibuf [dreg:s6], $0x2FFFF;
	_ =	strace $0x9FFFFFFF  }
0xc7: {  	(tm) =	ssettm $0x7FFFFFFF  }
tec
execute0_lowered:
.L_overlay_start_1:
0x0: {  	(tag) =	ssettag $0x1  }
0x1: {  	s1 =	rddreg [dreg:$0x0]  }
0x2: {  	s29 =	rddreg [dreg:$0x1]  }
0x3: {  	s0 =	rddreg [dreg:$0x2];
	_ =	strace $0x8000004A;
	s2 =	simm.s32 $0x1  }
0x4: {  	s8 =	simm.s32 $0x108;
	v0 =	vimm.s32 $0x0;
	[sflag:s2] =	ssyncpa.u1 $0x0  }
0x5: {  	[tilespmem:s8+$0x70] =	vst v0  }
0x6: {  	[tilespmem:s8+$0x60] =	vst v0  }
0x7: {  	[tilespmem:s8+$0x50] =	vst v0  }
0x8: {  	[tilespmem:s8+$0x40] =	vst v0  }
0x9: {  	[tilespmem:s8+$0x30] =	vst v0  }
0xa: {  	[tilespmem:s8+$0x20] =	vst v0  }
0xb: {  	s4 =	sadd.s32 $0x3CE00, s0;
	s5 =	sadd.s32 $0x32600, s0;
	s2 =	simm.s32 $0x40;
	[tilespmem:s8+$0x10] =	vst v0  }
.LBB2_1:
0xc: {  	s2 =	sadd.s32 $0x40, s2;
	[tilespmem:s8+$0x0] =	vst v0;
	s8 =	sadd.s32 $0x80, s8  }
0xd: {  	p0 =	slt.u32 s2, $0x3C40;
	[tilespmem:s8+$0x70] =	vst v0  }
0xe: {  	[tilespmem:s8+$0x60] =	vst v0  }
.Ltmp0:
0xf: {  	[tilespmem:s8+$0x50] =	vst v0;
	(pc) =	sbr.rel @p0 .LBB2_1-.Ltmp0, $4  }
0x10: {  	[tilespmem:s8+$0x40] =	vst v0  }
0x11: {  	[tilespmem:s8+$0x30] =	vst v0  }
0x12: {  	[tilespmem:s8+$0x20] =	vst v0  }
0x13: {  	[tilespmem:s8+$0x10] =	vst v0  }
0x14: {  	s3 =	stileid.u32  }
0x15: {  	s0 =	simm.s32 $0x4FB0;
	s6 =	smul.u32 $0x50A0, s3;
	p0 =	seq.s32 s3, $0xF  }
0x16: {  	s0 =	simm.s32 @!p0 $0x50A0  }
0x17: {  	s0 =	sadd.s32 s6, s0  }
0x18: {  	s7 =	smin.u32 s0, $0x50910  }
0x19: {  	s0 =	ssub.s32 s7, s6  }
0x1a: {  	p0 =	sgt.s32 s0, $0x0  }
0x1b: {  	s0 =	simm.s32 @!p0 $0x0  }
0x1c: {  	s2 =	simm.s32 $0x2;
	s9 =	simm.s32 $0x7;
	s31 =	smulhi.u32 $0x1111112, s0  }
0x1d: {  	s10 =	simm.s32 $0x8;
	s19 =	simm.s32 $0x0;
	s15 =	simm.s32 $0xA  }
0x1e: {  	s17 =	simm.s32 $0x0;
	s18 =	simm.s32 $0x0;
	s11 =	smul.u32 $0xF0, s31  }
.Ltmp1:
0x1f: {  	[tilespmem:s8+$0x0] =	vst v0;
	v0 =	vimm.s32 $0xFFFFFFFF;
	[sflag:s2] =	ssyncpa.u1 $0x0;
	s13 =	sshll.u32 s3, $0x8;
	(pc) =	sbr.rel .LBB2_3-.Ltmp1, $4  }
0x20: {  	[tilespmem:$0xF208] =	vst v0;
	[sflag:s9] =	ssyncpa.u1 $0x0;
	p0 =	sne.s32 s0, s11;
	s0 =	simm.s32 $0x1  }
0x21: {  	[sflag:s10] =	ssyncpa.u1 $0x0;
	s10 =	simm.s32 $0x9;
	s0 =	simm.s32 @!p0 $0x0  }
0x22: {  	s16 =	smov.u32 s6;
	[sflag:s10] =	ssyncpa.u1 $0x0;
	s12 =	sadd.s32 s0, s31  }
0x23: {  	v0 =	vlaneseq.u32;
	s11 =	simm.s32 $0x1;
	p0 =	por $0x0, $0x0;
	s14 =	sadd.s32 $0x1, s12  }
.LBB2_18:
0x24: {  	s0 =	sshrl.u32 s28, $0x2  }
.LBB2_20:
0x25: {  	_ =	swait.ge [sflag:s15], s0  }
0x26: {  	s31 =	ssub.s32 $0x0, s0;
	v1 =	vmov s21;
	vm0 =	veq.s32 v0, $0x0;
	[sflag:s15] =	ssyncset.done $0x0  }
0x27: {  	vm15 =	veq.s32 v0, $0x2;
	v1 =	vsel vm0, s26, v1;
	[sflag:s15] =	ssyncadd.s32 s31  }
0x28: {  	v1 =	vsel vm15, s19, v1;
	[sflag:s15] =	ssyncpa.u1 $0x1  }
0x29: {  	[tilespmem:$0xF208] =	vst v1  }
.LBB2_21:
0x2a: {  	s0 =	sadd.s32 $0xF0, s16  }
0x2b: {  	s2 =	smov.u32 s6;
	p1 =	slt.s32 s0, s7  }
0x2c: {  	s2 =	smov.u32 @p1 s0;
	p1 =	sne.s32 s18, s14  }
.Ltmp2:
0x2d: {  	_ = 	snop;
	(pc) =	sbr.rel @!p1 .LBB2_22-.Ltmp2, $3  }
0x2e: {  	_ =	sdelay $0x1  }
0x2f: {  	s19 =	smov.u32 s17;
	s31 =	sadd.s32 $0x1, s18;
	s17 =	smov.u32 s16  }
0x30: {  	p0 =	por !p0, !p0;
	s18 =	smov.u32 s31;
	s16 =	smov.u32 s2  }
.LBB2_3:
0x31: {  	p1 =	sge.u32 s18, s12  }
0x32: {  	s0 =	smulhi.u32 @!p1 $0xAAAAAAAB, s18  }
0x33: {  	s2 =	smov.u32 s16;
	p2 =	sgt.s32 @!p1 s16, $0x50820  }
0x34: {  	s20 =	sshra.s32 @!p1 s16, $0x1F;
	p2 =	por !p2, p1;
	s0 =	sshrl.u32 @!p1 s0, $0x1  }
0x35: {  	s20 =	sand.u32 @!p1 s20, s16;
	s2 =	simm.s32 @p2 $0x50820;
	s0 =	smul.u32 @!p1 $0x3, s0  }
0x36: {  	s2 =	ssub.s32 @!p1 s2, s20  }
0x37: {  	s2 =	sadd.s32 @!p1 $0xFFFAF7E0, s2;
	s0 =	ssub.s32 @!p1 s18, s0  }
0x38: {  	s20 =	sshll.u32 @!p1 s2, $0x2;
	p2 =	sgt.s32 @!p1 s2, $0xEF;
	s0 =	smul.u32 @!p1 $0x3C0, s0  }
0x39: {  	s21 =	sand.u32 @!p1 $0x7, s16;
	s2 =	ssub.s32 @!p1 $0x3C0, s20;
	p2 =	por !p2, p1  }
0x3a: {  	s20 =	sshrl.u32 @!p1 s16, $0x3;
	s2 =	sshrl.u32 @!p1 s2, $0x2;
	s0 =	sshrl.u32 @!p1 s0, $0x2  }
0x3b: {  	s20 =	sadd.s32 @!p1 s5, s20;
	s2 =	simm.s32 @!p2 $0x0;
	s0 =	sadd.s32 @!p1 $0x10238, s0  }
0x3c: {  	[tilespmem:s0], [sflag:$0x8] =	stream.linear.gather @!p1 [hbm4b:s20+s21], s2, $0x38;
	[tilespmem:$0x1F6E8] =	vst v63  }
0x3d: {  	s0 =	sadd.s32 $0xFFFFFFFF, s18  }
0x3e: {  	p1 =	sge.u32 s0, s12  }
0x3f: {  	p2 =	sgt.s32 @!p1 s17, $0x50820  }
0x40: {  	s2 =	smov.u32 s17;
	s20 =	sshra.s32 @!p1 s17, $0x1F;
	p2 =	por !p2, p1  }
0x41: {  	s20 =	sand.u32 @!p1 s20, s17;
	s2 =	simm.s32 @p2 $0x50820  }
0x42: {  	s2 =	ssub.s32 @!p1 s2, s20  }
0x43: {  	s2 =	sadd.s32 @!p1 $0xFFFAF7E0, s2  }
0x44: {  	s21 =	smulhi.u32 @!p1 $0xAAAAAAAB, s0;
	s22 =	sand.u32 @!p1 $0x1, s0;
	s20 =	sshll.u32 @!p1 s2, $0x2  }
0x45: {  	s24 =	smul.u32 @!p1 $0x3C0, s22;
	p2 =	sgt.s32 @!p1 s2, $0xEF;
	s2 =	ssub.s32 @!p1 $0x3C0, s20  }
0x46: {  	p2 =	por !p2, p1;
	s20 =	sshrl.u32 @!p1 s21, $0x1;
	s2 =	sshrl.u32 @!p1 s2, $0x2  }
0x47: {  	s21 =	simm.s32 @!p1 $0x8;
	s20 =	smul.u32 @!p1 $0x3, s20;
	s2 =	simm.s32 @!p2 $0x0  }
0x48: {  	s22 =	smul.u32 @!p1 $0x1E000, s22;
	_ =	swait.ge @!p1 [sflag:s21], s2;
	s23 =	ssub.s32 @!p1 $0x0, s2  }
0x49: {  	s0 =	ssub.s32 @!p1 s0, s20;
	s20 =	sshrl.u32 @!p1 s17, $0x3;
	[sflag:s21] =	ssyncset.done @!p1 $0x0  }
0x4a: {  	s20 =	sadd.s32 @!p1 s29, s20;
	[sflag:s21] =	ssyncadd.s32 @!p1 s23;
	s21 =	sshrl.u32 @!p1 s24, $0x2  }
0x4b: {  	s0 =	smul.u32 @!p1 $0x3C0, s0;
	s23 =	sand.u32 @!p1 $0x7, s17;
	s21 =	sor.u32 @!p1 $0x10508, s21  }
0x4c: {  	[tilespmem:s21], [sflag:$0x9] =	stream.linear.gather @!p1 [hbm4b:s20+s23], s2, $0x38;
	[tilespmem:$0x1F6E8] =	vst v63  }
0x4d: {  	s0 =	sshrl.u32 @!p1 s0, $0x2;
	s2 =	sshrl.u32 @!p1 s22, $0x2  }
0x4e: {  	s0 =	sadd.s32 @!p1 $0x10238, s0;
	s20 =	simm.s32 @!p1 $0xF0;
	s2 =	sor.u32 @!p1 $0x106E8, s2  }
0x4f: {  	[tilespmem:s2], [sflag:$0x7] =	stream.indirect.gather @!p1 [hbm4b:s4+s20], $0x80, s0, s20, $0xb8;
	[tilespmem:$0x1F6E8] =	vst v63  }
0x50: {  	p1 =	slt.u32 s18, $0x2  }
.Ltmp3:
0x51: {  	_ = 	snop;
	(pc) =	sbr.rel @p1 .LBB2_21-.Ltmp3, $1  }
0x52: {  	_ =	sdelay $0x3  }
0x53: {  	p1 =	sgt.s32 s19, $0x50820;
	s0 =	smov.u32 s19;
	s2 =	sshra.s32 s19, $0x1F  }
0x54: {  	s0 =	simm.s32 @!p1 $0x50820;
	s2 =	sand.u32 s2, s19  }
0x55: {  	s0 =	ssub.s32 s0, s2  }
0x56: {  	s0 =	sadd.s32 $0xFFFAF7E0, s0  }
0x57: {  	s30 =	sshll.u32 s0, $0x2  }
0x58: {  	_ =	swait.ge [sflag:s9], $0x7800;
	s2 =	ssub.s32 $0x3C0, s30  }
0x59: {  	[sflag:s9] =	ssyncset.done $0x0;
	p1 =	sgt.s32 s0, $0xEF;
	s0 =	sshrl.u32 s2, $0x2  }
0x5a: {  	[sflag:s9] =	ssyncadd.s32 $0xFFFF8800;
	s0 =	simm.s32 @p1 $0x0  }
0x5b: {  	_ =	swait.ge [sflag:s10], s0  }
0x5c: {  	s0 =	ssub.s32 $0x0, s0;
	[sflag:s10] =	ssyncset.done $0x0  }
0x5d: {  	[sflag:s10] =	ssyncadd.s32 s0  }
0x5e: {  	v1 =	vld [tilespmem:$0xF208];
	_ =	sdelay $0x4  }
0x5f: {  	(v2sf) =	vpush v1, $0x0  }
0x60: {  	(v2sf) =	vpush v1, $0x1  }
0x61: {  	(v2sf) =	vpush v1, $0x2;
	_ =	sdelay $0x3  }
0x62: {  	s0 =	sadd.s32 $0xF0, s19  }
0x63: {  	s2 =	ssub.s32 $0x50910, s19;
	p1 =	slt.s32 s7, s0  }
0x64: {  	s0 =	smov.u32 @p1 s7;
	p1 =	sgt.s32 s2, $0x0  }
0x65: {  	s23 =	ssub.s32 s0, s19;
	s2 =	simm.s32 @!p1 $0x0  }
0x66: {  	p1 =	slt.s32 s2, s23  }
0x67: {  	s23 =	smov.u32 @p1 s2  }
0x68: {  	s22 =	simm.s32 $0x1;
	p1 =	slt.s32 s23, $0x1  }
.Ltmp4:
0x69: {  	s22 =	simm.s32 @!p0 $0x0;
	(pc) =	sbr.rel @p1 .LBB2_8-.Ltmp4, $4  }
0x6a: {  	s31 =	smul.u32 $0x3C0, s22  }
0x6b: {  	s24 =	spop (v2sf)  }
0x6c: {  	s0 =	sshrl.u32 s31, $0x2;
	s26 =	spop (v2sf)  }
0x6d: {  	s20 =	sor.u32 $0x10508, s0;
	s19 =	spop (v2sf)  }
0x6e: {  	s0 =	smin.u32 s23, $0x10  }
0x6f: {  	v1 =	vmov s0  }
0x70: {  	p2 =	sgt.s32 s23, $0x10;
	vm1 =	vgt.u32 v1, v0  }
.Ltmp5:
0x71: {  	_ = 	snop;
	(pc) =	sbr.rel @!p2 .LBB2_7-.Ltmp5, $2  }
0x72: {  	_ =	sdelay $0x2  }
0x73: {  	s25 =	simm.s32 $0x10;
	s28 =	sadd.s32 $0xFFFFFFF0, s23;
	s21 =	smov.u32 s20;
	vm0 =	vmmov vm1  }
.LBB2_6:
0x74: {  	s0 =	smin.u32 s28, $0x10;
	s25 =	sadd.s32 $0x10, s25;
	v1 =	vld.msk [tilespmem:s21+$0x0 ss:$0x1], vm1  }
0x75: {  	v2 =	vmov s0;
	p2 =	slt.s32 s25, s23  }
0x76: {  	vm1 =	vgt.u32 v2, v0  }
.Ltmp6:
0x77: {  	(pc) =	sbr.rel @p2 .LBB2_6-.Ltmp6, $3  }
0x78: {  	_ =	sdelay $0x1  }
0x79: {  	v1 =	vshll.u32 v1, $0x4  }
0x7a: {  	s28 =	sadd.s32 $0xFFFFFFF0, s28;
	[tilespmem:s21+$0x0] =	vst.msk vm0, v1;
	s21 =	sadd.s32 $0x10, s21;
	vm0 =	vmmov vm1  }
.LBB2_7:
0x7b: {  	_ =	sdelay $0x4  }
0x7c: {  	v1 =	vld.msk [tilespmem:s21+$0x0 ss:$0x1], vm1;
	_ =	sdelay $0x4  }
0x7d: {  	v1 =	vshll.u32 v1, $0x4  }
0x7e: {  	[tilespmem:s21+$0x0] =	vst.msk vm0, v1  }
.LBB2_8:
0x7f: {  	s0 =	sand.u32 $0x1, s18  }
0x80: {  	s0 =	smul.u32 $0xF0, s0  }
0x81: {  	p2 =	sne.s32 s26, $0xFFFFFFFF  }
0x82: {  	v1 =	vld.msk @!p2 [tilespmem:s0+$0x10508], $0x1;
	_ =	sdelay $0x4  }
0x83: {  	(v2sf) =	vpush @!p2 v1, $0x0;
	_ =	sdelay $0xc  }
.Ltmp7:
0x84: {  	_ = 	snop;
	(pc) =	sbr.rel @p1 .LBB2_19-.Ltmp7, $4  }
0x85: {  	_ = 	snop  }
0x86: {  	s25 =	spop @!p2 (v2sf)  }
0x87: {  	s19 =	simm.s32 @!p2 $0x0;
	s21 =	smov.u32 s25  }
0x88: {  	[sflag:s15] =	ssyncpa.u1 $0x0;
	s25 =	smov.u32 @p2 s24;
	s21 =	smov.u32 @p2 s26  }
0x89: {  	v1 =	vld.msk [tilespmem:s20+$0x0], $0x1;
	_ =	sdelay $0x4  }
0x8a: {  	(v2sf) =	vpush v1, $0x0;
	_ =	sdelay $0xe  }
0x8b: {  	s8 =	smov.u32 s29;
	s0 =	smul.u32 $0x1E000, s22;
	s29 =	spop (v2sf)  }
0x8c: {  	s23 =	ssub.s32 $0x0, s23;
	p1 =	seq.s32 s25, s29  }
0x8d: {  	s26 =	sadd.s32 $0x1, s23;
	s0 =	sshrl.u32 s0, $0x2;
	p2 =	sgt.s32 @!p1 s25, $0x0  }
0x8e: {  	s22 =	sor.u32 $0x10728, s0;
	s0 =	smov.u32 s25;
	p2 =	por !p2, p1  }
0x8f: {  	s0 =	simm.s32 @p2 $0x0;
	p2 =	seq.s32 s26, $0x0  }
.Ltmp8:
0x90: {  	_ = 	snop;
	(pc) =	sbr.rel @p2 .LBB2_11-.Ltmp8, $4  }
0x91: {  	_ = 	snop  }
0x92: {  	s24 =	simm.s32 $0x0;
	s28 =	sadd.s32 $0x1, s20;
	s0 =	smin.u32 @!p1 s0, $0x270F0  }
0x93: {  	s30 =	simm.s32 @!p1 $0x1;
	s31 =	simm.s32 @!p1 $0x7988;
	s2 =	sand.u32 @!p1 $0x3FFF8, s0  }
0x94: {  	s30 =	smov.u32 @p1 s24;
	s0 =	sand.u32 @!p1 $0x7, s0;
	s2 =	sadd.s32 @!p1 s1, s2  }
.LBB2_10:
0x95: {  	s3 =	smov.u32 s30  }
0x96: {  	[tilespmem:s31], [sflag:$0x2] =	stream.linear.gather @!p1 [hbm4b:s2+s0], $0x80, $0x38;
	[tilespmem:$0x1F6E8] =	vst v63  }
0x97: {  	s26 =	sadd.s32 $0x1, s26;
	s0 =	smov.u32 s29;
	v1 =	vld.msk [tilespmem:s28+$0x0], $0x1  }
0x98: {  	p2 =	seq.s32 s26, $0x0;
	_ =	sdelay $0x3  }
0x99: {  	(v2sf) =	vpush v1, $0x0;
	_ =	sdelay $0xe  }
0x9a: {  	s29 =	spop (v2sf)  }
0x9b: {  	p1 =	seq.s32 s0, s29  }
0x9c: {  	p3 =	sgt.s32 @!p1 s0, $0x0;
	s2 =	sshll.u32 @!p1 s30, $0x9;
	s30 =	sadd.s32 @!p1 $0x1, s30  }
.Ltmp9:
0x9d: {  	p3 =	por !p3, p1;
	s2 =	sshra.s32 @!p1 s2, $0x2;
	(pc) =	sbr.rel @!p2 .LBB2_10-.Ltmp9, $4  }
0x9e: {  	s30 =	smov.u32 @p1 s3;
	s0 =	simm.s32 @p3 $0x0;
	s31 =	sadd.s32 @!p1 $0x7988, s2  }
0x9f: {  	s0 =	smin.u32 @!p1 s0, $0x270F0  }
0xa0: {  	s2 =	sand.u32 @!p1 $0x3FFF8, s0;
	s0 =	sand.u32 @!p1 $0x7, s0  }
0xa1: {  	s28 =	sadd.s32 $0x1, s28;
	s2 =	sadd.s32 @!p1 s1, s2  }
.LBB2_11:
0xa2: {  	[tilespmem:s31], [sflag:$0x2] =	stream.linear.gather @!p1 [hbm4b:s2+s0], $0x80, $0x38;
	[tilespmem:$0x1F6E8] =	vst v63  }
.Ltmp10:
0xa3: {  	s30 =	sshll.u32 s30, $0x7;
	(pc) =	sbr.rel .LBB2_12-.Ltmp10, $4  }
0xa4: {  	s31 =	simm.s32 $0x2;
	s0 =	sand.u32 $0x3FFFFF80, s30  }
0xa5: {  	_ =	swait.ge [sflag:s31], s0  }
0xa6: {  	s0 =	ssub.s32 $0x0, s0;
	[sflag:s31] =	ssyncset.done $0x0  }
0xa7: {  	s28 =	simm.s32 $0x0;
	s29 =	smov.u32 s8;
	[sflag:s31] =	ssyncadd.s32 s0  }
.LBB2_13:
0xa8: {  	v1 =	vld [tilespmem:s22+$0xFFFFFFC0];
	_ =	sdelay $0x3  }
0xa9: {  	s0 =	sshra.s32 s0, $0x2  }
0xaa: {  	[tilespmem:s0+$0x108] =	vst.add.f32.msk $0xffff, v1  }
0xab: {  	v1 =	vld [tilespmem:s22+$0xFFFFFFD0];
	_ =	sdelay $0x4  }
0xac: {  	[tilespmem:s0+$0x118] =	vst.add.f32.msk $0xffff, v1  }
0xad: {  	v1 =	vld [tilespmem:s22+$0xFFFFFFE0];
	_ =	sdelay $0x4  }
0xae: {  	[tilespmem:s0+$0x128] =	vst.add.f32.msk $0xffff, v1  }
0xaf: {  	v1 =	vld [tilespmem:s22+$0xFFFFFFF0];
	_ =	sdelay $0x4  }
0xb0: {  	[tilespmem:s0+$0x138] =	vst.add.f32.msk $0xffff, v1  }
0xb1: {  	v1 =	vld [tilespmem:s22+$0x0];
	_ =	sdelay $0x4  }
0xb2: {  	[tilespmem:s0+$0x148] =	vst.add.f32.msk $0xffff, v1  }
0xb3: {  	v1 =	vld [tilespmem:s22+$0x10];
	_ =	sdelay $0x4  }
0xb4: {  	[tilespmem:s0+$0x158] =	vst.add.f32.msk $0xffff, v1  }
0xb5: {  	v1 =	vld [tilespmem:s22+$0x20];
	_ =	sdelay $0x4  }
0xb6: {  	[tilespmem:s0+$0x168] =	vst.add.f32.msk $0xffff, v1  }
0xb7: {  	v1 =	vld [tilespmem:s22+$0x30];
	_ =	sdelay $0x4  }
0xb8: {  	[tilespmem:s0+$0x178] =	vst.add.f32.msk $0xffff, v1  }
.LBB2_17:
0xb9: {  	s23 =	sadd.s32 $0x1, s23  }
0xba: {  	p1 =	seq.s32 s23, $0x0  }
.Ltmp11:
0xbb: {  	_ = 	snop;
	(pc) =	sbr.rel @p1 .LBB2_18-.Ltmp11, $2  }
0xbc: {  	_ =	sdelay $0x2  }
0xbd: {  	s20 =	sadd.s32 $0x1, s20;
	s22 =	sadd.s32 $0x80, s22;
	s25 =	smov.u32 s26  }
.LBB2_12:
0xbe: {  	v1 =	vld.msk [tilespmem:s20+$0x0], $0x1;
	_ =	sdelay $0x4  }
0xbf: {  	(v2sf) =	vpush v1, $0x0;
	_ =	sdelay $0xe  }
0xc0: {  	s26 =	spop (v2sf)  }
0xc1: {  	p1 =	sne.s32 s25, s26  }
.Ltmp12:
0xc2: {  	_ = 	snop;
	(pc) =	sbr.rel @!p1 .LBB2_13-.Ltmp12, $2  }
0xc3: {  	_ =	sdelay $0x2  }
0xc4: {  	s0 =	sshll.u32 s19, $0x9  }
0xc5: {  	p1 =	seq.s32 s25, s21  }
.Ltmp13:
0xc6: {  	_ = 	snop;
	(pc) =	sbr.rel @!p1 .LBB2_15-.Ltmp13, $1  }
0xc7: {  	_ =	sdelay $0x3  }
0xc8: {  	s0 =	sshra.s32 s0, $0x2  }
.Ltmp14:
0xc9: {  	s0 =	sadd.s32 $0x108, s0;
	(pc) =	sbr.rel .LBB2_16-.Ltmp14, $4  }
0xca: {  	[spmem:s13] =	stream.linear.scatter [tilespmem:s0], [sflag:$0x1], $0x80, $0x38;
	[tilespmem:$0x1F6E8] =	vst v63  }
0xcb: {  	_ =	swait.ge [sflag:s11], $0x80  }
0xcc: {  	[sflag:s11] =	ssyncset.done $0x0  }
0xcd: {  	[sflag:s11] =	ssyncadd.s32 $0xFFFFFF80  }
.LBB2_15:
0xce: {  	s2 =	sshll.u32 s24, $0x9  }
0xcf: {  	s2 =	sshra.s32 s2, $0x2  }
0xd0: {  	v1 =	vld [tilespmem:s2+$0x7988];
	_ =	sdelay $0x3  }
0xd1: {  	s0 =	sshra.s32 s0, $0x2  }
0xd2: {  	[tilespmem:s0+$0x108] =	vst.add.f32.msk $0xffff, v1  }
0xd3: {  	v1 =	vld [tilespmem:s2+$0x7998];
	_ =	sdelay $0x4  }
0xd4: {  	[tilespmem:s0+$0x118] =	vst.add.f32.msk $0xffff, v1  }
0xd5: {  	v1 =	vld [tilespmem:s2+$0x79A8];
	_ =	sdelay $0x4  }
0xd6: {  	[tilespmem:s0+$0x128] =	vst.add.f32.msk $0xffff, v1  }
0xd7: {  	v1 =	vld [tilespmem:s2+$0x79B8];
	_ =	sdelay $0x4  }
0xd8: {  	[tilespmem:s0+$0x138] =	vst.add.f32.msk $0xffff, v1  }
0xd9: {  	v1 =	vld [tilespmem:s2+$0x79C8];
	_ =	sdelay $0x4  }
0xda: {  	[tilespmem:s0+$0x148] =	vst.add.f32.msk $0xffff, v1  }
0xdb: {  	v1 =	vld [tilespmem:s2+$0x79D8];
	_ =	sdelay $0x4  }
0xdc: {  	[tilespmem:s0+$0x158] =	vst.add.f32.msk $0xffff, v1  }
0xdd: {  	v1 =	vld [tilespmem:s2+$0x79E8];
	_ =	sdelay $0x4  }
0xde: {  	[tilespmem:s0+$0x168] =	vst.add.f32.msk $0xffff, v1  }
0xdf: {  	v1 =	vld [tilespmem:s2+$0x79F8];
	_ =	sdelay $0x2  }
0xe0: {  	p1 =	sgt.u32 s25, $0x270F0  }
0xe1: {  	s2 =	sand.u32 @!p1 $0x3FFF8, s25  }
0xe2: {  	s3 =	sadd.s32 $0x108, s0;
	[tilespmem:s0+$0x178] =	vst.add.f32.msk $0xffff, v1;
	s0 =	sadd.s32 @!p1 s1, s2;
	s2 =	sand.u32 @!p1 $0x7, s25  }
0xe3: {  	[hbm4b:s0+s2] =	stream.linear.scatter @!p1 [tilespmem:s3], [sflag:$0xA], $0x80, $0x38;
	[tilespmem:$0x1F6E8] =	vst v63  }
0xe4: {  	s0 =	simm.s32 $0x0  }
0xe5: {  	s0 =	simm.s32 @!p1 $0x200  }
0xe6: {  	s28 =	sadd.s32 s0, s28  }
.LBB2_16:
0xe7: {  	s0 =	sadd.s32 $0x1, s19  }
0xe8: {  	s2 =	smulhi.u32 $0x88888889, s0;
	_ =	sdelay $0x1  }
0xe9: {  	v1 =	vld [tilespmem:s22+$0xFFFFFFC0];
	s2 =	sshrl.u32 s2, $0x7  }
0xea: {  	s2 =	smul.u32 $0xF0, s2;
	_ =	sdelay $0x1  }
0xeb: {  	s19 =	ssub.s32 s0, s2  }
0xec: {  	s0 =	sshll.u32 s19, $0x7  }
0xed: {  	[tilespmem:s0+$0x108] =	vst v1  }
0xee: {  	v1 =	vld [tilespmem:s22+$0xFFFFFFD0];
	_ =	sdelay $0x4  }
0xef: {  	[tilespmem:s0+$0x118] =	vst v1  }
0xf0: {  	v1 =	vld [tilespmem:s22+$0xFFFFFFE0];
	_ =	sdelay $0x4  }
0xf1: {  	[tilespmem:s0+$0x128] =	vst v1  }
0xf2: {  	v1 =	vld [tilespmem:s22+$0xFFFFFFF0];
	_ =	sdelay $0x4  }
0xf3: {  	[tilespmem:s0+$0x138] =	vst v1  }
0xf4: {  	v1 =	vld [tilespmem:s22+$0x0];
	_ =	sdelay $0x4  }
0xf5: {  	[tilespmem:s0+$0x148] =	vst v1  }
0xf6: {  	v1 =	vld [tilespmem:s22+$0x10];
	_ =	sdelay $0x4  }
0xf7: {  	[tilespmem:s0+$0x158] =	vst v1  }
0xf8: {  	v1 =	vld [tilespmem:s22+$0x20];
	_ =	sdelay $0x4  }
0xf9: {  	[tilespmem:s0+$0x168] =	vst v1  }
0xfa: {  	v1 =	vld [tilespmem:s22+$0x30]  }
.Ltmp15:
0xfb: {  	_ = 	snop;
	(pc) =	sbr.rel .LBB2_17-.Ltmp15, $2  }
0xfc: {  	_ =	sdelay $0x2  }
0xfd: {  	s24 =	sadd.s32 $0x1, s24;
	[tilespmem:s0+$0x178] =	vst v1  }
.LBB2_19:
.Ltmp16:
0xfe: {  	(pc) =	sbr.rel .LBB2_20-.Ltmp16, $4  }
0xff: {  	_ = 	snop  }
0x100: {  	s0 =	simm.s32 $0x2  }
0x101: {  	_ =	swait.ge [sflag:s0], $0x0  }
0x102: {  	s26 =	smov.u32 s25;
	[sflag:s0] =	ssyncset.done $0x0;
	s0 =	simm.s32 $0x0  }
.LBB2_22:
0x103: {  	_ =	sfence.sel $0x180000  }
0x104: {  	s0 =	simm.s32 $0x7;
	[bflag:$0x0] =	sbarrier.arrive $0xFFFF  }
0x105: {  	s25 =	simm.s32 $0x8;
	[sflag:s0] =	ssyncpa.u1 $0x1  }
0x106: {  	s26 =	simm.s32 $0x9;
	[sflag:s25] =	ssyncpa.u1 $0x1  }
0x107: {  	s28 =	simm.s32 $0x2;
	[sflag:s26] =	ssyncpa.u1 $0x1  }
0x108: {  	[sflag:s28] =	ssyncpa.u1 $0x1  }
0x109: {  	v0 =	vld [tilespmem:$0xF208];
	_ =	sdelay $0x4  }
0x10a: {  	(v2sf) =	vpush v0, $0x0  }
0x10b: {  	(v2sf) =	vpush v0, $0x1;
	_ =	sdelay $0x1  }
0x10c: {  	(v2sf) =	vpush v0, $0x2;
	_ =	sdelay $0xb  }
0x10d: {  	s0 =	spop (v2sf)  }
0x10e: {  	s2 =	spop (v2sf)  }
0x10f: {  	s3 =	smov.u32 s0;
	p0 =	sne.s32 s0, s2  }
0x110: {  	s4 =	spop (v2sf);
	s3 =	simm.s32 @!p0 $0xFFFFFFFF  }
0x111: {  	v2 =	vimm.s32 $0x1;
	v3 =	vlaneseq.u32;
	p0 =	seq.s32 s4, $0xFFFFFFFF;
	v1 =	vmov s3  }
0x112: {  	s7 =	stileid.u32;
	v0 =	vperm.xlane v0, v2;
	p1 =	sne.s32 @!p0 s0, s2;
	v1 =	vperm.xlane v1, v3  }
0x113: {  	vm0 =	vcmask $0x3F04;
	s6 =	simm.s32 $0xF208;
	s0 =	simm.s32 @!p0 $0x1;
	p1 =	por !p1, p0  }
0x114: {  	s3 =	sshll.u32 s7, $0x1;
	s2 =	sshll.u32 @!p0 s4, $0x9;
	s0 =	simm.s32 @p1 $0x0;
	v0 =	vsel vm0, v1, v0  }
0x115: {  	s5 =	sor.u32 $0x1000, s3;
	s2 =	sshra.s32 @!p0 s2, $0x2;
	s0 =	sor.u32 @!p0 s0, s3;
	[tilespmem:$0xF208] =	vst v0  }
0x116: {  	[spmem:s5] =	stream.linear.scatter [tilespmem:s6], [sflag:$0x1], $0x2, $0x38;
	[tilespmem:$0x1F6E8] =	vst v63  }
0x117: {  	s2 =	sadd.s32 @!p0 $0x108, s2;
	s0 =	sshll.u32 @!p0 s0, $0x7  }
0x118: {  	[spmem:s0] =	stream.linear.scatter @!p0 [tilespmem:s2], [sflag:$0x1], $0x80, $0x38;
	[tilespmem:$0x1F6E8] =	vst v63  }
0x119: {  	s0 =	simm.s32 @!p0 $0x82  }
0x11a: {  	s3 =	simm.s32 $0x1;
	s0 =	simm.s32 @p0 $0x2  }
0x11b: {  	_ =	swait.ge [sflag:s3], s0  }
0x11c: {  	s0 =	ssub.s32 $0x0, s0;
	[sflag:s3] =	ssyncset.done $0x0  }
0x11d: {  	[sflag:s3] =	ssyncadd.s32 s0  }
0x11e: {  	_ =	sfence.stream.spmem  }
0x11f: {  	s29 =	simm.s32 $0x3;
	[bflag:$0x0] =	sbarrier.arrive $0xFFFF  }
0x120: {  	s30 =	simm.s32 $0x4;
	[sflag:s29] =	ssyncpa.u1 $0x1  }
0x121: {  	s31 =	simm.s32 $0x3C;
	[sflag:s30] =	ssyncpa.u1 $0x1  }
0x122: {  	p0 =	sne.s32 s7, $0x0;
	[sflag:s31] =	ssyncpa.u1 $0x1  }
0x123: {  	_ =	sfence @p0  }
0x124: {  	[sflag:s3] =	ssyncpa.u1 @p0 $0x1  }
0x125: {  	_ =	strace @p0 $0x9000004A  }
0x126: {  	[bflag:$0x2] =	sbarrier.arrive @p0 $0xFFFF  }
0x127: {  	_ =	shalt @p0  }
.LBB2_23:
0x128: {  	_ =	sfence.stream.spmem;
	s0 =	simm.s32 $0x5  }
0x129: {  	s2 =	simm.s32 $0x1000;
	s3 =	simm.s32 $0xF218;
	[sflag:s0] =	ssyncpa.u1 $0x0  }
0x12a: {  	[tilespmem:s3], [sflag:$0x5] =	stream.linear.gather [spmem:s2], $0x20, $0x38;
	[tilespmem:$0x1F6E8] =	vst v63  }
0x12b: {  	s30 =	simm.s32 $0xF238;
	s2 =	simm.s32 $0x0  }
0x12c: {  	[tilespmem:s30], [sflag:$0x5] =	stream.linear.gather [spmem:s2], $0x1000, $0x38;
	[tilespmem:$0x1F6E8] =	vst v63  }
.Ltmp17:
0x12d: {  	_ = 	snop;
	(pc) =	sbr.rel .LBB2_24-.Ltmp17, $4  }
0x12e: {  	_ =	swait.ge [sflag:s0], $0x1020  }
0x12f: {  	[sflag:s0] =	ssyncset.done $0x0  }
0x130: {  	s31 =	simm.s32 $0x6;
	[sflag:s0] =	ssyncadd.s32 $0xFFFFEFE0  }
0x131: {  	s3 =	simm.s32 $0x0;
	[sflag:s31] =	ssyncpa.u1 $0x0  }
.LBB2_30:
0x132: {  	p0 =	slt.u32 s4, $0x270F1  }
0x133: {  	s0 =	sand.u32 @p0 $0x3FFF8, s4  }
0x134: {  	s4 =	sand.u32 @p0 $0x7, s4;
	s5 =	simm.s32 @p0 $0xF188;
	s0 =	sadd.s32 @p0 s1, s0  }
0x135: {  	[tilespmem:s5], [sflag:$0x6] =	stream.linear.gather @p0 [hbm4b:s0+s4], $0x80, $0x38;
	[tilespmem:$0x1F6E8] =	vst v63  }
0x136: {  	s0 =	simm.s32 @p0 $0x6  }
0x137: {  	_ =	swait.ge @p0 [sflag:s0], $0x80  }
0x138: {  	[sflag:s0] =	ssyncset.done @p0 $0x0  }
0x139: {  	[sflag:s0] =	ssyncadd.s32 @p0 $0xFFFFFF80  }
0x13a: {  	v1 =	vld @p0 [tilespmem:$0xF188];
	_ =	sdelay $0x2  }
0x13b: {  	s0 =	sshll.u32 @p0 s3, $0x9  }
0x13c: {  	s4 =	sshrl.u32 @p0 s0, $0x2  }
0x13d: {  	[tilespmem:s4+$0xF238] =	vst.add.f32.msk @p0 $0xffff, v1  }
0x13e: {  	v1 =	vld @p0 [tilespmem:$0xF198];
	_ =	sdelay $0x4  }
0x13f: {  	[tilespmem:s4+$0xF248] =	vst.add.f32.msk @p0 $0xffff, v1  }
0x140: {  	v1 =	vld @p0 [tilespmem:$0xF1A8];
	_ =	sdelay $0x4  }
0x141: {  	[tilespmem:s4+$0xF258] =	vst.add.f32.msk @p0 $0xffff, v1  }
0x142: {  	v1 =	vld @p0 [tilespmem:$0xF1B8];
	_ =	sdelay $0x4  }
0x143: {  	[tilespmem:s4+$0xF268] =	vst.add.f32.msk @p0 $0xffff, v1  }
0x144: {  	v1 =	vld @p0 [tilespmem:$0xF1C8];
	_ =	sdelay $0x4  }
0x145: {  	[tilespmem:s4+$0xF278] =	vst.add.f32.msk @p0 $0xffff, v1  }
0x146: {  	v1 =	vld @p0 [tilespmem:$0xF1D8];
	_ =	sdelay $0x4  }
0x147: {  	[tilespmem:s4+$0xF288] =	vst.add.f32.msk @p0 $0xffff, v1  }
0x148: {  	v1 =	vld @p0 [tilespmem:$0xF1E8];
	_ =	sdelay $0x4  }
0x149: {  	[tilespmem:s4+$0xF298] =	vst.add.f32.msk @p0 $0xffff, v1  }
0x14a: {  	v1 =	vld @p0 [tilespmem:$0xF1F8];
	_ =	sdelay $0x3  }
0x14b: {  	s5 =	sshll.u32 @!p0 s3, $0x9  }
0x14c: {  	s5 =	smov.u32 @p0 s0;
	[tilespmem:s4+$0xF2A8] =	vst.add.f32.msk @p0 $0xffff, v1  }
0x14d: {  	s0 =	sshrl.u32 s5, $0x2;
	[tilespmem:s2+$0xF218] =	vst.msk $0x1, v0  }
0x14e: {  	v0 =	vld [tilespmem:s0+$0xF238];
	_ =	sdelay $0x2  }
0x14f: {  	s31 =	sshll.u32 s2, $0x9  }
0x150: {  	s4 =	sshra.s32 s31, $0x2  }
0x151: {  	[tilespmem:s4+$0xF238] =	vst v0  }
0x152: {  	v0 =	vld [tilespmem:s0+$0xF248];
	_ =	sdelay $0x4  }
0x153: {  	[tilespmem:s4+$0xF248] =	vst v0  }
0x154: {  	v0 =	vld [tilespmem:s0+$0xF258];
	_ =	sdelay $0x4  }
0x155: {  	[tilespmem:s4+$0xF258] =	vst v0  }
0x156: {  	v0 =	vld [tilespmem:s0+$0xF268];
	_ =	sdelay $0x4  }
0x157: {  	[tilespmem:s4+$0xF268] =	vst v0  }
0x158: {  	v0 =	vld [tilespmem:s0+$0xF278];
	_ =	sdelay $0x4  }
0x159: {  	[tilespmem:s4+$0xF278] =	vst v0  }
0x15a: {  	v0 =	vld [tilespmem:s0+$0xF288];
	_ =	sdelay $0x4  }
0x15b: {  	[tilespmem:s4+$0xF288] =	vst v0  }
0x15c: {  	v0 =	vld [tilespmem:s0+$0xF298];
	_ =	sdelay $0x4  }
0x15d: {  	[tilespmem:s4+$0xF298] =	vst v0  }
0x15e: {  	v0 =	vld [tilespmem:s0+$0xF2A8];
	_ =	sdelay $0x4  }
0x15f: {  	s2 =	sadd.s32 $0x1, s2;
	[tilespmem:s4+$0xF2A8] =	vst v0  }
.LBB2_31:
0x160: {  	s3 =	sadd.s32 $0x1, s3  }
0x161: {  	p0 =	sne.s32 s3, $0x20  }
.Ltmp18:
0x162: {  	_ = 	snop;
	(pc) =	sbr.rel @!p0 .LBB2_32-.Ltmp18, $1  }
0x163: {  	_ =	sdelay $0x3  }
.LBB2_24:
0x164: {  	v0 =	vld.msk [tilespmem:s3+$0xF218], $0x1;
	_ =	sdelay $0x4  }
0x165: {  	(v2sf) =	vpush v0, $0x0;
	_ =	sdelay $0xe  }
0x166: {  	s4 =	spop (v2sf)  }
0x167: {  	p0 =	seq.s32 s4, $0xFFFFFFFF  }
.Ltmp19:
0x168: {  	_ = 	snop;
	(pc) =	sbr.rel @p0 .LBB2_31-.Ltmp19, $1  }
0x169: {  	_ =	sdelay $0x3  }
0x16a: {  	p0 =	slt.s32 s2, $0x1  }
.Ltmp20:
0x16b: {  	_ = 	snop;
	(pc) =	sbr.rel @p0 .LBB2_30-.Ltmp20, $1  }
0x16c: {  	_ =	sdelay $0x3  }
0x16d: {  	s5 =	simm.s32 $0xF218;
	p0 =	por $0x0, $0x0  }
0x16e: {  	v1 =	vld.msk @!p0 [tilespmem:s5+$0x0], $0x1;
	_ =	sdelay $0x4  }
0x16f: {  	(v2sf) =	vpush @!p0 v1, $0x0;
	_ =	sdelay $0xd  }
0x170: {  	p2 =	sne.s32 s2, $0x1  }
.Ltmp21:
0x171: {  	s0 =	spop @!p0 (v2sf);
	(pc) =	sbr.rel @!p2 .LBB2_28-.Ltmp21, $4  }
0x172: {  	p1 =	seq.s32 @!p0 s4, s0  }
0x173: {  	s6 =	simm.s32 $0x0;
	p1 =	por !p1, p0  }
0x174: {  	s0 =	simm.s32 $0xFFFFFFFF;
	s6 =	simm.s32 @p1 $0xFFFFFFFF  }
0x175: {  	s7 =	simm.s32 $0x1;
	s6 =	smov.u32 @p0 s0  }
.LBB2_27:
0x176: {  	s0 =	smov.u32 s6;
	p0 =	sne.s32 s6, $0xFFFFFFFF  }
0x177: {  	s5 =	sadd.s32 $0x1, s5;
	s6 =	smov.u32 s7;
	s7 =	sadd.s32 $0x1, s7  }
0x178: {  	p1 =	sne.s32 s2, s7;
	v1 =	vld.msk @!p0 [tilespmem:s5+$0x0], $0x1;
	_ =	sdelay $0x4  }
0x179: {  	(v2sf) =	vpush @!p0 v1, $0x0;
	_ =	sdelay $0xe  }
.Ltmp22:
0x17a: {  	s8 =	spop @!p0 (v2sf);
	(pc) =	sbr.rel @p1 .LBB2_27-.Ltmp22, $4  }
0x17b: {  	p2 =	seq.s32 @!p0 s4, s8  }
0x17c: {  	p2 =	por !p2, p0  }
0x17d: {  	s6 =	simm.s32 @p2 $0xFFFFFFFF  }
0x17e: {  	s6 =	smov.u32 @p0 s0  }
.LBB2_28:
0x17f: {  	p0 =	seq.s32 s6, $0xFFFFFFFF  }
.Ltmp23:
0x180: {  	_ = 	snop;
	(pc) =	sbr.rel @p0 .LBB2_30-.Ltmp23, $1  }
0x181: {  	_ =	sdelay $0x3  }
0x182: {  	s0 =	sshll.u32 s3, $0x7  }
0x183: {  	s0 =	sand.u32 $0x3FFFFF80, s0  }
0x184: {  	v0 =	vld [tilespmem:s0+$0xF238];
	_ =	sdelay $0x2  }
0x185: {  	s4 =	sshll.u32 s6, $0x9  }
0x186: {  	s4 =	sshra.s32 s4, $0x2  }
0x187: {  	[tilespmem:s4+$0xF238] =	vst.add.f32.msk $0xffff, v0  }
0x188: {  	v0 =	vld [tilespmem:s0+$0xF248];
	_ =	sdelay $0x4  }
0x189: {  	[tilespmem:s4+$0xF248] =	vst.add.f32.msk $0xffff, v0  }
0x18a: {  	v0 =	vld [tilespmem:s0+$0xF258];
	_ =	sdelay $0x4  }
0x18b: {  	[tilespmem:s4+$0xF258] =	vst.add.f32.msk $0xffff, v0  }
0x18c: {  	v0 =	vld [tilespmem:s0+$0xF268];
	_ =	sdelay $0x4  }
0x18d: {  	[tilespmem:s4+$0xF268] =	vst.add.f32.msk $0xffff, v0  }
0x18e: {  	v0 =	vld [tilespmem:s0+$0xF278];
	_ =	sdelay $0x4  }
0x18f: {  	[tilespmem:s4+$0xF278] =	vst.add.f32.msk $0xffff, v0  }
0x190: {  	v0 =	vld [tilespmem:s0+$0xF288];
	_ =	sdelay $0x4  }
0x191: {  	[tilespmem:s4+$0xF288] =	vst.add.f32.msk $0xffff, v0  }
0x192: {  	v0 =	vld [tilespmem:s0+$0xF298];
	_ =	sdelay $0x4  }
0x193: {  	[tilespmem:s4+$0xF298] =	vst.add.f32.msk $0xffff, v0  }
0x194: {  	v0 =	vld [tilespmem:s0+$0xF2A8]  }
.Ltmp24:
0x195: {  	_ = 	snop;
	(pc) =	sbr.rel .LBB2_31-.Ltmp24, $2  }
0x196: {  	_ =	sdelay $0x2  }
0x197: {  	[tilespmem:s4+$0xF2A8] =	vst.add.f32.msk $0xffff, v0  }
.LBB2_32:
0x198: {  	p0 =	slt.s32 s2, $0x1  }
.Ltmp25:
0x199: {  	_ = 	snop;
	(pc) =	sbr.rel @p0 .LBB2_36-.Ltmp25, $3  }
0x19a: {  	_ =	sdelay $0x1  }
0x19b: {  	s0 =	simm.s32 $0x6  }
0x19c: {  	s3 =	simm.s32 $0x0;
	[sflag:s0] =	ssyncpa.u1 $0x1  }
0x19d: {  	s0 =	simm.s32 $0xF218  }
0x19e: {  	v0 =	vld.msk [tilespmem:s0+$0x0], $0x1;
	_ =	sdelay $0x4  }
0x19f: {  	(v2sf) =	vpush v0, $0x0;
	_ =	sdelay $0xd  }
0x1a0: {  	s2 =	sadd.s32 $0xFFFFFFFF, s2  }
0x1a1: {  	p1 =	sne.s32 s2, $0x0;
	s0 =	spop (v2sf)  }
.Ltmp26:
0x1a2: {  	p0 =	sgt.u32 s0, $0x270F0;
	(pc) =	sbr.rel @!p1 .LBB2_35-.Ltmp26, $4  }
0x1a3: {  	s4 =	simm.s32 $0xF238;
	s5 =	sand.u32 @!p0 $0x3FFF8, s0  }
0x1a4: {  	s6 =	simm.s32 $0x0;
	s0 =	sand.u32 @!p0 $0x7, s0;
	s5 =	sadd.s32 @!p0 s1, s5  }
0x1a5: {  	[hbm4b:s5+s0] =	stream.linear.scatter @!p0 [tilespmem:s4], [sflag:$0x5], $0x80, $0x38;
	[tilespmem:$0x1F6E8] =	vst v63  }
0x1a6: {  	s6 =	simm.s32 @!p0 $0x200;
	s5 =	simm.s32 $0xF219  }
.LBB2_34:
0x1a7: {  	v0 =	vld.msk [tilespmem:s5+$0x0], $0x1;
	s2 =	sadd.s32 $0xFFFFFFFF, s2;
	s3 =	sadd.s32 s3, s6  }
0x1a8: {  	p0 =	sne.s32 s2, $0x0;
	_ =	sdelay $0x3  }
0x1a9: {  	(v2sf) =	vpush v0, $0x0;
	_ =	sdelay $0xe  }
.Ltmp27:
0x1aa: {  	s0 =	spop (v2sf);
	(pc) =	sbr.rel @p0 .LBB2_34-.Ltmp27, $4  }
0x1ab: {  	s6 =	simm.s32 $0x0;
	p1 =	sgt.u32 s0, $0x270F0  }
0x1ac: {  	s4 =	sadd.s32 $0x80, s4;
	s6 =	simm.s32 @!p1 $0x200;
	s7 =	sand.u32 @!p1 $0x3FFF8, s0  }
0x1ad: {  	s5 =	sadd.s32 $0x1, s5;
	s0 =	sand.u32 @!p1 $0x7, s0;
	s7 =	sadd.s32 @!p1 s1, s7  }
0x1ae: {  	[hbm4b:s7+s0] =	stream.linear.scatter @!p1 [tilespmem:s4], [sflag:$0x5], $0x80, $0x38;
	[tilespmem:$0x1F6E8] =	vst v63  }
.LBB2_35:
0x1af: {  	s0 =	sadd.s32 s3, s6  }
0x1b0: {  	s3 =	sshrl.u32 s0, $0x2  }
.LBB2_36:
0x1b1: {  	s0 =	simm.s32 $0x5  }
0x1b2: {  	_ =	swait.ge [sflag:s0], s3  }
0x1b3: {  	s1 =	ssub.s32 $0x0, s3;
	[sflag:s0] =	ssyncset.done $0x0  }
0x1b4: {  	[sflag:s0] =	ssyncadd.s32 s1  }
0x1b5: {  	[sflag:s0] =	ssyncpa.u1 $0x1  }
0x1b6: {  	s30 =	simm.s32 $0x1;
	_ =	sfence  }
0x1b7: {  	[sflag:s30] =	ssyncpa.u1 $0x1  }
0x1b8: {  	_ =	strace $0x9000004A  }
0x1b9: {  	[bflag:$0x2] =	sbarrier.arrive $0xFFFF  }
0x1ba: {  	s31 =	rddreg [dreg:$0x3]  }
0x1bb: {  	s0 =	sadd.s32 $0x100000, s31  }
0x1bc: {  	[sflag:s0] =	ssyncadd.tile.s32 $0x1;
	_ =	shalt  }
.Lfunc_end2:
_tile_overlayer_lowered:
.L_overlay_start_2:
0x1bd: {  	(tag) =	ssettag $0x2  }
0x1be: {  	s0 =	rddreg [dreg:$0x0];
	s2 =	stileid.u32  }
0x1bf: {  	s1 =	rddreg [dreg:$0x1];
	p0 =	sne.s32 s2, $0x0  }
0x1c0: {  	s3 =	rddreg [dreg:$0x2];
	[bflag:$0x3] =	sbarrier.arrive $0xFFFF;
	s2 =	simm.s32 @!p0 $0x1C01  }
0x1c1: {  	[timem:s3], [sflag:s2] =	dma.local @!p0 [hbm:s0], s1  }
0x1c2: {  	s0 =	simm.s32 @!p0 $0x1  }
0x1c3: {  	_ =	swait.ge @!p0 [sflag:s0], s1  }
0x1c4: {  	s1 =	ssub.s32 @!p0 $0x0, s1;
	[sflag:s0] =	ssyncset.done @!p0 $0x0  }
0x1c5: {  	[sflag:s0] =	ssyncadd.s32 @!p0 s1  }
0x1c6: {  	[bflag:$0x3] =	sbarrier.arrive $0xFFFF  }
0x1c7: {  	_ =	shalt  }

// kernel: scatter_offload_async_start
scs
__scs_entry_jumppad:
0x0: {  	(pc) =	sbr.rel $0x88, $3  }
0x1: {  	(tag) =	ssettag $0x0;
	lr =	simm.s32 $0x1  }
0x2: {  	[smem:$0x3F9C] =	sst lr;
	_ =	strace $0xD0000000  }
0x3: {  	_ = 	snop  }
0x4: {  	_ = 	snop  }
0x5: {  	_ = 	snop  }
0x6: {  	_ = 	snop  }
0x7: {  	_ = 	snop  }
__scs_overlays_trampoline_lowered:
0x8: {  	[smem:$0x3FAB] =	sst s0  }
0x9: {  	[smem:$0x3FAC] =	sst s1  }
0xa: {  	[smem:$0x3FAD] =	sst s2  }
0xb: {  	[smem:$0x3FAE] =	sst s3  }
0xc: {  	[smem:$0x3FAF] =	sst s4  }
0xd: {  	[smem:$0x3FB0] =	sst s5  }
0xe: {  	[smem:$0x3FB1] =	sst s6  }
0xf: {  	[smem:$0x3FB2] =	sst s7  }
0x10: {  	[smem:$0x3FB3] =	sst s8  }
0x11: {  	[smem:$0x3FB4] =	sst s9;
	s0 =	simm.s32 @!p0 $0x0  }
0x12: {  	s1 =	sld [smem:$0x3F9A];
	s0 =	simm.s32 @p0 $0x1  }
0x13: {  	[smem:$0x3FB5] =	sst s0;
	s0 =	simm.s32 @!p1 $0x0  }
0x14: {  	s2 =	sld [smem:$0x3F99];
	s0 =	simm.s32 @p1 $0x1  }
0x15: {  	[smem:$0x3FB6] =	sst s0;
	s0 =	simm.s32 @!p2 $0x0  }
0x16: {  	s3 =	sld [smem:$0x3FDB];
	s0 =	simm.s32 @p2 $0x1  }
0x17: {  	s4 =	simm.s32 $0x1BF5;
	[smem:$0x3FB8] =	sst s0  }
0x18: {  	s0 =	sld [smem:$0x3F9B];
	_ =	swait.ge [sflag:s4], $0x0  }
0x19: {  	s7 =	sld [smem:$0x3F9C]  }
0x1a: {  	s8 =	sadd.s32 $0xFFFFE003, lr  }
0x1b: {  	s9 =	sadd.s32 $0xFFFFFEF7, lr;
	s5 =	simm.s32 $0xFFFFFFFF;
	p2 =	slt.u32 s8, $0xFFFFF086  }
0x1c: {  	p1 =	slt.u32 s9, $0xF7A;
	s5 =	simm.s32 @!p2 $0x0  }
0x1d: {  	s5 =	simm.s32 @p1 $0x1;
	p0 =	seq.s32 s7, s2  }
0x1e: {  	s7 =	smul.u32 @!p0 $0xF7A, s2;
	p2 =	seq.s32 @!p0 s5, $0x0  }
0x1f: {  	s9 =	smul.u32 $0xF7A, s1;
	s8 =	simm.s32 @!p0 $0x1BF5;
	p2 =	por !p2, p0  }
0x20: {  	[sflag:s8] =	ssyncset.s32 @!p0 $0xFFFFF086;
	s6 =	sadd.s32 @!p0 s3, s7;
	s7 =	simm.s32 @!p0 $0x108  }
0x21: {  	s3 =	sadd.s32 s3, s9;
	s6 =	sadd.s32 @!p0 $0x88, s6;
	s7 =	simm.s32 @p2 $0x1082  }
0x22: {  	[simem:s7], [sflag:s8] =	dma.local @!p0 [hbm:s6], $0xF7A  }
0x23: {  	s9 =	sor.u32 $0xD0000000, s2;
	s6 =	simm.s32 $0x108;
	_ =	swait.ge @!p0 [sflag:s8], $0x0  }
0x24: {  	s3 =	sadd.s32 $0x88, s3;
	s6 =	simm.s32 @!p1 $0x1082;
	[sflag:s4] =	ssyncset.s32 $0xFFFFF086  }
0x25: {  	[simem:s6], [sflag:s4] =	dma.local [hbm:s3], $0xF7A  }
0x26: {  	[smem:$0x3F9C] =	sst s1;
	(tag) =	ssettag s2;
	_ =	strace s9  }
0x27: {  	s1 =	sld [smem:$0x3FAC]  }
0x28: {  	s2 =	sld [smem:$0x3FAD]  }
0x29: {  	s4 =	sld [smem:$0x3FAF]  }
0x2a: {  	p0 =	seq.s32 s5, $0x0;
	s5 =	sld [smem:$0x3FB0]  }
0x2b: {  	s6 =	sld [smem:$0x3FB1]  }
0x2c: {  	s7 =	sld [smem:$0x3FB2]  }
0x2d: {  	s3 =	simm.s32 $0x108;
	s8 =	sld [smem:$0x3FB3]  }
0x2e: {  	s3 =	simm.s32 @!p0 $0x1082;
	s9 =	sld [smem:$0x3FB4]  }
0x2f: {  	lr =	sadd.s32 s0, s3;
	s0 =	sld [smem:$0x3FAB]  }
0x30: {  	s3 =	sld [smem:$0x3FAE]  }
0x31: {  	[smem:$0x3FB7] =	sst s10  }
0x32: {  	s10 =	sld [smem:$0x3FB5];
	_ =	sdelay $0x3  }
0x33: {  	p0 =	seq.s32 s10, $0x1;
	s10 =	sld [smem:$0x3FB7];
	_ =	sdelay $0x3  }
0x34: {  	[smem:$0x3FB7] =	sst s10  }
0x35: {  	s10 =	sld [smem:$0x3FB6];
	_ =	sdelay $0x3  }
0x36: {  	p1 =	seq.s32 s10, $0x1;
	s10 =	sld [smem:$0x3FB7];
	_ =	sdelay $0x3  }
0x37: {  	[smem:$0x3FB7] =	sst s10  }
0x38: {  	s10 =	sld [smem:$0x3FB8]  }
0x39: {  	_ = 	snop;
	(pc) =	sbr.ind lr, $3  }
0x3a: {  	_ = 	snop  }
0x3b: {  	_ = 	snop  }
0x3c: {  	p2 =	seq.s32 s10, $0x1;
	s10 =	sld [smem:$0x3FB7]  }
0x3d: {  	_ =	shalt  }
0x3e: {  	_ =	shalt  }
0x3f: {  	_ =	shalt  }
0x40: {  	_ =	shalt  }
0x41: {  	_ =	shalt  }
0x42: {  	_ =	shalt  }
0x43: {  	_ =	shalt  }
0x44: {  	_ =	shalt  }
0x45: {  	_ =	shalt  }
0x46: {  	_ =	shalt  }
0x47: {  	_ =	shalt  }
0x48: {  	_ =	shalt  }
0x49: {  	_ =	shalt  }
0x4a: {  	_ =	shalt  }
0x4b: {  	_ =	shalt  }
0x4c: {  	_ =	shalt  }
0x4d: {  	_ =	shalt  }
0x4e: {  	_ =	shalt  }
0x4f: {  	_ =	shalt  }
0x50: {  	_ =	shalt  }
0x51: {  	_ =	shalt  }
0x52: {  	_ =	shalt  }
0x53: {  	_ =	shalt  }
0x54: {  	_ =	shalt  }
0x55: {  	_ =	shalt  }
0x56: {  	_ =	shalt  }
0x57: {  	_ =	shalt  }
0x58: {  	_ =	shalt  }
0x59: {  	_ =	shalt  }
0x5a: {  	_ =	shalt  }
0x5b: {  	_ =	shalt  }
0x5c: {  	_ =	shalt  }
0x5d: {  	_ =	shalt  }
0x5e: {  	_ =	shalt  }
0x5f: {  	_ =	shalt  }
0x60: {  	_ =	shalt  }
0x61: {  	_ =	shalt  }
0x62: {  	_ =	shalt  }
0x63: {  	_ =	shalt  }
0x64: {  	_ =	shalt  }
0x65: {  	_ =	shalt  }
0x66: {  	_ =	shalt  }
0x67: {  	_ =	shalt  }
0x68: {  	_ =	shalt  }
0x69: {  	_ =	shalt  }
0x6a: {  	_ =	shalt  }
0x6b: {  	_ =	shalt  }
0x6c: {  	_ =	shalt  }
0x6d: {  	_ =	shalt  }
0x6e: {  	_ =	shalt  }
0x6f: {  	_ =	shalt  }
0x70: {  	_ =	shalt  }
0x71: {  	_ =	shalt  }
0x72: {  	_ =	shalt  }
0x73: {  	_ =	shalt  }
0x74: {  	_ =	shalt  }
0x75: {  	_ =	shalt  }
0x76: {  	_ =	shalt  }
0x77: {  	_ =	shalt  }
0x78: {  	_ =	shalt  }
0x79: {  	_ =	shalt  }
0x7a: {  	_ =	shalt  }
0x7b: {  	_ =	shalt  }
0x7c: {  	_ =	shalt  }
0x7d: {  	_ =	shalt  }
0x7e: {  	_ =	shalt  }
0x7f: {  	_ =	shalt  }
0x80: {  	_ =	shalt  }
0x81: {  	_ =	shalt  }
0x82: {  	_ =	shalt  }
0x83: {  	_ =	shalt  }
0x84: {  	_ =	shalt  }
0x85: {  	_ =	shalt  }
0x86: {  	_ =	shalt  }
0x87: {  	_ =	shalt  }
.Lfunc_end0:
.L_simem_size_0:
called_computation_lowered:
.L_overlay_start_0:
0x88: {  	s0 =	sld [smem:$0x3FD9]  }
0x89: {  	s1 =	sld [smem:$0x3FFE];
	_ =	sdelay $0x3  }
0x8a: {  	s0 =	sadd.s32 s1, s0  }
0x8b: {  	[smem:$0x3FC3] =	sst s0  }
0x8c: {  	_ = 	snop  }
0x8d: {  	(tm) =	ssettm $0x1  }
0x8e: {  	s15 =	sld [smem:$0x3FFB];
	_ =	sdelay $0x3  }
0x8f: {  	_ =	strace s15  }
0x90: {  	s0 =	sld [smem:$0x3FFC];
	_ =	sdelay $0x3  }
0x91: {  	_ =	strace s0  }
0x92: {  	s0 =	sld [smem:$0x3FFD];
	_ =	sdelay $0x3  }
0x93: {  	_ =	strace s0  }
0x94: {  	_ =	strace $0x8FFFFFFF  }
0x95: {  	s16 =	sld [smem:$0x3FDB];
	_ =	sdelay $0x1  }
0x96: {  	s17 =	simm.s32 $_scs_section_size  }
0x97: {  	s2 =	simm.s32 $_size__tile_overlayer_lowered;
	s3 =	simm.s32 $_tile_overlayer_lowered  }
0x98: {  	s20 =	simm.s32 $0x1BFF;
	s19 =	sshll.u32 s3, $0x1;
	s0 =	sadd.s32 s17, s16  }
0x99: {  	s4 =	simm.s32 $0x0;
	s18 =	sshll.u32 s2, $0x1;
	s2 =	sadd.s32 s19, s0  }
0x9a: {  	[timem:s4], [sflag:s20] =	dma.local [hbm:s2], s18  }
0x9b: {  	_ =	swait.ge [sflag:s20], s18  }
0x9c: {  	s1 =	ssub.s32 $0x0, s18;
	[sflag:s20] =	ssyncset.done $0x0  }
0x9d: {  	[sflag:s20] =	ssyncadd.s32 s1;
	_ =	sdelay $0x1  }
0x9e: {  	s21 =	simm.s32 $0x1B8B  }
0x9f: {  	_ =	swait.ge [sflag:s21], $0x1  }
0xa0: {  	[sflag:s21] =	ssyncset.done $0x0  }
0xa1: {  	s23 =	simm.s32 $0x1B8E;
	s22 =	sld [smem:$0x3FFE];
	[sflag:s21] =	ssyncadd.s32 $0xFFFFFFFF  }
0xa2: {  	s24 =	simm.s32 $execute0_lowered;
	[smem:$0x3FD2] =	sst s23  }
0xa3: {  	s2 =	sshll.u32 s24, $0x1;
	_ =	strace $0x80000046;
	[dreg:$0x1] =	wrdreg $0xFFFFFFFF  }
0xa4: {  	s25 =	simm.s32 $_size_execute0_lowered;
	s0 =	sadd.s32 s0, s2;
	[dreg:$0x0] =	wrdreg $0x0  }
0xa5: {  	s2 =	sshll.u32 s25, $0x1;
	[dreg:$0x2] =	wrdreg s0  }
0xa6: {  	[dreg:$0x3] =	wrdreg s2  }
0xa7: {  	[dreg:$0x4] =	wrdreg $0xC0  }
0xa8: {  	_ =	task [dreg:s4], $0x5FFFF  }
0xa9: {  	[dreg:$0x1] =	wrdreg $0xFFFFFFFF  }
0xaa: {  	[dreg:$0x0] =	wrdreg $0x60  }
0xab: {  	[dreg:$0x2] =	wrdreg s22  }
0xac: {  	[dreg:$0x3] =	wrdreg $0x9  }
0xad: {  	_ =	task.clear_ibuf [dreg:s4], $0x4FFFF;
	_ =	strace $0x90000046  }
0xae: {  	s26 =	simm.s32 $0x9;
	_ =	strace $0x80000048  }
0xaf: {  	_ =	swait.ge [sflag:s26], $0x1  }
0xb0: {  	[sflag:s26] =	ssyncadd.s32 $0xFFFFFFFF  }
0xb1: {  	_ =	strace $0x90000048  }
0xb2: {  	_ =	sfence  }
0xb3: {  	s28 =	sld [smem:$0x0];
	_ =	sdelay $0x1  }
0xb4: {  	s29 =	srdreg.scid  }
0xb5: {  	s30 =	sshll.u32 s29, $0xD;
	s31 =	sshrl.u32 s29, $0x2  }
0xb6: {  	s1 =	sand.u32 $0x1, s29;
	s2 =	sand.u32 $0x4000, s30;
	s0 =	sadd.s32 s31, s28  }
0xb7: {  	s1 =	sor.u32 s2, s1;
	s0 =	sshll.u32 s0, $0x11  }
0xb8: {  	s0 =	sor.u32 s0, s1  }
0xb9: {  	s0 =	sadd.s32 $0x8F2B, s0  }
0xba: {  	[sflag:s0] =	ssyncadd.remote.s32 $0x1  }
0xbb: {  	_ =	sfence.sel $0xFFFF  }
0xbc: {  	[dreg:$0x0] =	wrdreg $0xFFFFFFFF;
	(pc) =	sbr.abs _section_cstart, $3  }
0xbd: {  	[dreg:$0x1] =	wrdreg $0xFFFFFFFF  }
0xbe: {  	_ =	task.clear_ibuf [dreg:s4], $0x2FFFF;
	_ =	strace $0x9FFFFFFF  }
0xbf: {  	(tm) =	ssettm $0x7FFFFFFF  }
tec
execute0_lowered:
.L_overlay_start_1:
0x0: {  	(tag) =	ssettag $0x1  }
0x1: {  	s0 =	rddreg [dreg:$0x0]  }
0x2: {  	s6 =	stileid.u32;
	_ =	strace $0x80000047;
	s2 =	simm.s32 $0x1  }
0x3: {  	v1 =	vimm.s32 $0xFFFFFFFF;
	s1 =	smul.u32 $0x3, s6;
	[sflag:s2] =	ssyncpa.u1 $0x0  }
0x4: {  	s3 =	smin.u32 s6, $0x7;
	[tilespmem:$0x10] =	vst v1  }
0x5: {  	v0 =	vimm.f32 $0.0e+00;
	[tilespmem:$0x20] =	vst v1;
	s1 =	sadd.s32 s3, s1  }
0x6: {  	p0 =	slt.u32 s6, $0x7;
	[tilespmem:$0x30] =	vst v0;
	s3 =	smul.u32 $0x1770, s1;
	s1 =	simm.s32 $0x5DC0  }
0x7: {  	[tilespmem:$0x40] =	vst v0;
	s1 =	simm.s32 @!p0 $0x4650  }
0x8: {  	[tilespmem:$0x50] =	vst v0;
	s1 =	sadd.s32 s1, s3  }
0x9: {  	[tilespmem:$0x60] =	vst v1;
	s4 =	smin.u32 s1, $0x50910  }
0xa: {  	s7 =	simm.s32 $0x2;
	[tilespmem:$0x70] =	vst v1;
	s9 =	ssub.s32 s4, s3  }
0xb: {  	s8 =	simm.s32 $0x8;
	s31 =	simm.s32 $0x9;
	[tilespmem:$0x80] =	vst v1;
	p0 =	sgt.s32 s9, $0x0  }
0xc: {  	s16 =	simm.s32 $0x0;
	s17 =	simm.s32 $0xF0;
	v1 =	vimm.s32 $0x0;
	[tilespmem:$0xB0] =	vst v0;
	s9 =	simm.s32 @!p0 $0x0  }
0xd: {  	s18 =	simm.s32 $0xFFFFFFFF;
	s19 =	simm.s32 $0xFFFFD220;
	[tilespmem:$0x90] =	vst v1;
	s5 =	smulhi.u32 $0x57619F1, s9  }
0xe: {  	s20 =	simm.s32 $0xFFFFFFFE;
	[tilespmem:$0xA0] =	vst v1;
	[sflag:s7] =	ssyncpa.u1 $0x0;
	s7 =	simm.s32 $0x7  }
0xf: {  	s21 =	simm.s32 $0xF;
	[sflag:s7] =	ssyncpa.u1 $0x0;
	s10 =	sshrl.u32 s5, $0x7  }
0x10: {  	s25 =	simm.s32 $0x0;
	[sflag:s8] =	ssyncpa.u1 $0x0;
	s11 =	smul.u32 $0x1770, s10  }
0x11: {  	s24 =	simm.s32 $0x0;
	s14 =	sshllo.u32 s6, $0x1;
	[sflag:s31] =	ssyncpa.u1 $0x0  }
.Ltmp0:
0x12: {  	s1 =	sadd.s32 $0x3C800, s0;
	p0 =	sne.s32 s9, s11;
	(pc) =	sbr.rel .LBB2_1-.Ltmp0, $4  }
0x13: {  	s5 =	sadd.s32 $0x1E200, s0;
	s0 =	sadd.s32 $0x28400, s0;
	s2 =	simm.s32 @!p0 $0x0  }
0x14: {  	s23 =	smov.u32 s3;
	[dreg:$0x2] =	wrdreg s0;
	s9 =	sadd.s32 s2, s10  }
0x15: {  	vm0 =	vmmov $0xffff;
	v2 =	vlaneseq.u32;
	p0 =	por $0x0, $0x0;
	s10 =	sshll.u32 s6, $0x1;
	s11 =	sadd.s32 $0x1, s9  }
0x16: {  	vm1 =	vmxor vm1, vm1;
	vm2 =	vmmov $0x1;
	vm3 =	vcmask $0x3F3C;
	s12 =	sadd.s32 $0x2, s9;
	s13 =	sor.u32 $0x81, s10;
	s15 =	sor.u32 $0x80, s10  }
.LBB2_9:
0x17: {  	p1 =	slt.u32 s24, $0x3  }
0x18: {  	s0 =	simm.s32 @!p1 $0x2  }
0x19: {  	_ =	swait.ge @!p1 [sflag:s0], $0x1770  }
0x1a: {  	[sflag:s0] =	ssyncset.done @!p1 $0x0  }
0x1b: {  	[sflag:s0] =	ssyncadd.s32 @!p1 $0xFFFFE890;
	s0 =	simm.s32 @!p1 $0x9  }
0x1c: {  	_ =	swait.ge @!p1 [sflag:s0], $0x10  }
0x1d: {  	[sflag:s0] =	ssyncset.done @!p1 $0x0  }
0x1e: {  	[sflag:s0] =	ssyncadd.s32 @!p1 $0xFFFFFFF0;
	p1 =	sne.s32 s24, s12  }
.Ltmp1:
0x1f: {  	s2 =	sadd.s32 $0x1770, s23;
	(pc) =	sbr.rel @!p1 .LBB2_10-.Ltmp1, $4  }
0x20: {  	s6 =	smov.u32 s3;
	s31 =	sadd.s32 $0x1, s24;
	s17 =	sadd.s32 $0x1770, s17  }
0x21: {  	s18 =	sadd.s32 $0x1, s18;
	s25 =	smov.u32 s23;
	p2 =	slt.s32 s2, s4  }
0x22: {  	p0 =	por !p0, !p0;
	s19 =	sadd.s32 $0x1770, s19;
	s6 =	smov.u32 @p2 s2  }
0x23: {  	s20 =	sadd.s32 $0x1, s20;
	s23 =	smov.u32 s6;
	s24 =	smov.u32 s31  }
.LBB2_1:
0x24: {  	p1 =	sge.u32 s24, s9  }
0x25: {  	s0 =	smulhi.u32 @!p1 $0xAAAAAAAB, s24;
	_ =	sdelay $0x1  }
0x26: {  	s0 =	sshrl.u32 @!p1 s0, $0x1  }
0x27: {  	s0 =	smul.u32 @!p1 $0x3, s0;
	_ =	sdelay $0x1  }
0x28: {  	s0 =	ssub.s32 @!p1 s24, s0  }
0x29: {  	s0 =	smul.u32 @!p1 $0x5DC0, s0;
	_ =	sdelay $0x1  }
0x2a: {  	s2 =	sshrl.u32 @!p1 s23, $0x3;
	s0 =	sshrl.u32 @!p1 s0, $0x2  }
0x2b: {  	s22 =	sand.u32 @!p1 $0x7, s23;
	s2 =	sadd.s32 @!p1 s5, s2;
	s0 =	sadd.s32 @!p1 $0x100, s0  }
0x2c: {  	[tilespmem:s0], [sflag:$0x7] =	stream.linear.gather @!p1 [hbm4b:s2+s22], $0x1770, $0x38;
	[tilespmem:$0xD410] =	vst v63  }
0x2d: {  	s0 =	sadd.s32 $0xFFFFFFFF, s24  }
0x2e: {  	p1 =	sge.u32 s0, s9  }
.Ltmp2:
0x2f: {  	_ = 	snop;
	(pc) =	sbr.rel @p1 .LBB2_5-.Ltmp2, $1  }
0x30: {  	_ =	sdelay $0x3  }
0x31: {  	s2 =	smulhi.u32 $0xAAAAAAAB, s0;
	_ =	sdelay $0x1  }
0x32: {  	s2 =	sshrl.u32 s2, $0x1  }
0x33: {  	s2 =	smul.u32 $0x3, s2;
	_ =	sdelay $0x1  }
0x34: {  	s2 =	ssub.s32 s0, s2  }
0x35: {  	s2 =	smul.u32 $0x5DC0, s2  }
0x36: {  	_ =	swait.ge [sflag:s7], $0x1770  }
0x37: {  	[sflag:s7] =	ssyncset.done $0x0;
	s2 =	sshrl.u32 s2, $0x2  }
0x38: {  	[sflag:s7] =	ssyncadd.s32 $0xFFFFE890;
	(ifvalue) =	ssetifvalue $0xFFFFFFFF;
	v3 =	vld.msk [tilespmem:s2+$0x100 ss:$0x1], $0xffff;
	_ =	sdelay $0x2  }
0x39: {  	s30 =	smulhi.u32 $0xAAAAAAAB, s18;
	p1 =	sne.s32 s24, $0x1  }
0x3a: {  	v4 =	vimm.s32 @!p1 $0x0  }
0x3b: {  	s2 =	sshrl.u32 s30, $0x1;
	v4 =	vperm.xlane @!p1 v3, v4  }
0x3c: {  	s22 =	sshll.u32 s24, $0x4;
	s2 =	smul.u32 $0xFFFEE6C0, s2;
	vm4 =	vlt.u32 v3, $0x2800  }
0x3d: {  	s22 =	sand.u32 $0x10, s22;
	v3 =	vnsel vm4, $0xFFFFFFFE, v3;
	vm4 =	vlt.u32 @!p1 v4, $0x2800  }
0x3e: {  	s2 =	sshra.s32 s2, $0x2;
	[tilespmem:s22+$0x60] =	vst v3;
	v3 =	vnsel @!p1 vm4, $0xFFFFFFFE, v4  }
0x3f: {  	s28 =	sadd.s32 s2, s17;
	[tilespmem:$0x80] =	vst @!p1 v3  }
0x40: {  	v3 =	vld.msk [tilespmem:s28+$0x0 ss:$0x1], $0xffff;
	_ =	sdelay $0x4  }
0x41: {  	(xrf1) =	vunique.msk.u32 $0xffff, v3;
	_ =	sdelay $0xd  }
0x42: {  	v4 =	vimm.s32 $0xFFFFFFFF;
	v5, _, _ =	vpop (xrf1)  }
0x43: {  	vm5 =	vne.s32 v3, v4;
	vm4 =	veq.s32 v5, v2  }
0x44: {  	vm6 =	vlt.u32 v3, $0x2800;
	vm4 =	vmand vm5, vm4  }
0x45: {  	vm4 =	vmand vm6, vm4  }
0x46: {  	v4 =	vnsel vm4, $0xFFFFFFFF, v3  }
0x47: {  	s31 =	sand.u32 $0x1, s0  }
0x48: {  	s0 =	simm.s32 $0x1770;
	p1 =	seq.s32 s31, $0x1  }
0x49: {  	s0 =	simm.s32 @!p1 $0x0  }
0x4a: {  	s26 =	sadd.s32 $0x5EB0, s0;
	(ifvalue) =	ssetifvalue $0xFFFFFFFF  }
0x4b: {  	v3 =	vperm.xlane v3, v1;
	[tilespmem:s26], [sflag:$0x8] =	stream.indirect_vreg.gather [hbm4b:s1+s16], $0x1, v4, vm0, $0x4038;
	v4 =	vnsel vm6, $0xFFFFFFFE, v4;
	[tilespmem:$0xD410] =	vst v63  }
0x4c: {  	s2 =	simm.s32 $0x0;
	s22 =	sadd.s32 $0xFFFFFFF0, s28;
	[tilespmem:s28+$0x0] =	vst v4  }
.LBB2_3:
0x4d: {  	v4 =	vld.msk [tilespmem:s22+$0x0 ss:$0x1], $0xffff;
	s2 =	sadd.s32 $0x10, s2;
	v5 =	vmov v3;
	s28 =	smov.u32 s22  }
0x4e: {  	p1 =	slt.u32 s2, $0x1760;
	_ =	sdelay $0x4  }
0x4f: {  	v3 =	vperm.xlane v4, v1;
	(xrf1) =	vunique.msk.u32 $0xffff, v4;
	_ =	sdelay $0xd  }
0x50: {  	v6, _, _ =	vpop (xrf1)  }
0x51: {  	vm5 =	vne.s32 v4, v5;
	vm4 =	veq.s32 v6, v2  }
0x52: {  	vm6 =	vlt.u32 v4, $0x2800;
	vm4 =	vmand vm5, vm4  }
0x53: {  	vm4 =	vmand vm6, vm4  }
0x54: {  	v4 =	vnsel vm4, $0xFFFFFFFF, v4  }
.Ltmp3:
0x55: {  	v5 =	vnsel vm6, $0xFFFFFFFE, v4;
	(pc) =	sbr.rel @p1 .LBB2_3-.Ltmp3, $3  }
0x56: {  	_ =	sdelay $0x1  }
0x57: {  	s22 =	sadd.s32 $0xFFFFFFF0, s22;
	s26 =	sadd.s32 $0xFFFFFFF0, s26;
	(ifvalue) =	ssetifvalue $0xFFFFFFFF  }
0x58: {  	[tilespmem:s26], [sflag:$0x8] =	stream.indirect_vreg.gather [hbm4b:s1+s16], $0x1, v4, vm0, $0x4038;
	[tilespmem:s28+$0x0] =	vst v5  }
0x59: {  	s2 =	sshrl.u32 s25, $0x3;
	s6 =	rddreg [dreg:$0x2]  }
0x5a: {  	s0 =	sadd.s32 $0x7630, s0;
	s2 =	sadd.s32 s6, s2  }
0x5b: {  	[tilespmem:s0], [sflag:$0x8] =	stream.linear.gather [hbm:s2], $0x1770, $0x38;
	[tilespmem:$0xD410] =	vst v63  }
.LBB2_5:
0x5c: {  	p1 =	slt.u32 s24, $0x2  }
0x5d: {  	p2 =	sge.u32 @!p1 s24, s12  }
0x5e: {  	p1 =	por p1, p2  }
.Ltmp4:
0x5f: {  	_ = 	snop;
	(pc) =	sbr.rel @p1 .LBB2_9-.Ltmp4, $1  }
0x60: {  	_ =	sdelay $0x3  }
0x61: {  	s0 =	sadd.s32 $0xFFFFFFFE, s24  }
0x62: {  	s2 =	smulhi.u32 $0xAAAAAAAB, s0;
	_ =	sdelay $0x1  }
0x63: {  	s2 =	sshrl.u32 s2, $0x1  }
0x64: {  	s2 =	smul.u32 $0x3, s2;
	_ =	sdelay $0x1  }
0x65: {  	s0 =	ssub.s32 s0, s2  }
0x66: {  	_ =	swait.ge [sflag:s8], $0x2EE0;
	s0 =	smul.u32 $0x1770, s0  }
0x67: {  	p1 =	sne.s32 s24, s11;
	[sflag:s8] =	ssyncset.done $0x0  }
0x68: {  	[sflag:s8] =	ssyncadd.s32 $0xFFFFD120;
	s2 =	sadd.s32 @!p1 $0x186F, s0  }
0x69: {  	[spmem:s13] =	stream.linear.scatter @!p1 [tilespmem:s2], [sflag:$0x1], $0x1, $0x38;
	[tilespmem:$0xD410] =	vst v63  }
0x6a: {  	s2 =	simm.s32 @!p1 $0x1  }
0x6b: {  	_ =	swait.ge @!p1 [sflag:s2], $0x1  }
0x6c: {  	s22 =	sshll.u32 s24, $0x4;
	[sflag:s2] =	ssyncset.done @!p1 $0x0  }
0x6d: {  	s25 =	sand.u32 $0x10, s22;
	[sflag:s2] =	ssyncadd.s32 @!p1 $0xFFFFFFFF  }
0x6e: {  	s2 =	sxor.u32 $0x10, s25;
	v4 =	vld [tilespmem:s25+$0x10]  }
0x6f: {  	v5 =	vld [tilespmem:s2+$0x60]  }
0x70: {  	v3 =	vld [tilespmem:$0x80];
	_ =	sdelay $0x2  }
0x71: {  	(v2sf) =	vpush v4, $0x0  }
0x72: {  	(v2sf) =	vpush v5, $0x0  }
0x73: {  	(v2sf) =	vpush v3, $0x0;
	_ =	sdelay $0xc  }
0x74: {  	s6 =	spop (v2sf)  }
0x75: {  	s28 =	spop (v2sf)  }
0x76: {  	s26 =	spop (v2sf)  }
0x77: {  	p2 =	seq.s32 s6, s28;
	p3 =	seq.s32 s26, s6  }
0x78: {  	p3 =	por p2, p3  }
0x79: {  	s6 =	sand.u32 $0x1, s24;
	v4 =	vpsel p3, $0xFFFFFFFF, v4  }
0x7a: {  	s28 =	smul.u32 $0x1770, s6;
	[tilespmem:s25+$0x10] =	vst.msk $0x1, v4  }
0x7b: {  	v4 =	vld [tilespmem:$0x30]  }
0x7c: {  	v5 =	vld [tilespmem:s28+$0x7630]  }
0x7d: {  	v6 =	vld [tilespmem:s25+$0x40];
	_ =	sdelay $0x3  }
0x7e: {  	vm4 =	vmmov vm1;
	v5 =	vadd.f32 v5, v4  }
0x7f: {  	vm5 =	vmmov vm2;
	vm4 =	vmmov @p2 vm2;
	v4 =	vadd.f32 v6, v4  }
0x80: {  	s22 =	sshll.u32 s6, $0x4;
	vm5 =	vmmov @p3 vm1;
	[tilespmem:s28+$0x7630] =	vst.msk vm4, v5  }
0x81: {  	[tilespmem:s22+$0xD3F0] =	vst.msk vm5, v4  }
0x82: {  	v4 =	vld [tilespmem:s28+$0x5EB0];
	_ =	sdelay $0x3  }
0x83: {  	v5 =	vimm.f32 $0.0e+00  }
0x84: {  	v4 =	vshift.insert v4, v5, s21  }
0x85: {  	s29 =	sor.u32 $0x40, s2  }
0x86: {  	[tilespmem:s29+$0x0] =	vst.msk $0x1, v4  }
0x87: {  	[tilespmem:s28+$0x5EBF] =	vst.msk $0x1, v5  }
0x88: {  	v4 =	vld [tilespmem:s0+$0x1860];
	_ =	sdelay $0x1  }
0x89: {  	s29 =	smulhi.u32 $0xAAAAAAAB, s20;
	s0 =	simm.s32 $0x1  }
0x8a: {  	s0 =	simm.s32 @!p0 $0x0  }
0x8b: {  	s29 =	sshrl.u32 s29, $0x1;
	s0 =	smul.u32 $0x5DC0, s0  }
0x8c: {  	s29 =	smul.u32 $0xFFFEE6C0, s29;
	v4 =	vshift.insert v4, v1, s21  }
0x8d: {  	s0 =	sshrl.u32 s0, $0x2  }
0x8e: {  	s29 =	sshra.s32 s29, $0x2;
	s30 =	sadd.s32 $0x7630, s0;
	[tilespmem:s2+$0x10] =	vst.msk $0x1, v4  }
0x8f: {  	s6 =	sadd.s32 s29, s19;
	v6 =	vld [tilespmem:s30+$0x0]  }
0x90: {  	v7 =	vld [tilespmem:s6+$0x0];
	_ =	sdelay $0x3  }
0x91: {  	v5 =	vadd.f32 v6, v5  }
0x92: {  	vm4 =	vne.s32 v7, $0xFFFFFFFF  }
0x93: {  	(xrf2) =	vadd.seg.scan.f32 vm4, v5;
	_ =	sdelay $0x3  }
0x94: {  	s31 =	sadd.s32 $0x4750, s0;
	v5 =	vperm.xlane v4, v1  }
0x95: {  	v6 =	vld [tilespmem:s31+$0x0]  }
0x96: {  	vm5 =	veq.s32 v7, v3;
	vm6 =	veq.s32 v7, v5  }
0x97: {  	vm7 =	vgt.u32 v7, $0xFFFFFFFD;
	vm6 =	vmor vm6, vm5  }
0x98: {  	vm6 =	vmor vm6, vm7  }
0x99: {  	v9 =	vld [tilespmem:$0xA0];
	v7 =	vsel vm6, $0xFFFFFFFF, v7  }
0x9a: {  	v10 =	vld [tilespmem:$0x90];
	v6 =	vsel vm5, $0x0, v6;
	v8, _, _ =	vpop (xrf2)  }
0x9b: {  	v6 =	vadd.f32 v8, v6  }
0x9c: {  	s0 =	sadd.s32 $0xA510, s0  }
0x9d: {  	vm4 =	vmand vm4, vm3;
	[tilespmem:s0+$0x0] =	vst v6;
	(ifvalue) =	ssetifvalue $0xFFFFFFFF  }
0x9e: {  	vm6 =	veq.s32 v9, $0x1;
	[hbm4b:s1+s16] =	stream.indirect_vreg.scatter [tilespmem:s0], [sflag:$0x2], $0x1, v7, vm0, $0x4038;
	v7 =	vsel vm4, $0x0, v8;
	[tilespmem:$0xD410] =	vst v63  }
0x9f: {  	s29 =	sadd.s32 $0xD3F0, s22;
	s22 =	sadd.s32 $0x10, s6;
	s2 =	simm.s32 $0x0;
	vm4 =	vmor vm6, vm5;
	v6 =	vsel vm5, v8, v10;
	v7 =	vshift.insert v7, v0, s21  }
.LBB2_7:
0xa0: {  	v8 =	vld [tilespmem:s22+$0x0];
	s30 =	sadd.s32 $0x10, s30  }
0xa1: {  	s31 =	sadd.s32 $0x10, s31;
	v9 =	vld [tilespmem:s30+$0x0]  }
0xa2: {  	s2 =	sadd.s32 $0x10, s2;
	v10 =	vld [tilespmem:s31+$0x0]  }
0xa3: {  	p2 =	slt.u32 s2, $0x1760;
	_ =	sdelay $0x2  }
0xa4: {  	v7 =	vadd.f32 v9, v7  }
0xa5: {  	vm5 =	vne.s32 v8, $0xFFFFFFFF  }
0xa6: {  	vm6 =	vmand vm5, vm3;
	(xrf2) =	vadd.seg.scan.f32 vm5, v7;
	_ =	sdelay $0x5  }
0xa7: {  	vm7 =	veq.s32 v8, v5;
	vm5 =	veq.s32 v8, v3  }
0xa8: {  	vm8 =	vgt.u32 v8, $0xFFFFFFFD;
	vm4 =	vmor vm4, vm5;
	vm7 =	vmor vm7, vm5  }
0xa9: {  	vm7 =	vmor vm7, vm8  }
0xaa: {  	v8 =	vsel vm7, $0xFFFFFFFF, v8  }
.Ltmp5:
0xab: {  	v7 =	vsel vm5, $0x0, v10;
	v9, _, _ =	vpop (xrf2);
	(pc) =	sbr.rel @p2 .LBB2_7-.Ltmp5, $4  }
0xac: {  	v6 =	vsel vm5, v9, v6;
	v10 =	vadd.f32 v9, v7;
	v7 =	vsel vm6, $0x0, v9  }
0xad: {  	s0 =	sadd.s32 $0x10, s0;
	v7 =	vshift.insert v7, v0, s21  }
0xae: {  	s22 =	sadd.s32 $0x10, s22;
	[tilespmem:s0+$0x0] =	vst v10;
	(ifvalue) =	ssetifvalue $0xFFFFFFFF  }
0xaf: {  	[hbm4b:s1+s16] =	stream.indirect_vreg.scatter [tilespmem:s0], [sflag:$0x2], $0x1, v8, vm0, $0x4038;
	[tilespmem:$0xD410] =	vst v63  }
0xb0: {  	v3 =	vld [tilespmem:s28+$0xBC70];
	_ =	sdelay $0x4  }
0xb1: {  	v3 =	vshift.insert v3, v0, s21  }
0xb2: {  	s0 =	simm.s32 $0x30  }
0xb3: {  	[tilespmem:s0+$0x0] =	vst.msk $0x1, v3  }
0xb4: {  	v3 =	vsel vm4, $0x1, v1;
	[tilespmem:$0x90] =	vst v6  }
0xb5: {  	s0 =	sadd.s32 @!p1 $0xBC7F, s28;
	[tilespmem:$0xA0] =	vst v3  }
0xb6: {  	[spmem:s14] =	stream.linear.scatter @!p1 [tilespmem:s0], [sflag:$0x1], $0x1, $0x38;
	[tilespmem:$0xD410] =	vst v63  }
0xb7: {  	s0 =	simm.s32 @!p1 $0x1  }
0xb8: {  	v3 =	vmctz.xlane @!p1 vm4;
	_ =	swait.ge @!p1 [sflag:s0], $0x1  }
0xb9: {  	(v2sf) =	vpush @!p1 v4, $0x0  }
0xba: {  	(v2sf) =	vpush @!p1 v3, $0x0;
	_ =	sdelay $0xd  }
0xbb: {  	s2 =	spop @!p1 (v2sf)  }
0xbc: {  	s6 =	spop @!p1 (v2sf)  }
0xbd: {  	p2 =	sne.s32 @!p1 s26, s2;
	p3 =	slt.s32 @!p1 s6, $0xF  }
0xbe: {  	[sflag:s0] =	ssyncset.done @!p1 $0x0;
	p2 =	por p2, p1;
	p3 =	por !p3, p1  }
0xbf: {  	[sflag:s0] =	ssyncadd.s32 @!p1 $0xFFFFFFFF;
	v3 =	vimm.s32 @!p2 $0xFFFFFFFF;
	s6 =	simm.s32 @p3 $0xF  }
0xc0: {  	[tilespmem:$0x80] =	vst @!p2 v3;
	s2 =	sadd.s32 @!p1 $0x90, s6  }
0xc1: {  	[spmem:s10] =	stream.linear.scatter @!p1 [tilespmem:s2], [sflag:$0x1], $0x1, $0x38;
	[tilespmem:$0xD410] =	vst v63  }
0xc2: {  	_ =	swait.ge @!p1 [sflag:s0], $0x1  }
0xc3: {  	[sflag:s0] =	ssyncset.done @!p1 $0x0  }
0xc4: {  	s2 =	simm.s32 @!p1 $0x80;
	[sflag:s0] =	ssyncadd.s32 @!p1 $0xFFFFFFFF  }
0xc5: {  	[spmem:s15] =	stream.linear.scatter @!p1 [tilespmem:s2], [sflag:$0x1], $0x1, $0x38;
	[tilespmem:$0xD410] =	vst v63  }
0xc6: {  	_ =	swait.ge @!p1 [sflag:s0], $0x1  }
0xc7: {  	[sflag:s0] =	ssyncset.done @!p1 $0x0  }
0xc8: {  	[sflag:s0] =	ssyncadd.s32 @!p1 $0xFFFFFFFF;
	(ifvalue) =	ssetifvalue $0xFFFFFFFF;
	v3 =	vld [tilespmem:s25+$0x10];
	_ =	sdelay $0x3  }
.Ltmp6:
0xc9: {  	_ = 	snop;
	(pc) =	sbr.rel .LBB2_9-.Ltmp6, $3  }
0xca: {  	_ =	sdelay $0x1  }
0xcb: {  	(ifvalue) =	ssetifvalue $0xFFFFFFFF  }
0xcc: {  	[hbm4b:s1+s16] =	stream.indirect_vreg.scatter [tilespmem:s29], [sflag:$0x9], $0x1, v3, vm0, $0x4038;
	[tilespmem:$0xD410] =	vst v63  }
.LBB2_10:
0xcd: {  	_ =	sfence.sel $0x180000  }
0xce: {  	s0 =	simm.s32 $0x7;
	[bflag:$0x0] =	sbarrier.arrive $0xFFFF  }
0xcf: {  	s26 =	simm.s32 $0x8;
	[sflag:s0] =	ssyncpa.u1 $0x1  }
0xd0: {  	s28 =	simm.s32 $0x9;
	[sflag:s26] =	ssyncpa.u1 $0x1  }
0xd1: {  	[sflag:s28] =	ssyncpa.u1 $0x1  }
0xd2: {  	_ =	sfence.stream.spmem  }
0xd3: {  	s29 =	simm.s32 $0x3;
	[bflag:$0x0] =	sbarrier.arrive $0xFFFF  }
0xd4: {  	s30 =	simm.s32 $0x4;
	[sflag:s29] =	ssyncpa.u1 $0x1  }
0xd5: {  	s31 =	simm.s32 $0x3C;
	s2 =	stileid.u32;
	[sflag:s30] =	ssyncpa.u1 $0x1  }
0xd6: {  	p0 =	sne.s32 s2, $0x0;
	[sflag:s31] =	ssyncpa.u1 $0x1  }
0xd7: {  	s0 =	simm.s32 @p0 $0x1;
	_ =	sfence @p0  }
0xd8: {  	[sflag:s0] =	ssyncpa.u1 @p0 $0x1;
	s0 =	simm.s32 @p0 $0x2  }
0xd9: {  	[sflag:s0] =	ssyncpa.u1 @p0 $0x1  }
0xda: {  	_ =	strace @p0 $0x90000047  }
0xdb: {  	[bflag:$0x2] =	sbarrier.arrive @p0 $0xFFFF  }
0xdc: {  	_ =	shalt @p0  }
.LBB2_11:
0xdd: {  	_ =	sfence.stream.spmem;
	s0 =	simm.s32 $0x5  }
0xde: {  	s2 =	simm.s32 $0x80;
	s3 =	simm.s32 $0xC0;
	[sflag:s0] =	ssyncpa.u1 $0x0  }
0xdf: {  	[tilespmem:s3], [sflag:$0x5] =	stream.linear.gather [spmem:s2], $0x20, $0x38;
	[tilespmem:$0xD410] =	vst v63  }
0xe0: {  	s2 =	simm.s32 $0x0;
	s3 =	simm.s32 $0xE0  }
0xe1: {  	[tilespmem:s3], [sflag:$0x5] =	stream.linear.gather [spmem:s2], $0x20, $0x38;
	[tilespmem:$0xD410] =	vst v63  }
.Ltmp7:
0xe2: {  	_ = 	snop;
	(pc) =	sbr.rel .LBB2_12-.Ltmp7, $4  }
0xe3: {  	_ =	swait.ge [sflag:s0], $0x40  }
0xe4: {  	[sflag:s0] =	ssyncset.done $0x0  }
0xe5: {  	s31 =	simm.s32 $0x6;
	[sflag:s0] =	ssyncadd.s32 $0xFFFFFFC0  }
0xe6: {  	s4 =	simm.s32 $0x0;
	[sflag:s31] =	ssyncpa.u1 $0x0  }
.LBB2_17:
0xe7: {  	p0 =	sgt.u32 s5, $0x27FF  }
0xe8: {  	s0 =	sshrl.u32 @!p0 s5, $0x3  }
0xe9: {  	s5 =	sand.u32 @!p0 $0x7, s5;
	s6 =	simm.s32 @!p0 $0xB0;
	s0 =	sadd.s32 @!p0 s1, s0  }
0xea: {  	[tilespmem:s6], [sflag:$0x6] =	stream.linear.gather @!p0 [hbm4b:s0+s5], $0x1, $0x38;
	[tilespmem:$0xD410] =	vst v63  }
0xeb: {  	s0 =	simm.s32 @!p0 $0x6  }
0xec: {  	_ =	swait.ge @!p0 [sflag:s0], $0x1  }
0xed: {  	[sflag:s0] =	ssyncset.done @!p0 $0x0  }
0xee: {  	[sflag:s0] =	ssyncadd.s32 @!p0 $0xFFFFFFFF  }
0xef: {  	v2 =	vmov @!p0 s4;
	v1 =	vld.msk @!p0 [tilespmem:$0xB0], $0x1;
	_ =	sdelay $0x3  }
0xf0: {  	s0 =	simm.s32 @!p0 $0xE0  }
0xf1: {  	[tilespmem:v2+s0+$0x0], v1 =	vst.idx.ret.add.f32.msk @!p0 $0x1, v1  }
0xf2: {  	[tilespmem:s2+$0xC0] =	vst.msk $0x1, v0  }
0xf3: {  	v0 =	vld.msk [tilespmem:s4+$0xE0], $0x1;
	_ =	sdelay $0x4  }
0xf4: {  	[tilespmem:s2+$0xE0] =	vst.msk $0x1, v0;
	s2 =	sadd.s32 $0x1, s2  }
.LBB2_19:
0xf5: {  	s4 =	sadd.s32 $0x1, s4  }
0xf6: {  	p0 =	sne.s32 s4, $0x20  }
.Ltmp8:
0xf7: {  	_ = 	snop;
	(pc) =	sbr.rel @!p0 .LBB2_20-.Ltmp8, $1  }
0xf8: {  	_ =	sdelay $0x3  }
.LBB2_12:
0xf9: {  	v0 =	vld.msk [tilespmem:s4+$0xC0], $0x1;
	_ =	sdelay $0x4  }
0xfa: {  	(v2sf) =	vpush v0, $0x0;
	_ =	sdelay $0xe  }
0xfb: {  	s5 =	spop (v2sf)  }
0xfc: {  	p0 =	seq.s32 s5, $0xFFFFFFFF  }
.Ltmp9:
0xfd: {  	_ = 	snop;
	(pc) =	sbr.rel @p0 .LBB2_19-.Ltmp9, $1  }
0xfe: {  	_ =	sdelay $0x3  }
0xff: {  	p0 =	slt.s32 s2, $0x1  }
.Ltmp10:
0x100: {  	_ = 	snop;
	(pc) =	sbr.rel @p0 .LBB2_17-.Ltmp10, $1  }
0x101: {  	_ =	sdelay $0x3  }
0x102: {  	s0 =	simm.s32 $0xC0;
	p0 =	por $0x0, $0x0  }
0x103: {  	v1 =	vld.msk @!p0 [tilespmem:s0+$0x0], $0x1;
	_ =	sdelay $0x4  }
0x104: {  	(v2sf) =	vpush @!p0 v1, $0x0;
	_ =	sdelay $0xd  }
0x105: {  	p2 =	sne.s32 s2, $0x1  }
.Ltmp11:
0x106: {  	s6 =	spop @!p0 (v2sf);
	(pc) =	sbr.rel @!p2 .LBB2_16-.Ltmp11, $4  }
0x107: {  	p1 =	seq.s32 @!p0 s5, s6  }
0x108: {  	s6 =	simm.s32 $0x0;
	p1 =	por !p1, p0  }
0x109: {  	s8 =	simm.s32 $0xFFFFFFFF;
	s6 =	simm.s32 @p1 $0xFFFFFFFF  }
0x10a: {  	s7 =	simm.s32 $0x1;
	s6 =	smov.u32 @p0 s8  }
.LBB2_15:
0x10b: {  	s8 =	smov.u32 s6;
	p0 =	sne.s32 s6, $0xFFFFFFFF  }
0x10c: {  	s0 =	sadd.s32 $0x1, s0;
	s6 =	smov.u32 s7;
	s7 =	sadd.s32 $0x1, s7  }
0x10d: {  	p1 =	sne.s32 s2, s7;
	v1 =	vld.msk @!p0 [tilespmem:s0+$0x0], $0x1;
	_ =	sdelay $0x4  }
0x10e: {  	(v2sf) =	vpush @!p0 v1, $0x0;
	_ =	sdelay $0xe  }
.Ltmp12:
0x10f: {  	s9 =	spop @!p0 (v2sf);
	(pc) =	sbr.rel @p1 .LBB2_15-.Ltmp12, $4  }
0x110: {  	p2 =	seq.s32 @!p0 s5, s9  }
0x111: {  	p2 =	por !p2, p0  }
0x112: {  	s6 =	simm.s32 @p2 $0xFFFFFFFF  }
0x113: {  	s6 =	smov.u32 @p0 s8  }
.LBB2_16:
0x114: {  	p0 =	sne.s32 s6, $0xFFFFFFFF  }
.Ltmp13:
0x115: {  	_ = 	snop;
	(pc) =	sbr.rel @!p0 .LBB2_17-.Ltmp13, $1  }
0x116: {  	_ =	sdelay $0x3  }
0x117: {  	v0 =	vld.msk [tilespmem:s4+$0xE0], $0x1;
	v1 =	vmov s6  }
.Ltmp14:
0x118: {  	_ = 	snop;
	(pc) =	sbr.rel .LBB2_19-.Ltmp14, $2  }
0x119: {  	_ =	sdelay $0x2  }
0x11a: {  	[tilespmem:v1+s3+$0x0], v0 =	vst.idx.ret.add.f32.msk $0x1, v0  }
.LBB2_20:
0x11b: {  	p0 =	slt.s32 s2, $0x1  }
.Ltmp15:
0x11c: {  	_ = 	snop;
	(pc) =	sbr.rel @p0 .LBB2_24-.Ltmp15, $3  }
0x11d: {  	_ =	sdelay $0x1  }
0x11e: {  	s0 =	simm.s32 $0x6  }
0x11f: {  	s3 =	simm.s32 $0x0;
	[sflag:s0] =	ssyncpa.u1 $0x1  }
0x120: {  	s0 =	simm.s32 $0xC0  }
0x121: {  	v0 =	vld.msk [tilespmem:s0+$0x0], $0x1;
	_ =	sdelay $0x4  }
0x122: {  	(v2sf) =	vpush v0, $0x0;
	_ =	sdelay $0xe  }
0x123: {  	s2 =	sadd.s32 $0xFFFFFFFF, s2;
	s4 =	spop (v2sf)  }
0x124: {  	p1 =	sne.s32 s2, $0x0;
	p0 =	sgt.u32 s4, $0x27FF  }
.Ltmp16:
0x125: {  	s5 =	sshrl.u32 @!p0 s4, $0x3;
	(pc) =	sbr.rel @!p1 .LBB2_23-.Ltmp16, $4  }
0x126: {  	s0 =	simm.s32 $0xE0;
	s4 =	sand.u32 @!p0 $0x7, s4;
	s5 =	sadd.s32 @!p0 s1, s5  }
0x127: {  	[hbm4b:s5+s4] =	stream.linear.scatter @!p0 [tilespmem:s0], [sflag:$0x5], $0x1, $0x38;
	[tilespmem:$0xD410] =	vst v63  }
0x128: {  	s5 =	simm.s32 $0x0  }
0x129: {  	s4 =	simm.s32 $0xC1;
	s5 =	simm.s32 @!p0 $0x4  }
.LBB2_22:
0x12a: {  	v0 =	vld.msk [tilespmem:s4+$0x0], $0x1;
	s2 =	sadd.s32 $0xFFFFFFFF, s2;
	s3 =	sadd.s32 s3, s5  }
0x12b: {  	p0 =	sne.s32 s2, $0x0;
	_ =	sdelay $0x3  }
0x12c: {  	(v2sf) =	vpush v0, $0x0;
	_ =	sdelay $0xe  }
.Ltmp17:
0x12d: {  	s6 =	spop (v2sf);
	(pc) =	sbr.rel @p0 .LBB2_22-.Ltmp17, $4  }
0x12e: {  	s5 =	simm.s32 $0x0;
	p1 =	sgt.u32 s6, $0x27FF  }
0x12f: {  	s0 =	sadd.s32 $0x1, s0;
	s5 =	simm.s32 @!p1 $0x4;
	s7 =	sshrl.u32 @!p1 s6, $0x3  }
0x130: {  	s4 =	sadd.s32 $0x1, s4;
	s6 =	sand.u32 @!p1 $0x7, s6;
	s7 =	sadd.s32 @!p1 s1, s7  }
0x131: {  	[hbm4b:s7+s6] =	stream.linear.scatter @!p1 [tilespmem:s0], [sflag:$0x5], $0x1, $0x38;
	[tilespmem:$0xD410] =	vst v63  }
.LBB2_23:
0x132: {  	s0 =	sadd.s32 s3, s5  }
0x133: {  	s3 =	sshrl.u32 s0, $0x2  }
.LBB2_24:
0x134: {  	s0 =	simm.s32 $0x5  }
0x135: {  	_ =	swait.ge [sflag:s0], s3  }
0x136: {  	s1 =	ssub.s32 $0x0, s3;
	[sflag:s0] =	ssyncset.done $0x0  }
0x137: {  	[sflag:s0] =	ssyncadd.s32 s1  }
0x138: {  	[sflag:s0] =	ssyncpa.u1 $0x1  }
0x139: {  	s29 =	simm.s32 $0x1;
	_ =	sfence  }
0x13a: {  	s30 =	simm.s32 $0x2;
	[sflag:s29] =	ssyncpa.u1 $0x1  }
0x13b: {  	[sflag:s30] =	ssyncpa.u1 $0x1  }
0x13c: {  	_ =	strace $0x90000047  }
0x13d: {  	[bflag:$0x2] =	sbarrier.arrive $0xFFFF  }
0x13e: {  	s31 =	rddreg [dreg:$0x1]  }
0x13f: {  	s0 =	sadd.s32 $0x100000, s31  }
0x140: {  	[sflag:s0] =	ssyncadd.tile.s32 $0x1;
	_ =	shalt  }
.Lfunc_end2:
_tile_overlayer_lowered:
.L_overlay_start_2:
0x141: {  	(tag) =	ssettag $0x2  }
0x142: {  	s0 =	rddreg [dreg:$0x0];
	s2 =	stileid.u32  }
0x143: {  	s1 =	rddreg [dreg:$0x1];
	p0 =	sne.s32 s2, $0x0  }
0x144: {  	s3 =	rddreg [dreg:$0x2];
	[bflag:$0x3] =	sbarrier.arrive $0xFFFF;
	s2 =	simm.s32 @!p0 $0x1C01  }
0x145: {  	[timem:s3], [sflag:s2] =	dma.local @!p0 [hbm:s0], s1  }
0x146: {  	s0 =	simm.s32 @!p0 $0x1  }
0x147: {  	_ =	swait.ge @!p0 [sflag:s0], s1  }
0x148: {  	s1 =	ssub.s32 @!p0 $0x0, s1;
	[sflag:s0] =	ssyncset.done @!p0 $0x0  }
0x149: {  	[sflag:s0] =	ssyncadd.s32 @!p0 s1  }
0x14a: {  	[bflag:$0x3] =	sbarrier.arrive $0xFFFF  }
0x14b: {  	_ =	shalt  }

// kernel: sparse-core-data-format-call.cloned.1.call-start
scs
called_computation.2_lowered:
.L_overlay_start_0:
0x0: {  	s2 =	sld [smem:$0x3FD9]  }
0x1: {  	s3 =	sld [smem:$0x3FFE];
	_ =	sdelay $0x1  }
0x2: {  	s1 =	srdreg.scid  }
0x3: {  	s0 =	sand.u32 $0x1, s1  }
0x4: {  	s16 =	sshll.u32 s0, $0xA;
	s2 =	sadd.s32 s3, s2  }
0x5: {  	s2 =	sadd.s32 s2, s16  }
0x6: {  	[smem:$0x3FC3] =	sst s2  }
0x7: {  	_ = 	snop  }
0x8: {  	s2 =	sld [smem:$0x3FD0];
	_ =	sdelay $0x2  }
0x9: {  	s17 =	simm.s32 $0xB;
	s4 =	simm.s32 $0x10  }
0xa: {  	[smem:s4], [sflag:s17] =	dma.local [hbm:s2], $0x1  }
0xb: {  	_ =	swait.eq [sflag:s17], $0x1  }
0xc: {  	[sflag:s17] =	ssyncset.done $0x0  }
0xd: {  	[sflag:s17] =	ssyncadd.s32 $0xFFFFFFFF  }
0xe: {  	s18 =	sld [smem:$0x12];
	(tm) =	ssettm $0x1  }
0xf: {  	s19 =	sld [smem:$0x3FFB];
	_ =	sdelay $0x3  }
0x10: {  	_ =	strace s19  }
0x11: {  	s2 =	sld [smem:$0x3FFC];
	_ =	sdelay $0x3  }
0x12: {  	_ =	strace s2  }
0x13: {  	s2 =	sld [smem:$0x3FFD];
	_ =	sdelay $0x3  }
0x14: {  	_ =	strace s2  }
0x15: {  	_ =	strace $0x8FFFFFFF  }
0x16: {  	s20 =	sld [smem:$0x3FDB];
	_ =	sdelay $0x1  }
0x17: {  	s21 =	simm.s32 $_scs_section_size  }
0x18: {  	s5 =	simm.s32 $_size__tile_overlayer_lowered;
	s6 =	simm.s32 $_tile_overlayer_lowered  }
0x19: {  	s7 =	simm.s32 $0x1BFF;
	s22 =	sshll.u32 s6, $0x1;
	s4 =	sadd.s32 s21, s20  }
0x1a: {  	s23 =	simm.s32 $0x0;
	s5 =	sshll.u32 s5, $0x1;
	s6 =	sadd.s32 s22, s4  }
0x1b: {  	[timem:s23], [sflag:s7] =	dma.local [hbm:s6], s5  }
0x1c: {  	_ =	swait.ge [sflag:s7], s5  }
0x1d: {  	s5 =	ssub.s32 $0x0, s5;
	[sflag:s7] =	ssyncset.done $0x0  }
0x1e: {  	[sflag:s7] =	ssyncadd.s32 s5;
	_ =	sdelay $0x1  }
0x1f: {  	s24 =	simm.s32 $0x1B8B  }
0x20: {  	_ =	swait.ge [sflag:s24], $0x1  }
0x21: {  	[sflag:s24] =	ssyncset.done $0x0  }
0x22: {  	[sflag:s24] =	ssyncadd.s32 $0xFFFFFFFF  }
0x23: {  	s5 =	sld [smem:$0x0]  }
0x24: {  	s6 =	sand.u32 $0xFFFFFFFE, s1  }
0x25: {  	p0 =	sne.s32 s1, s6  }
0x26: {  	s6 =	sshll.u32 @p0 s6, $0xE  }
0x27: {  	s6 =	sadd.s32 @p0 $0x11B8D, s6;
	s7 =	sshll.u32 @p0 s5, $0x11  }
0x28: {  	s6 =	sor.u32 @p0 s7, s6  }
0x29: {  	[sflag:s6] =	ssyncadd.remote.s32 @p0 $0x1;
	_ =	sdelay $0x1  }
0x2a: {  	s6 =	simm.s32 @p0 $0x1B8D  }
0x2b: {  	_ =	swait.eq @p0 [sflag:s6], $0x1  }
0x2c: {  	[sflag:s6] =	ssyncadd.s32 @p0 $0xFFFFFFFF  }
0x2d: {  	s7 =	sshll.u32 @!p0 s1, $0xE  }
0x2e: {  	s7 =	sor.u32 @!p0 $0x4000, s7;
	s6 =	simm.s32 @!p0 $0x1B8D  }
0x2f: {  	s5 =	sshll.u32 @!p0 s5, $0x11;
	s7 =	sadd.s32 @!p0 $0x11B8D, s7;
	_ =	swait.eq @!p0 [sflag:s6], $0x1  }
0x30: {  	s5 =	sor.u32 @!p0 s5, s7;
	[sflag:s6] =	ssyncadd.s32 @!p0 $0xFFFFFFFF  }
0x31: {  	s26 =	simm.s32 $0x1B8E;
	s25 =	sld [smem:$0x3FFE];
	[sflag:s5] =	ssyncadd.remote.s32 @!p0 $0x1  }
0x32: {  	s27 =	simm.s32 $execute0_lowered;
	[smem:$0x3FD2] =	sst s26  }
0x33: {  	s6 =	sshll.u32 s27, $0x1;
	_ =	strace $0x8000004F;
	[dreg:$0x1] =	wrdreg $0xFFFFFFFF  }
0x34: {  	s28 =	simm.s32 $_size_execute0_lowered;
	s4 =	sadd.s32 s4, s6;
	[dreg:$0x0] =	wrdreg $0x0  }
0x35: {  	s6 =	sshll.u32 s28, $0x1;
	[dreg:$0x2] =	wrdreg s4  }
0x36: {  	[dreg:$0x3] =	wrdreg s6  }
0x37: {  	[dreg:$0x4] =	wrdreg $0xC0  }
0x38: {  	_ =	task [dreg:s23], $0x5FFFF  }
0x39: {  	[dreg:$0x1] =	wrdreg $0xFFFFFFFF  }
0x3a: {  	[dreg:$0x0] =	wrdreg $0x60  }
0x3b: {  	[dreg:$0x2] =	wrdreg s25  }
0x3c: {  	[dreg:$0x3] =	wrdreg s18  }
0x3d: {  	[dreg:$0x4] =	wrdreg $0x9  }
0x3e: {  	_ =	task.clear_ibuf [dreg:s23], $0x5FFFF;
	_ =	strace $0x9000004F  }
0x3f: {  	s29 =	simm.s32 $0x9;
	_ =	strace $0x80000051  }
0x40: {  	_ =	swait.ge [sflag:s29], $0x1  }
0x41: {  	[sflag:s29] =	ssyncadd.s32 $0xFFFFFFFF  }
0x42: {  	_ =	strace $0x90000051  }
0x43: {  	_ =	sfence  }
0x44: {  	s30 =	sld [smem:$0x0];
	_ =	sdelay $0x2  }
0x45: {  	s31 =	sshll.u32 s1, $0xD;
	s1 =	sshrl.u32 s1, $0x2  }
0x46: {  	s4 =	sand.u32 $0x4000, s31;
	s1 =	sadd.s32 s1, s30  }
0x47: {  	s0 =	sor.u32 s4, s0;
	s1 =	sshll.u32 s1, $0x11  }
0x48: {  	s0 =	sor.u32 s1, s0  }
0x49: {  	s0 =	sadd.s32 $0x8F2B, s0  }
0x4a: {  	[sflag:s0] =	ssyncadd.remote.s32 $0x1  }
0x4b: {  	_ =	sfence.sel $0xFFFF  }
0x4c: {  	[dreg:$0x0] =	wrdreg $0xFFFFFFFF;
	(pc) =	sbr.abs _section_cstart, $3  }
0x4d: {  	[dreg:$0x1] =	wrdreg $0xFFFFFFFF  }
0x4e: {  	_ =	task.clear_ibuf [dreg:s23], $0x2FFFF;
	_ =	strace $0x9FFFFFFF  }
0x4f: {  	(tm) =	ssettm $0x7FFFFFFF  }
tec
execute0_lowered:
.L_overlay_start_1:
0x0: {  	(tag) =	ssettag $0x1  }
0x1: {  	s0 =	srdreg.scid  }
0x2: {  	s0 =	sshll.u32 s0, $0x4  }
0x3: {  	s2 =	stileid.u32;
	s0 =	sand.u32 $0x10, s0  }
0x4: {  	s0 =	sor.u32 s2, s0  }
0x5: {  	s12 =	sshll.u32 s0, $0x7  }
0x6: {  	s1 =	rddreg [dreg:$0x0];
	s0 =	ssub.s32 $0x2700, s12  }
0x7: {  	_ =	strace $0x80000050;
	s29 =	simm.s32 $0x1;
	s0 =	sshrl.u32 s0, $0xC  }
0x8: {  	s30 =	simm.s32 $0x2;
	s14 =	simm.s32 $0x0;
	s0 =	smul.u32 $0x14, s0  }
.Ltmp0:
0x9: {  	s9 =	simm.s32 $0x0;
	s1 =	sadd.s32 $0x327200, s1;
	(pc) =	sbr.rel .LBB1_1-.Ltmp0, $4  }
0xa: {  	s8 =	simm.s32 $0x0;
	s11 =	simm.s32 $0x0;
	[dreg:$0x4] =	wrdreg s1  }
0xb: {  	s10 =	simm.s32 $0x0;
	[dreg:$0x3] =	wrdreg s12;
	s31 =	sadd.s32 $0x14, s0  }
0xc: {  	[sflag:s29] =	ssyncpa.u1 $0x0;
	s7 =	sadd.s32 $0x15, s0;
	[dreg:$0x5] =	wrdreg s31  }
0xd: {  	s13 =	simm.s32 $0x0;
	[sflag:s30] =	ssyncpa.u1 $0x0;
	[dreg:$0x6] =	wrdreg s7  }
.LBB1_12:
0xe: {  	s8 =	rddreg [dreg:$0x7]  }
0xf: {  	s1 =	sshll.u32 s11, $0x3;
	s25 =	sand.u32 $0x7F, s11;
	s5 =	rddreg [dreg:$0xb]  }
0x10: {  	p1 =	sgt.s32 s11, $0x2700;
	s26 =	rddreg [dreg:$0xa];
	s0 =	sshrl.u32 s8, $0x3  }
0x11: {  	s4 =	smov.u32 s11;
	s30 =	rddreg [dreg:$0x1];
	s0 =	smul.u32 $0x13C00, s0  }
0x12: {  	s31 =	simm.s32 $0x13C00;
	s1 =	sand.u32 $0xFFFFFC00, s1;
	s2 =	sshll.u32 s8, $0x7  }
0x13: {  	s9 =	rddreg [dreg:$0x8];
	s24 =	sand.u32 $0x380, s2;
	s0 =	sadd.s32 s1, s0  }
0x14: {  	p0 =	sgt.s32 s8, $0x948;
	s3 =	smov.u32 s8;
	s0 =	sor.u32 s24, s0  }
0x15: {  	s4 =	simm.s32 @!p1 $0x2700;
	s1 =	sor.u32 s25, s0;
	s0 =	smulhi.u32 $0xCF6474A9, s0  }
0x16: {  	s3 =	simm.s32 @!p0 $0x948;
	s4 =	sadd.s32 s26, s4;
	s2 =	smulhi.u32 $0xCF6474A9, s1  }
0x17: {  	s3 =	sadd.s32 s5, s3;
	s7 =	sadd.s32 $0xFFFFD900, s4;
	s0 =	sshrl.u32 s0, $0xD  }
0x18: {  	s4 =	ssub.s32 $0x2780, s4;
	s2 =	sshrl.u32 s2, $0xD;
	s27 =	smulhi.u32 $0x1A2C2B, s0  }
0x19: {  	s6 =	sadd.s32 $0xFFFFF6B8, s3;
	p1 =	sgt.s32 s7, $0x7F;
	s2 =	smul.u32 $0x2780, s2  }
0x1a: {  	s3 =	ssub.s32 $0x9C8, s3;
	p0 =	sgt.s32 s6, $0x7F;
	s5 =	smul.u32 $0x9C8, s27  }
0x1b: {  	s14 =	rddreg [dreg:$0x9];
	s4 =	simm.s32 @p1 $0x0;
	s3 =	simm.s32 @p0 $0x0  }
0x1c: {  	s28 =	smul.u32 s4, s3;
	s1 =	ssub.s32 s1, s2;
	s0 =	ssub.s32 s0, s5  }
0x1d: {  	s29 =	sshrl.u32 s1, $0x3;
	s1 =	sand.u32 $0x7, s1;
	s0 =	smul.u32 $0x4F0, s0  }
0x1e: {  	s7 =	rddreg [dreg:$0x6];
	s3 =	sadd.s32 s30, s29;
	s1 =	sshll.u32 s1, $0x12  }
0x1f: {  	s2 =	sand.u32 $0x3FFFFFFF, s28;
	s1 =	sor.u32 $0x400, s1;
	s0 =	sadd.s32 s0, s3  }
0x20: {  	[hbm4b:s0+s1] =	stream.strided.scatter [tilespmem:s18], [sflag:$0x2], s2, s31, s1, $0x20;
	[tilespmem:$0x10100] =	vst v63  }
.LBB1_13:
0x21: {  	p0 =	slt.u32 s13, $0x2  }
0x22: {  	s1 =	smov.u32 s14;
	s2 =	smov.u32 s9;
	p1 =	sgt.s32 @!p0 s14, $0x948  }
0x23: {  	s0 =	sshra.s32 @!p0 s14, $0x1F;
	p2 =	sgt.s32 @!p0 s9, $0x2700;
	s3 =	sshra.s32 @!p0 s9, $0x1F  }
0x24: {  	p1 =	por !p1, p0;
	s0 =	sand.u32 @!p0 s0, s14;
	p2 =	por !p2, p0  }
0x25: {  	s3 =	sand.u32 @!p0 s3, s9;
	s1 =	simm.s32 @p1 $0x948;
	s2 =	simm.s32 @p2 $0x2700  }
0x26: {  	s0 =	ssub.s32 @!p0 s1, s0;
	s1 =	ssub.s32 @!p0 s2, s3  }
0x27: {  	s2 =	sadd.s32 @!p0 $0xFFFFF6B8, s0;
	s3 =	sadd.s32 @!p0 $0xFFFFD900, s1  }
0x28: {  	s0 =	ssub.s32 @!p0 $0x9C8, s0;
	p1 =	sgt.s32 @!p0 s2, $0x7F;
	p2 =	sgt.s32 @!p0 s3, $0x7F  }
0x29: {  	s1 =	ssub.s32 @!p0 $0x2780, s1;
	p1 =	por !p1, p0;
	p2 =	por !p2, p0  }
0x2a: {  	s0 =	simm.s32 @!p1 $0x0;
	s1 =	simm.s32 @!p2 $0x0  }
0x2b: {  	s0 =	smul.u32 @!p0 s1, s0  }
0x2c: {  	s4 =	smov.u32 s12;
	s2 =	simm.s32 @!p0 $0x2;
	s1 =	sadd.s32 $0x80, s10  }
0x2d: {  	s3 =	sadd.s32 $0x1000, s12;
	p1 =	sgt.s32 s1, $0x9C3;
	s0 =	sand.u32 @!p0 $0x3FFFFFFF, s0  }
0x2e: {  	s4 =	smov.u32 @p1 s3;
	_ =	swait.ge @!p0 [sflag:s2], s0  }
0x2f: {  	s1 =	simm.s32 @p1 $0x0;
	p1 =	sgt.s32 s4, $0x270F;
	s3 =	rddreg [dreg:$0x3]  }
0x30: {  	s4 =	smov.u32 @p1 s3;
	p1 =	sne.s32 s13, s7  }
.Ltmp1:
0x31: {  	_ = 	snop;
	(pc) =	sbr.rel @!p1 .LBB1_14-.Ltmp1, $4  }
0x32: {  	s14 =	smov.u32 s8  }
0x33: {  	s9 =	smov.u32 s11;
	s8 =	smov.u32 s10;
	s11 =	smov.u32 s12  }
0x34: {  	s0 =	ssub.s32 @!p0 $0x0, s0;
	s10 =	smov.u32 s1;
	[sflag:s2] =	ssyncset.done @!p0 $0x0  }
0x35: {  	s13 =	sadd.s32 $0x1, s13;
	[sflag:s2] =	ssyncadd.s32 @!p0 s0;
	s12 =	smov.u32 s4  }
.LBB1_1:
0x36: {  	s0 =	rddreg [dreg:$0x5]  }
0x37: {  	s3 =	smov.u32 s12;
	p0 =	sge.u32 s13, s0  }
0x38: {  	s5 =	smov.u32 s10;
	s0 =	sshrl.u32 @!p0 s12, $0x3;
	s1 =	sshll.u32 @!p0 s10, $0x3  }
0x39: {  	s2 =	sshll.u32 @!p0 s12, $0x7;
	p1 =	sgt.s32 @!p0 s12, $0x2690;
	s0 =	smul.u32 @!p0 $0x5000, s0  }
0x3a: {  	s4 =	sshra.s32 @!p0 s12, $0x1F;
	s1 =	sand.u32 @!p0 $0xFFFFFC00, s1;
	p1 =	por !p1, p0  }
0x3b: {  	s3 =	simm.s32 @p1 $0x2690;
	s0 =	sadd.s32 @!p0 s0, s1;
	s1 =	sand.u32 @!p0 $0x380, s2  }
0x3c: {  	p1 =	sgt.s32 @!p0 s10, $0x980;
	s2 =	sand.u32 @!p0 $0x7F, s10;
	s0 =	sor.u32 @!p0 s1, s0  }
0x3d: {  	s6 =	sshra.s32 @!p0 s10, $0x1F;
	p1 =	por !p1, p0;
	s1 =	sor.u32 @!p0 s2, s0  }
0x3e: {  	s6 =	sand.u32 @!p0 s6, s10;
	s5 =	simm.s32 @p1 $0x980;
	s2 =	smulhi.u32 @!p0 $0xCCCCCCCD, s1  }
0x3f: {  	s4 =	sand.u32 @!p0 s4, s12;
	s0 =	smulhi.u32 @!p0 $0xCCCCCCCD, s0;
	s5 =	ssub.s32 @!p0 s5, s6  }
0x40: {  	s3 =	ssub.s32 @!p0 s3, s4;
	s6 =	sadd.s32 @!p0 $0xFFFFF680, s5;
	s2 =	sshrl.u32 @!p0 s2, $0xB  }
0x41: {  	s0 =	sshrl.u32 @!p0 s0, $0xB;
	p2 =	sgt.s32 @!p0 s6, $0x7F;
	s2 =	smul.u32 @!p0 $0xA00, s2  }
0x42: {  	s5 =	ssub.s32 @!p0 $0xA00, s5;
	s4 =	smulhi.u32 @!p0 $0x1A36E3, s0;
	p2 =	por !p2, p0  }
0x43: {  	s1 =	ssub.s32 @!p0 s1, s2;
	s2 =	sadd.s32 @!p0 $0xFFFFD970, s3;
	s3 =	ssub.s32 @!p0 $0x2710, s3  }
0x44: {  	p1 =	sgt.s32 @!p0 s2, $0x7F;
	s2 =	sshrl.u32 @!p0 s4, $0x2;
	s4 =	sxor.u32 @!p0 $0xFFFFFFFF, s13  }
0x45: {  	s2 =	smul.u32 @!p0 $0x2710, s2;
	p1 =	por !p1, p0;
	s4 =	sshll.u32 @!p0 s4, $0xE  }
0x46: {  	s5 =	simm.s32 @!p2 $0x0;
	s3 =	simm.s32 @!p1 $0x0;
	s4 =	sand.u32 @!p0 $0x4000, s4  }
0x47: {  	s0 =	ssub.s32 @!p0 s0, s2;
	s2 =	smul.u32 @!p0 s3, s5;
	s3 =	sshrl.u32 @!p0 s1, $0x3  }
0x48: {  	s1 =	sand.u32 @!p0 $0x7, s1;
	s5 =	rddreg [dreg:$0x4];
	s0 =	smul.u32 @!p0 $0x140, s0  }
0x49: {  	s3 =	sadd.s32 @!p0 s5, s3;
	s1 =	sshll.u32 @!p0 s1, $0x12;
	s2 =	sand.u32 @!p0 $0x3FFFFFFF, s2  }
0x4a: {  	s1 =	sor.u32 @!p0 $0x400, s1;
	s0 =	sadd.s32 @!p0 s0, s3;
	s3 =	simm.s32 @!p0 $0x5000  }
0x4b: {  	[tilespmem:s4], [sflag:$0x1] =	stream.strided.gather @!p0 [hbm4b:s0+s1], s2, s3, s1, $0x38;
	[tilespmem:$0x10100] =	vst v63  }
0x4c: {  	p0 =	seq.s32 s13, $0x0  }
0x4d: {  	p1 =	sge.u32 @!p0 s13, s7  }
0x4e: {  	p0 =	por p0, p1  }
.Ltmp2:
0x4f: {  	_ = 	snop;
	(pc) =	sbr.rel @p0 .LBB1_13-.Ltmp2, $1  }
0x50: {  	_ =	sdelay $0x3  }
0x51: {  	s0 =	ssub.s32 $0x0, s11;
	s1 =	sshra.s32 s11, $0x1F;
	p0 =	sgt.s32 s11, $0x2690  }
0x52: {  	s2 =	smov.u32 s11;
	s25 =	ssub.s32 $0x0, s8;
	s26 =	sshra.s32 s8, $0x1F  }
0x53: {  	s3 =	smov.u32 s8;
	s2 =	simm.s32 @!p0 $0x2690;
	p0 =	sgt.s32 s8, $0x980  }
0x54: {  	s4 =	sand.u32 s0, s1;
	s1 =	sand.u32 s25, s26;
	s3 =	simm.s32 @!p0 $0x980  }
0x55: {  	s2 =	sadd.s32 s4, s2;
	[dreg:$0xb] =	wrdreg s1;
	s1 =	sadd.s32 s1, s3  }
0x56: {  	s27 =	sadd.s32 $0xFFFFD970, s2;
	s2 =	ssub.s32 $0x2710, s2;
	s28 =	sadd.s32 $0xFFFFF680, s1  }
0x57: {  	p0 =	sgt.s32 s27, $0x7F;
	s0 =	ssub.s32 $0xA00, s1;
	p1 =	sgt.s32 s28, $0x7F  }
0x58: {  	s2 =	simm.s32 @p0 $0x0;
	s0 =	simm.s32 @p1 $0x0  }
0x59: {  	s29 =	smul.u32 s2, s0;
	s2 =	sadd.s32 $0x80, s11  }
0x5a: {  	p0 =	slt.s32 s2, $0x2710  }
0x5b: {  	s2 =	simm.s32 @!p0 $0x2710  }
0x5c: {  	[dreg:$0x9] =	wrdreg s14;
	s19 =	ssub.s32 s2, s11  }
0x5d: {  	[dreg:$0x8] =	wrdreg s9;
	p0 =	slt.s32 s19, $0x1  }
.Ltmp3:
0x5e: {  	[dreg:$0x7] =	wrdreg s8;
	s30 =	simm.s32 $0x1;
	(pc) =	sbr.rel @p0 .LBB1_12-.Ltmp3, $4  }
0x5f: {  	[dreg:$0xa] =	wrdreg s4;
	s0 =	sand.u32 $0x1, s13;
	s1 =	sand.u32 $0x3FFFFFFF, s29  }
0x60: {  	s31 =	smul.u32 $0x4080, s0;
	_ =	swait.ge [sflag:s30], s1  }
0x61: {  	s1 =	ssub.s32 $0x0, s1;
	[sflag:s30] =	ssyncset.done $0x0  }
0x62: {  	s18 =	sor.u32 $0x8000, s31;
	[sflag:s30] =	ssyncadd.s32 s1  }
0x63: {  	s2 =	rddreg [dreg:$0x7]  }
0x64: {  	s1 =	sadd.s32 $0x80, s2  }
0x65: {  	p0 =	slt.s32 s1, $0x9C4  }
.Ltmp4:
0x66: {  	s1 =	simm.s32 @!p0 $0x9C4;
	(pc) =	sbr.rel .LBB1_4-.Ltmp4, $4  }
0x67: {  	s22 =	sshll.u32 s0, $0xE;
	s1 =	ssub.s32 s1, s2  }
0x68: {  	s24 =	simm.s32 $0x0;
	s25 =	simm.s32 $0x400;
	s1 =	sadd.s32 $0xF, s1  }
0x69: {  	s20 =	sand.u32 $0xFFFFFFF0, s1;
	s21 =	sand.u32 $0xFFFFFF00, s1;
	s31 =	sshll.u32 s1, $0x3  }
0x6a: {  	p0 =	slt.s32 s1, $0x100;
	s23 =	sand.u32 $0xFFFFF800, s31;
	p1 =	sge.s32 s21, s20  }
.LBB1_11:
0x6b: {  	s24 =	sadd.s32 $0x1, s24  }
0x6c: {  	p2 =	sne.s32 s24, s19  }
.Ltmp5:
0x6d: {  	_ = 	snop;
	(pc) =	sbr.rel @!p2 .LBB1_12-.Ltmp5, $2  }
0x6e: {  	_ =	sdelay $0x2  }
0x6f: {  	s25 =	sadd.s32 $0x80, s25  }
.LBB1_4:
.Ltmp6:
0x70: {  	(pc) =	sbr.rel @p0 .LBB1_8-.Ltmp6, $2  }
0x71: {  	_ =	sdelay $0x2  }
0x72: {  	s26 =	sshll.u32 s24, $0x7;
	s27 =	sand.u32 $0x7F, s24  }
0x73: {  	s0 =	sshll.u32 s24, $0x3  }
0x74: {  	s5 =	sand.u32 $0x380, s26;
	s3 =	sshrl.u32 s0, $0x7;
	s2 =	sadd.s32 $0x800, s0  }
0x75: {  	s6 =	sadd.s32 $0x1000, s0;
	s17 =	sadd.s32 s5, s22;
	s16 =	sadd.s32 $0x1800, s0  }
0x76: {  	s9 =	sadd.s32 $0x2800, s0;
	s1 =	sand.u32 $0x78, s3;
	s2 =	sshrl.u32 s2, $0x7  }
0x77: {  	s15 =	sshrl.u32 s6, $0x7;
	s6 =	sshrl.u32 s16, $0x7;
	s14 =	sshrl.u32 s9, $0x7  }
0x78: {  	s16 =	sadd.s32 $0x3000, s0;
	s4 =	smul.u32 $0x204, s1;
	s2 =	sand.u32 $0x78, s2  }
0x79: {  	s0 =	sadd.s32 $0x3800, s0;
	s5 =	sand.u32 $0x78, s15;
	s2 =	smul.u32 $0x204, s2  }
0x7a: {  	v0 =	vmov s17;
	s17 =	sand.u32 $0x3C00, s25;
	s1 =	sxor.u32 $0x40, s1;
	s5 =	smul.u32 $0x204, s5  }
0x7b: {  	s7 =	sand.u32 $0x78, s6;
	s1 =	smul.u32 $0x204, s1;
	s4 =	sshrl.u32 s4, $0x2  }
0x7c: {  	s4 =	sadd.s32 s4, s18;
	s2 =	sshrl.u32 s2, $0x2;
	s8 =	sshrl.u32 s5, $0x2  }
0x7d: {  	s1 =	sshrl.u32 s1, $0x2;
	s2 =	sadd.s32 s2, s18;
	s28 =	sadd.s32 s27, s4  }
0x7e: {  	s4 =	sadd.s32 s8, s18;
	s15 =	sadd.s32 s1, s18;
	s8 =	sshrl.u32 s0, $0x7  }
0x7f: {  	s29 =	sadd.s32 s27, s2;
	s2 =	smul.u32 $0x204, s7;
	s30 =	sadd.s32 s27, s4  }
0x80: {  	s4 =	sand.u32 $0x78, s14;
	s31 =	sadd.s32 s27, s15;
	s7 =	sshrl.u32 s16, $0x7  }
0x81: {  	s9 =	sand.u32 $0x78, s8;
	s14 =	sadd.s32 $0x10, s3;
	s15 =	sadd.s32 $0x20, s3  }
0x82: {  	s4 =	smul.u32 $0x204, s4;
	s5 =	sand.u32 $0x78, s14;
	s6 =	sand.u32 $0x78, s15  }
0x83: {  	s14 =	sadd.s32 $0x60, s3;
	s2 =	sshrl.u32 s2, $0x2;
	s5 =	smul.u32 $0x204, s5  }
0x84: {  	s6 =	smul.u32 $0x204, s6;
	s14 =	sand.u32 $0x78, s14;
	s2 =	sadd.s32 s2, s18  }
0x85: {  	s4 =	sshrl.u32 s4, $0x2;
	s14 =	smul.u32 $0x204, s14;
	s1 =	sadd.s32 s27, s2  }
0x86: {  	s2 =	sand.u32 $0x78, s7;
	s4 =	sadd.s32 s4, s18;
	s5 =	sshrl.u32 s5, $0x2  }
0x87: {  	s7 =	sadd.s32 $0x30, s3;
	s0 =	sadd.s32 s27, s4;
	s4 =	smul.u32 $0x204, s9  }
0x88: {  	s16 =	sadd.s32 s5, s18;
	s5 =	sand.u32 $0x78, s7;
	s7 =	sadd.s32 $0x50, s3  }
0x89: {  	s6 =	sshrl.u32 s6, $0x2;
	s3 =	sadd.s32 $0x70, s3;
	s7 =	sand.u32 $0x78, s7  }
0x8a: {  	v1 =	vld.idx.msk [tilespmem:v0+s17+$0x0 ss:$0x1], $0xffff;
	s3 =	sand.u32 $0x78, s3;
	s4 =	sshrl.u32 s4, $0x2;
	s7 =	smul.u32 $0x204, s7  }
0x8b: {  	s14 =	sshrl.u32 s14, $0x2;
	s3 =	smul.u32 $0x204, s3;
	s4 =	sadd.s32 s4, s18  }
0x8c: {  	s15 =	sadd.s32 s6, s18;
	s14 =	sadd.s32 s14, s18;
	s8 =	sadd.s32 s27, s4  }
0x8d: {  	s4 =	sadd.s32 s27, s15;
	s7 =	sshrl.u32 s7, $0x2;
	s3 =	sshrl.u32 s3, $0x2  }
0x8e: {  	s15 =	sadd.s32 $0xFFFFFC00, s25;
	s7 =	sadd.s32 s7, s18;
	s9 =	sadd.s32 s3, s18  }
0x8f: {  	[tilespmem:s28+$0x0 ss:$0x81] =	vst.msk $0xffff, v1;
	v1 =	vld.idx.msk [tilespmem:v0+s17+$0x20 ss:$0x1], $0xffff;
	s3 =	sadd.s32 s27, s7;
	s7 =	sadd.s32 s27, s14;
	s14 =	sand.u32 $0x3C00, s15  }
0x90: {  	v2 =	vld.idx.msk [tilespmem:v0+s14+$0x70 ss:$0x1], $0xffff  }
0x91: {  	v3 =	vld.idx.msk [tilespmem:v0+s14+$0x0 ss:$0x1], $0xffff  }
0x92: {  	v4 =	vld.idx.msk [tilespmem:v0+s14+$0x10 ss:$0x1], $0xffff  }
0x93: {  	v5 =	vld.idx.msk [tilespmem:v0+s14+$0x20 ss:$0x1], $0xffff  }
0x94: {  	v6 =	vld.idx.msk [tilespmem:v0+s14+$0x30 ss:$0x1], $0xffff  }
0x95: {  	v7 =	vld.idx.msk [tilespmem:v0+s14+$0x40 ss:$0x1], $0xffff;
	[tilespmem:s8+$0x0 ss:$0x81] =	vst.msk $0xffff, v2  }
0x96: {  	s2 =	smul.u32 $0x204, s2;
	v8 =	vld.idx.msk [tilespmem:v0+s14+$0x50 ss:$0x1], $0xffff;
	[tilespmem:s28+$0x0 ss:$0x81] =	vst.msk $0xffff, v3  }
0x97: {  	p2 =	sgt.s32 s21, $0x100;
	s5 =	smul.u32 $0x204, s5;
	v9 =	vld.idx.msk [tilespmem:v0+s14+$0x60 ss:$0x1], $0xffff;
	[tilespmem:s29+$0x0 ss:$0x81] =	vst.msk $0xffff, v4  }
.Ltmp7:
0x98: {  	v4 =	vld.idx.msk [tilespmem:v0+s17+$0x10 ss:$0x1], $0xffff;
	[tilespmem:s30+$0x0 ss:$0x81] =	vst.msk $0xffff, v5;
	(pc) =	sbr.rel @!p2 .LBB1_7-.Ltmp7, $4  }
0x99: {  	s2 =	sshrl.u32 s2, $0x2;
	s5 =	sshrl.u32 s5, $0x2;
	[tilespmem:s1+$0x0 ss:$0x81] =	vst.msk $0xffff, v6;
	v2 =	vld.idx.msk [tilespmem:v0+s17+$0x30 ss:$0x1], $0xffff  }
0x9a: {  	s2 =	sadd.s32 s2, s18;
	s5 =	sadd.s32 s5, s18;
	[tilespmem:s31+$0x0 ss:$0x81] =	vst.msk $0xffff, v7;
	v3 =	vld.idx.msk [tilespmem:v0+s17+$0x40 ss:$0x1], $0xffff  }
0x9b: {  	s6 =	sadd.s32 s27, s16;
	s2 =	sadd.s32 s27, s2;
	s5 =	sadd.s32 s27, s5;
	[tilespmem:s0+$0x0 ss:$0x81] =	vst.msk $0xffff, v8;
	v5 =	vld.idx.msk [tilespmem:v0+s17+$0x50 ss:$0x1], $0xffff  }
0x9c: {  	s16 =	sadd.s32 s27, s9;
	s15 =	sadd.s32 $0x800, s25;
	s14 =	simm.s32 $0x100;
	[tilespmem:s2+$0x0 ss:$0x81] =	vst.msk $0xffff, v9;
	v6 =	vld.idx.msk [tilespmem:v0+s17+$0x60 ss:$0x1], $0xffff  }
.LBB1_6:
0x9d: {  	s9 =	sadd.s32 $0xFFFFFC00, s15;
	s14 =	sadd.s32 $0x100, s14;
	[tilespmem:s6+$0x0 ss:$0x81] =	vst.msk $0xffff, v4;
	v4 =	vld.idx.msk [tilespmem:v0+s17+$0x70 ss:$0x1], $0xffff;
	s17 =	sand.u32 $0x3C00, s15  }
0x9e: {  	s9 =	sand.u32 $0x3C00, s9;
	v7 =	vld.idx.msk [tilespmem:v0+s17+$0x0 ss:$0x1], $0xffff;
	p2 =	slt.s32 s14, s21;
	[tilespmem:s4+$0x0 ss:$0x81] =	vst.msk $0xffff, v1  }
0x9f: {  	v1 =	vld.idx.msk [tilespmem:v0+s9+$0x70 ss:$0x1], $0xffff;
	[tilespmem:s5+$0x0 ss:$0x81] =	vst.msk $0xffff, v2  }
0xa0: {  	v2 =	vld.idx.msk [tilespmem:v0+s9+$0x0 ss:$0x1], $0xffff;
	[tilespmem:s31+$0x0 ss:$0x81] =	vst.msk $0xffff, v3  }
0xa1: {  	v3 =	vld.idx.msk [tilespmem:v0+s9+$0x10 ss:$0x1], $0xffff;
	[tilespmem:s3+$0x0 ss:$0x81] =	vst.msk $0xffff, v5  }
0xa2: {  	v5 =	vld.idx.msk [tilespmem:v0+s9+$0x20 ss:$0x1], $0xffff;
	[tilespmem:s7+$0x0 ss:$0x81] =	vst.msk $0xffff, v6  }
0xa3: {  	v6 =	vld.idx.msk [tilespmem:v0+s9+$0x30 ss:$0x1], $0xffff;
	[tilespmem:s16+$0x0 ss:$0x81] =	vst.msk $0xffff, v4  }
0xa4: {  	v8 =	vld.idx.msk [tilespmem:v0+s9+$0x40 ss:$0x1], $0xffff;
	[tilespmem:s28+$0x0 ss:$0x81] =	vst.msk $0xffff, v7  }
0xa5: {  	v7 =	vld.idx.msk [tilespmem:v0+s9+$0x50 ss:$0x1], $0xffff;
	[tilespmem:s8+$0x0 ss:$0x81] =	vst.msk $0xffff, v1  }
0xa6: {  	[tilespmem:s28+$0x0 ss:$0x81] =	vst.msk $0xffff, v2;
	v9 =	vld.idx.msk [tilespmem:v0+s9+$0x60 ss:$0x1], $0xffff  }
0xa7: {  	[tilespmem:s29+$0x0 ss:$0x81] =	vst.msk $0xffff, v3;
	v4 =	vld.idx.msk [tilespmem:v0+s17+$0x10 ss:$0x1], $0xffff  }
.Ltmp8:
0xa8: {  	[tilespmem:s30+$0x0 ss:$0x81] =	vst.msk $0xffff, v5;
	v1 =	vld.idx.msk [tilespmem:v0+s17+$0x20 ss:$0x1], $0xffff;
	(pc) =	sbr.rel @p2 .LBB1_6-.Ltmp8, $4  }
0xa9: {  	[tilespmem:s1+$0x0 ss:$0x81] =	vst.msk $0xffff, v6;
	v2 =	vld.idx.msk [tilespmem:v0+s17+$0x30 ss:$0x1], $0xffff  }
0xaa: {  	[tilespmem:s31+$0x0 ss:$0x81] =	vst.msk $0xffff, v8;
	v3 =	vld.idx.msk [tilespmem:v0+s17+$0x40 ss:$0x1], $0xffff  }
0xab: {  	[tilespmem:s0+$0x0 ss:$0x81] =	vst.msk $0xffff, v7;
	v5 =	vld.idx.msk [tilespmem:v0+s17+$0x50 ss:$0x1], $0xffff  }
0xac: {  	s15 =	sadd.s32 $0x800, s15;
	[tilespmem:s2+$0x0 ss:$0x81] =	vst.msk $0xffff, v9;
	v6 =	vld.idx.msk [tilespmem:v0+s17+$0x60 ss:$0x1], $0xffff  }
.LBB1_7:
0xad: {  	_ =	sdelay $0x2  }
0xae: {  	[tilespmem:s6+$0x0 ss:$0x81] =	vst.msk $0xffff, v4  }
0xaf: {  	v0 =	vld.idx.msk [tilespmem:v0+s17+$0x70 ss:$0x1], $0xffff;
	[tilespmem:s4+$0x0 ss:$0x81] =	vst.msk $0xffff, v1  }
0xb0: {  	[tilespmem:s5+$0x0 ss:$0x81] =	vst.msk $0xffff, v2  }
0xb1: {  	[tilespmem:s31+$0x0 ss:$0x81] =	vst.msk $0xffff, v3  }
0xb2: {  	[tilespmem:s3+$0x0 ss:$0x81] =	vst.msk $0xffff, v5  }
0xb3: {  	[tilespmem:s7+$0x0 ss:$0x81] =	vst.msk $0xffff, v6  }
0xb4: {  	[tilespmem:s16+$0x0 ss:$0x81] =	vst.msk $0xffff, v0  }
.LBB1_8:
.Ltmp9:
0xb5: {  	(pc) =	sbr.rel @p1 .LBB1_11-.Ltmp9, $1  }
0xb6: {  	_ =	sdelay $0x3  }
0xb7: {  	s1 =	sand.u32 $0x380, s26;
	s0 =	sshrl.u32 s24, $0x4;
	s2 =	sadd.s32 s27, s18  }
0xb8: {  	s3 =	smov.u32 s23;
	s4 =	smov.u32 s21;
	s1 =	sadd.s32 s1, s22  }
.LBB1_10:
0xb9: {  	s5 =	sand.u32 $0x3C00, s3  }
0xba: {  	s5 =	sadd.s32 s26, s5  }
0xbb: {  	s5 =	sand.u32 $0x3C00, s5  }
0xbc: {  	s6 =	sand.u32 $0x70, s4;
	s30 =	sadd.s32 s4, s0;
	s5 =	sadd.s32 s5, s1  }
0xbd: {  	s4 =	sadd.s32 $0x10, s4;
	s31 =	sand.u32 $0x78, s30;
	s5 =	sadd.s32 s6, s5  }
0xbe: {  	p2 =	slt.s32 s4, s20;
	v0 =	vld [tilespmem:s5+$0x0];
	s5 =	smul.u32 $0x204, s31  }
.Ltmp10:
0xbf: {  	_ = 	snop;
	(pc) =	sbr.rel @p2 .LBB1_10-.Ltmp10, $4  }
0xc0: {  	_ = 	snop  }
0xc1: {  	s5 =	sshrl.u32 s5, $0x2  }
0xc2: {  	s5 =	sadd.s32 s5, s2  }
0xc3: {  	s3 =	sadd.s32 $0x80, s3;
	[tilespmem:s5+$0x0 ss:$0x81] =	vst.msk $0xffff, v0  }
.Ltmp11:
0xc4: {  	_ = 	snop;
	(pc) =	sbr.rel .LBB1_11-.Ltmp11, $1  }
0xc5: {  	_ =	sdelay $0x3  }
.LBB1_14:
0xc6: {  	_ =	sfence.sel $0x180000  }
0xc7: {  	s0 =	simm.s32 $0x1;
	[bflag:$0x0] =	sbarrier.arrive $0xFFFF  }
0xc8: {  	s30 =	simm.s32 $0x2;
	[sflag:s0] =	ssyncpa.u1 $0x1  }
0xc9: {  	[sflag:s30] =	ssyncpa.u1 $0x1  }
0xca: {  	_ =	strace $0x90000050  }
0xcb: {  	s31 =	stileid.u32;
	[bflag:$0x2] =	sbarrier.arrive $0xFFFF  }
0xcc: {  	p0 =	sne.s32 s31, $0x0;
	s0 =	rddreg [dreg:$0x2]  }
0xcd: {  	s0 =	sadd.s32 @!p0 $0x100000, s0  }
0xce: {  	[sflag:s0] =	ssyncadd.tile.s32 @!p0 $0x1;
	_ =	shalt  }
.Lfunc_end1:
_tile_overlayer_lowered:
.L_overlay_start_2:
0xcf: {  	(tag) =	ssettag $0x2  }
0xd0: {  	s0 =	rddreg [dreg:$0x0];
	s2 =	stileid.u32  }
0xd1: {  	s1 =	rddreg [dreg:$0x1];
	p0 =	sne.s32 s2, $0x0  }
0xd2: {  	s3 =	rddreg [dreg:$0x2];
	[bflag:$0x3] =	sbarrier.arrive $0xFFFF;
	s2 =	simm.s32 @!p0 $0x1C01  }
0xd3: {  	[timem:s3], [sflag:s2] =	dma.local @!p0 [hbm:s0], s1  }
0xd4: {  	s0 =	simm.s32 @!p0 $0x1  }
0xd5: {  	_ =	swait.ge @!p0 [sflag:s0], s1  }
0xd6: {  	s1 =	ssub.s32 @!p0 $0x0, s1;
	[sflag:s0] =	ssyncset.done @!p0 $0x0  }
0xd7: {  	[sflag:s0] =	ssyncadd.s32 @!p0 s1  }
0xd8: {  	[bflag:$0x3] =	sbarrier.arrive $0xFFFF  }
0xd9: {  	_ =	shalt  }

</sc_bundles>
